<compile_context>
chip_gen: v7x
topology: tpu7x:2x2x1
jax: 0.10.2.dev20260603
libtpu: 0.0.44.dev20260713+nightly
codegen_flags: <defaults>
</compile_context>

<pallas_src>
import functools

import jax
import jax.numpy as jnp
from jax import lax
from jax.experimental import pallas as pl
from jax.experimental.pallas import tpu as pltpu
from jax.experimental.pallas import tpu_sc as plsc

_VOCAB = 1_000_000
_D = 64
_PAD = 1
_B = 16384
_L = 200

_NC = 2
_NS = 16
_RPW = _B // _NS
_CR = 32
_NCHUNK = _RPW // _CR
_CT = _CR * _L

_VB = 25088
_VPAD = 40 * _VB


def _project_body(xt_ref, w_ref, t_ref, u_ref):
    xt = xt_ref[...]
    t_ref[...] = jnp.dot(w_ref[0:1, :], xt, preferred_element_type=jnp.float32)
    u_ref[...] = jnp.dot(w_ref[1:2, :], xt, preferred_element_type=jnp.float32)


def _project(table_t, w2t):
    return pl.pallas_call(
        _project_body,
        grid=(_VPAD // _VB,),
        in_specs=[
            pl.BlockSpec((_D, _VB), lambda i: (0, i)),
            pl.BlockSpec((2, _D), lambda i: (0, 0)),
        ],
        out_specs=[
            pl.BlockSpec((1, _VB), lambda i: (0, i)),
            pl.BlockSpec((1, _VB), lambda i: (0, i)),
        ],
        out_shape=[
            jax.ShapeDtypeStruct((1, _VPAD), jnp.float32),
            jax.ShapeDtypeStruct((1, _VPAD), jnp.float32),
        ],
    )(table_t, w2t)


_sc_mesh = plsc.VectorSubcoreMesh(
    core_axis_name="c", subcore_axis_name="s",
    num_cores=_NC, num_subcores=_NS)


@functools.partial(
    pl.kernel,
    out_type=jax.ShapeDtypeStruct((_NC, _B), jnp.float32),
    mesh=_sc_mesh,
    scratch_types=[
        pltpu.VMEM_SHARED((_VPAD,), jnp.float32),
        pltpu.VMEM((_CT + 16,), jnp.int32),
        pltpu.VMEM((_CT + 16,), jnp.int32),
        pltpu.VMEM((_CT + 16,), jnp.float32),
        pltpu.VMEM((_CT + 16,), jnp.float32),
        pltpu.VMEM((_RPW,), jnp.float32),
        pltpu.VMEM((16,), jnp.float32),
        pltpu.VMEM((_CR * 16,), jnp.float32),
        pltpu.VMEM((_CR * 16,), jnp.int32),
        pltpu.SemaphoreType.DMA,
        pltpu.SemaphoreType.DMA,
    ],
    compiler_params=pltpu.CompilerParams(needs_layout_passes=False),
)
def _sc_kernel(src_hbm, trg_hbm, t_hbm, u_hbm, b_hbm, out_hbm,
               spm, idx0, idx1, val0, val1, outbuf, bvec, sacc, scnt,
               sem0, sem1):
    cid = lax.axis_index("c")
    sid = lax.axis_index("s")
    base = sid * _RPW

    pltpu.sync_copy(b_hbm, bvec)
    bv = bvec[...]
    lanes = lax.iota(jnp.int32, 16)
    tail_mask = lanes < (_L - (_L // 16) * 16)

    def run(tok_hbm, tab_hbm, out_row, add_bias):
        @pl.when(sid == 0)
        def _stage():
            pltpu.sync_copy(tab_hbm, spm)

        plsc.subcore_barrier()

        def stage_fire(ci, idx, val, sem):
            tok0 = (base + ci * _CR) * _L
            pltpu.sync_copy(tok_hbm.at[pl.ds(tok0, _CT)],
                            idx.at[pl.ds(0, _CT)])
            pltpu.async_copy(spm.at[idx.at[pl.ds(0, _CT)]],
                             val.at[pl.ds(0, _CT)], sem)

        def compute(ci, idx, val):
            def row_body(r, rcarry):
                off = r * _L
                acc = jnp.zeros((16,), jnp.float32)
                cnt = jnp.zeros((16,), jnp.int32)
                for k in range(_L // 16):
                    sl = pl.ds(off + 16 * k, 16)
                    acc = acc + val[sl]
                    cnt = cnt + jnp.where(idx[sl] == _PAD, 1, 0)
                sl = pl.ds(off + (_L // 16) * 16, 16)
                acc = acc + jnp.where(tail_mask, val[sl], 0.0)
                cnt = cnt + jnp.where(tail_mask & (idx[sl] == _PAD), 1, 0)
                rsl = pl.ds(r * 16, 16)
                sacc[rsl] = acc
                scnt[rsl] = cnt
                return rcarry

            lax.fori_loop(0, _CR, row_body, 0)

            for g in range(_CR // 16):
                rows16 = (lanes + g * 16) * 16
                tot = jnp.zeros((16,), jnp.float32)
                tc = jnp.zeros((16,), jnp.int32)
                for k in range(16):
                    fidx = rows16 + k
                    tot = tot + plsc.load_gather(sacc, [fidx])
                    tc = tc + plsc.load_gather(scnt, [fidx])
                score = tot / tc.astype(jnp.float32)
                if add_bias:
                    score = score + bv
                outbuf[pl.ds(ci * _CR + g * 16, 16)] = score

        def drain(val, sem):
            pltpu.make_async_copy(
                t_hbm.at[pl.ds(0, _CT)], val.at[pl.ds(0, _CT)], sem).wait()

        stage_fire(0, idx0, val0, sem0)

        def chunk_pair(c2, carry):
            ci = c2 * 2
            drain(val0, sem0)
            stage_fire(ci + 1, idx1, val1, sem1)
            compute(ci, idx0, val0)
            drain(val1, sem1)

            @pl.when(ci + 2 < _NCHUNK)
            def _fire_next():
                stage_fire(ci + 2, idx0, val0, sem0)

            compute(ci + 1, idx1, val1)
            return carry

        lax.fori_loop(0, _NCHUNK // 2, chunk_pair, 0)
        pltpu.sync_copy(outbuf, out_hbm.at[out_row, pl.ds(base, _RPW)])

    @pl.when(cid == 0)
    def _src():
        run(src_hbm, t_hbm, 0, False)

    @pl.when(cid == 1)
    def _trg():
        run(trg_hbm, u_hbm, 1, True)


def kernel(src_tokens, trg_tokens, embed_table, proj_w, proj_b):
    w2t = proj_w.reshape(2, _D)
    t2, u2 = _project(embed_table.T, w2t)
    t = t2.reshape(-1)
    u = u2.reshape(-1)
    b16 = jnp.broadcast_to(proj_b.astype(jnp.float32), (16,))
    src_flat = src_tokens.reshape(-1)
    trg_flat = trg_tokens.reshape(-1)
    parts = _sc_kernel(src_flat, trg_flat, t, u, b16)
    return (parts[0] + parts[1]).reshape(_B, 1)

# --- scband reference (transcript-rebuilt; emitter-appended) ---
"""Pipeline reference for scband-ave-emb-actor-81862076662582 (READ-ONLY COPY).

The authoritative reference and input builder live on the scoring server;
editing this copy changes nothing except your own understanding.
"""

import jax, jax.numpy as jnp
import numpy as np

VOCAB = 1000000
EMBED_DIM = 64
PAD_IDX = 1
B = 16384
L = 200
N_PAD_TAIL = 16


def setup_inputs(seed: int = 0) -> dict:
    key = jax.random.key(seed)
    k1, k2, k3, k4 = jax.random.split(key, 4)
    src_tokens = jax.random.randint(k1, (B, L), 0, VOCAB, dtype=jnp.int32)
    trg_tokens = jax.random.randint(k2, (B, L), 0, VOCAB, dtype=jnp.int32)
    # Realistic trailing padding; also guarantees the module's pad-count
    # denominator (it counts eq(padding_idx)) is nonzero for every row.
    src_tokens = src_tokens.at[:, L - N_PAD_TAIL:].set(PAD_IDX)
    trg_tokens = trg_tokens.at[:, L - N_PAD_TAIL:].set(PAD_IDX)
    embed_table = jax.random.uniform(k3, (VOCAB, EMBED_DIM), minval=-0.1, maxval=0.1, dtype=jnp.float32)
    embed_table = embed_table.at[PAD_IDX].set(0.0)
    proj_w = jax.random.normal(k4, (1, 2 * EMBED_DIM), dtype=jnp.float32) * 0.05
    proj_b = jnp.zeros((1,), dtype=jnp.float32)
    return {
        "src_tokens": src_tokens,
        "trg_tokens": trg_tokens,
        "embed_table": embed_table,
        "proj_w": proj_w,
        "proj_b": proj_b,
    }


def reference(src_tokens, trg_tokens, embed_table, proj_w, proj_b):
    # Faithful to the torch module: word_count counts PADDING tokens (eq),
    # dropout is identity (p=0 / eval).
    src_word_count = (src_tokens == PAD_IDX).astype(jnp.int32).sum(axis=-1, keepdims=True)
    x = jnp.take(embed_table, src_tokens, axis=0)  # [B, L, D] gather
    x = x.sum(axis=1) / src_word_count
    trg_word_count = (trg_tokens == PAD_IDX).astype(jnp.int32).sum(axis=-1, keepdims=True)
    y = jnp.take(embed_table, trg_tokens, axis=0)
    y = y.sum(axis=1) / trg_word_count
    inp = jnp.concatenate([x, y], axis=-1)  # [B, 2D]
    score = inp @ proj_w.T + proj_b  # Linear(2*D, 1)
    return score

if __name__ == "__main__":
    import jax
    _d = setup_inputs()
    print(jax.jit(kernel)(*tuple(_d.values())))

</pallas_src>

<mosaic_0001>
#map = affine_map<(d0, d1) -> (0)>
#map1 = affine_map<(d0, d1) -> (0, 0)>
module attributes {stable_mosaic.version = 14 : i64} {
  func.func @_sc_kernel(%arg0: i32, %arg1: i32, %arg2: memref<3276800xi32, #tpu.memory_space<hbm>>, %arg3: memref<3276800xi32, #tpu.memory_space<hbm>>, %arg4: memref<1003520xf32, #tpu.memory_space<hbm>>, %arg5: memref<1003520xf32, #tpu.memory_space<hbm>>, %arg6: memref<16xf32, #tpu.memory_space<hbm>>, %arg7: memref<2x16384xf32, #tpu.memory_space<hbm>>, %arg8: memref<1003520xf32, #tpu.memory_space<vmem_shared>>, %arg9: memref<6416xi32, #tpu.memory_space<vmem>>, %arg10: memref<6416xi32, #tpu.memory_space<vmem>>, %arg11: memref<6416xf32, #tpu.memory_space<vmem>>, %arg12: memref<6416xf32, #tpu.memory_space<vmem>>, %arg13: memref<1024xf32, #tpu.memory_space<vmem>>, %arg14: memref<16xf32, #tpu.memory_space<vmem>>, %arg15: memref<512xf32, #tpu.memory_space<vmem>>, %arg16: memref<512xi32, #tpu.memory_space<vmem>>, %arg17: memref<!tpu.dma_semaphore, #tpu.memory_space<semaphore_mem>>, %arg18: memref<!tpu.dma_semaphore, #tpu.memory_space<semaphore_mem>>) attributes {dimension_semantics = [#tpu.dimension_semantics<core_parallel>, #tpu.dimension_semantics<subcore_parallel>], iteration_bounds = array<i64: 2, 16>, scalar_prefetch = 0 : i64, scratch_operands = 11 : i64, tpu.core_type = #tpu.core_type<sc_vector_subcore>, window_params = [{transform_indices = #map}, {transform_indices = #map}, {transform_indices = #map}, {transform_indices = #map}, {transform_indices = #map}, {transform_indices = #map1}]} {
    %mul3A = arith.constant 1024 : i32
    %mul3A_0 = arith.muli %arg1, %mul3A : i32
    "tpu.region"() ({
      %run_scoped3A = tpu.sem_alloc : memref<!tpu.dma_semaphore, #tpu.memory_space<semaphore_mem>>
      tpu.enqueue_dma source(%arg6 : memref<16xf32, #tpu.memory_space<hbm>>) target(%arg14 : memref<16xf32, #tpu.memory_space<vmem>>) target_semaphore(%run_scoped3A : memref<!tpu.dma_semaphore, #tpu.memory_space<semaphore_mem>>)
      tpu.wait_dma2 semaphore(%run_scoped3A : memref<!tpu.dma_semaphore, #tpu.memory_space<semaphore_mem>>) src(%arg6 : memref<16xf32, #tpu.memory_space<hbm>>) dst(%arg14 : memref<16xf32, #tpu.memory_space<vmem>>)
      tpu.yield
    }) : () -> ()
    %get3A = arith.constant 0 : index
    %get3A_1 = tpu.vector_load %arg14[%get3A] {strides = array<i32>} : memref<16xf32, #tpu.memory_space<vmem>>, vector<16xf32>,
    %iota3A = tpu.iota {dimensions = array<i32: 0>} : vector<16xi32>
    %lt3A = arith.constant 8 : i32
    %lt3A_2 = vector.broadcast %lt3A : i32 to vector<16xi32>
    %lt3A_3 = arith.cmpi slt, %iota3A, %lt3A_2 : vector<16xi32>
    %eq3A = arith.constant 0 : i32
    %eq3A_4 = arith.cmpi eq, %arg0, %eq3A : i32
    %convert_element_type3A = arith.extui %eq3A_4 : i1 to i32
    %cond3A = arith.constant 0 : i32
    %cond3A_5 = arith.cmpi ne, %convert_element_type3A, %cond3A : i32
    scf.if %cond3A_5 {
      %eq3A_11 = arith.constant 0 : i32
      %eq3A_12 = arith.cmpi eq, %arg1, %eq3A_11 : i32
      %convert_element_type3A_13 = arith.extui %eq3A_12 : i1 to i32
      %cond3A_14 = arith.constant 0 : i32
      %cond3A_15 = arith.cmpi ne, %convert_element_type3A_13, %cond3A_14 : i32
      scf.if %cond3A_15 {
        "tpu.region"() ({
          %run_scoped3A_29 = tpu.sem_alloc : memref<!tpu.dma_semaphore, #tpu.memory_space<semaphore_mem>>
          tpu.enqueue_dma source(%arg4 : memref<1003520xf32, #tpu.memory_space<hbm>>) target(%arg8 : memref<1003520xf32, #tpu.memory_space<vmem_shared>>) target_semaphore(%run_scoped3A_29 : memref<!tpu.dma_semaphore, #tpu.memory_space<semaphore_mem>>)
          tpu.wait_dma2 semaphore(%run_scoped3A_29 : memref<!tpu.dma_semaphore, #tpu.memory_space<semaphore_mem>>) src(%arg4 : memref<1003520xf32, #tpu.memory_space<hbm>>) dst(%arg8 : memref<1003520xf32, #tpu.memory_space<vmem_shared>>)
          tpu.yield
        }) : () -> ()
      } else {
      }
      %barrier3A = arith.constant 0 : index
      tpu.barrier barrier_id(%barrier3A)
      %add3A = arith.constant 0 : i32
      %add3A_16 = arith.addi %mul3A_0, %add3A : i32
      %mul3A_17 = arith.constant 200 : i32
      %mul3A_18 = arith.muli %add3A_16, %mul3A_17 : i32
      "tpu.region"() ({
        %run_scoped3A_29 = tpu.sem_alloc : memref<!tpu.dma_semaphore, #tpu.memory_space<semaphore_mem>>
        %dma_start3A_30 = arith.constant 0 : i32
        %dma_start3A_31 = tpu.memref_slice %arg9[%dma_start3A_30] : memref<6416xi32, #tpu.memory_space<vmem>> -> memref<6400xi32, #tpu.memory_space<vmem>>
        %dma_start3A_32 = tpu.memref_slice %arg2[%mul3A_18] : memref<3276800xi32, #tpu.memory_space<hbm>> -> memref<6400xi32, #tpu.memory_space<hbm>>
        %dma_start3A_33 = arith.constant 0 : i32
        %dma_start3A_34 = tpu.memref_slice %arg9[%dma_start3A_33] : memref<6416xi32, #tpu.memory_space<vmem>> -> memref<6400xi32, #tpu.memory_space<vmem>>
        %dma_start3A_35 = tpu.memref_slice %arg2[%mul3A_18] : memref<3276800xi32, #tpu.memory_space<hbm>> -> memref<6400xi32, #tpu.memory_space<hbm>>
        tpu.enqueue_dma source(%dma_start3A_35 : memref<6400xi32, #tpu.memory_space<hbm>>) target(%dma_start3A_34 : memref<6400xi32, #tpu.memory_space<vmem>>) target_semaphore(%run_scoped3A_29 : memref<!tpu.dma_semaphore, #tpu.memory_space<semaphore_mem>>)
        %dma_wait3A = arith.constant 0 : i32
        %dma_wait3A_36 = tpu.memref_slice %arg9[%dma_wait3A] : memref<6416xi32, #tpu.memory_space<vmem>> -> memref<6400xi32, #tpu.memory_space<vmem>>
        %dma_wait3A_37 = tpu.memref_slice %arg2[%mul3A_18] : memref<3276800xi32, #tpu.memory_space<hbm>> -> memref<6400xi32, #tpu.memory_space<hbm>>
        %dma_wait3A_38 = arith.constant 0 : i32
        %dma_wait3A_39 = tpu.memref_slice %arg9[%dma_wait3A_38] : memref<6416xi32, #tpu.memory_space<vmem>> -> memref<6400xi32, #tpu.memory_space<vmem>>
        %dma_wait3A_40 = tpu.memref_slice %arg2[%mul3A_18] : memref<3276800xi32, #tpu.memory_space<hbm>> -> memref<6400xi32, #tpu.memory_space<hbm>>
        tpu.wait_dma2 semaphore(%run_scoped3A_29 : memref<!tpu.dma_semaphore, #tpu.memory_space<semaphore_mem>>) src(%dma_wait3A_40 : memref<6400xi32, #tpu.memory_space<hbm>>) dst(%dma_wait3A_39 : memref<6400xi32, #tpu.memory_space<vmem>>)
        tpu.yield
      }) : () -> ()
      %dma_start3A = arith.constant 0 : i32
      %dma_start3A_19 = tpu.memref_slice %arg11[%dma_start3A] : memref<6416xf32, #tpu.memory_space<vmem>> -> memref<6400xf32, #tpu.memory_space<vmem>>
      %dma_start3A_20 = arith.constant 0 : i32
      %dma_start3A_21 = tpu.memref_slice %arg9[%dma_start3A_20] : memref<6416xi32, #tpu.memory_space<vmem>> -> memref<6400xi32, #tpu.memory_space<vmem>>
      %dma_start3A_22 = arith.constant 0 : i32
      %dma_start3A_23 = tpu.memref_slice %arg8[%dma_start3A_22] : memref<1003520xf32, #tpu.memory_space<vmem_shared>> -> memref<1003520xf32, #tpu.memory_space<vmem_shared>>
      tpu.enqueue_indirect_dma source(%dma_start3A_23 : memref<1003520xf32, #tpu.memory_space<vmem_shared>>) target(%dma_start3A_19 : memref<6400xf32, #tpu.memory_space<vmem>>) offsets(%dma_start3A_21 : memref<6400xi32, #tpu.memory_space<vmem>>) semaphore(%arg17 : memref<!tpu.dma_semaphore, #tpu.memory_space<semaphore_mem>>)
      %scan3A = arith.constant 0 : i32
      %scan3A_24 = arith.constant 0 : i32
      %scan3A_25 = arith.constant 16 : i32
      %scan3A_26 = arith.addi %scan3A_24, %scan3A_25 : i32
      %scan3A_27 = arith.constant 1 : i32
      scf.for %scan3A_29 = %scan3A_24 to %scan3A_26 step %scan3A_27  : i32 {
        %mul3A_30 = arith.constant 2 : i32
        %mul3A_31 = arith.muli %scan3A_29, %mul3A_30 : i32
        %dma_wait3A = arith.constant 0 : i32
        %dma_wait3A_32 = tpu.memref_slice %arg11[%dma_wait3A] : memref<6416xf32, #tpu.memory_space<vmem>> -> memref<6400xf32, #tpu.memory_space<vmem>>
        %dma_wait3A_33 = arith.constant 0 : i32
        %dma_wait3A_34 = tpu.memref_slice %arg4[%dma_wait3A_33] : memref<1003520xf32, #tpu.memory_space<hbm>> -> memref<6400xf32, #tpu.memory_space<hbm>>
        %dma_wait3A_35 = arith.constant 0 : i32
        %dma_wait3A_36 = tpu.memref_slice %arg11[%dma_wait3A_35] : memref<6416xf32, #tpu.memory_space<vmem>> -> memref<6400xf32, #tpu.memory_space<vmem>>
        %dma_wait3A_37 = arith.constant 0 : i32
        %dma_wait3A_38 = tpu.memref_slice %arg4[%dma_wait3A_37] : memref<1003520xf32, #tpu.memory_space<hbm>> -> memref<6400xf32, #tpu.memory_space<hbm>>
        tpu.wait_dma2 semaphore(%arg17 : memref<!tpu.dma_semaphore, #tpu.memory_space<semaphore_mem>>) src(%dma_wait3A_38 : memref<6400xf32, #tpu.memory_space<hbm>>) dst(%dma_wait3A_36 : memref<6400xf32, #tpu.memory_space<vmem>>)
        %add3A_39 = arith.constant 1 : i32
        %add3A_40 = arith.addi %mul3A_31, %add3A_39 : i32
        %mul3A_41 = arith.constant 32 : i32
        %mul3A_42 = arith.muli %add3A_40, %mul3A_41 : i32
        %add3A_43 = arith.addi %mul3A_0, %mul3A_42 : i32
        %mul3A_44 = arith.constant 200 : i32
        %mul3A_45 = arith.muli %add3A_43, %mul3A_44 : i32
        "tpu.region"() ({
          %run_scoped3A_597 = tpu.sem_alloc : memref<!tpu.dma_semaphore, #tpu.memory_space<semaphore_mem>>
          %dma_start3A_598 = arith.constant 0 : i32
          %dma_start3A_599 = tpu.memref_slice %arg10[%dma_start3A_598] : memref<6416xi32, #tpu.memory_space<vmem>> -> memref<6400xi32, #tpu.memory_space<vmem>>
          %dma_start3A_600 = tpu.memref_slice %arg2[%mul3A_45] : memref<3276800xi32, #tpu.memory_space<hbm>> -> memref<6400xi32, #tpu.memory_space<hbm>>
          %dma_start3A_601 = arith.constant 0 : i32
          %dma_start3A_602 = tpu.memref_slice %arg10[%dma_start3A_601] : memref<6416xi32, #tpu.memory_space<vmem>> -> memref<6400xi32, #tpu.memory_space<vmem>>
          %dma_start3A_603 = tpu.memref_slice %arg2[%mul3A_45] : memref<3276800xi32, #tpu.memory_space<hbm>> -> memref<6400xi32, #tpu.memory_space<hbm>>
          tpu.enqueue_dma source(%dma_start3A_603 : memref<6400xi32, #tpu.memory_space<hbm>>) target(%dma_start3A_602 : memref<6400xi32, #tpu.memory_space<vmem>>) target_semaphore(%run_scoped3A_597 : memref<!tpu.dma_semaphore, #tpu.memory_space<semaphore_mem>>)
          %dma_wait3A_604 = arith.constant 0 : i32
          %dma_wait3A_605 = tpu.memref_slice %arg10[%dma_wait3A_604] : memref<6416xi32, #tpu.memory_space<vmem>> -> memref<6400xi32, #tpu.memory_space<vmem>>
          %dma_wait3A_606 = tpu.memref_slice %arg2[%mul3A_45] : memref<3276800xi32, #tpu.memory_space<hbm>> -> memref<6400xi32, #tpu.memory_space<hbm>>
          %dma_wait3A_607 = arith.constant 0 : i32
          %dma_wait3A_608 = tpu.memref_slice %arg10[%dma_wait3A_607] : memref<6416xi32, #tpu.memory_space<vmem>> -> memref<6400xi32, #tpu.memory_space<vmem>>
          %dma_wait3A_609 = tpu.memref_slice %arg2[%mul3A_45] : memref<3276800xi32, #tpu.memory_space<hbm>> -> memref<6400xi32, #tpu.memory_space<hbm>>
          tpu.wait_dma2 semaphore(%run_scoped3A_597 : memref<!tpu.dma_semaphore, #tpu.memory_space<semaphore_mem>>) src(%dma_wait3A_609 : memref<6400xi32, #tpu.memory_space<hbm>>) dst(%dma_wait3A_608 : memref<6400xi32, #tpu.memory_space<vmem>>)
          tpu.yield
        }) : () -> ()
        %dma_start3A_46 = arith.constant 0 : i32
        %dma_start3A_47 = tpu.memref_slice %arg12[%dma_start3A_46] : memref<6416xf32, #tpu.memory_space<vmem>> -> memref<6400xf32, #tpu.memory_space<vmem>>
        %dma_start3A_48 = arith.constant 0 : i32
        %dma_start3A_49 = tpu.memref_slice %arg10[%dma_start3A_48] : memref<6416xi32, #tpu.memory_space<vmem>> -> memref<6400xi32, #tpu.memory_space<vmem>>
        %dma_start3A_50 = arith.constant 0 : i32
        %dma_start3A_51 = tpu.memref_slice %arg8[%dma_start3A_50] : memref<1003520xf32, #tpu.memory_space<vmem_shared>> -> memref<1003520xf32, #tpu.memory_space<vmem_shared>>
        tpu.enqueue_indirect_dma source(%dma_start3A_51 : memref<1003520xf32, #tpu.memory_space<vmem_shared>>) target(%dma_start3A_47 : memref<6400xf32, #tpu.memory_space<vmem>>) offsets(%dma_start3A_49 : memref<6400xi32, #tpu.memory_space<vmem>>) semaphore(%arg18 : memref<!tpu.dma_semaphore, #tpu.memory_space<semaphore_mem>>)
        %scan3A_52 = arith.constant 0 : i32
        %scan3A_53 = arith.constant 0 : i32
        %scan3A_54 = arith.constant 32 : i32
        %scan3A_55 = arith.addi %scan3A_53, %scan3A_54 : i32
        %scan3A_56 = arith.constant 1 : i32
        scf.for %scan3A_597 = %scan3A_53 to %scan3A_55 step %scan3A_56  : i32 {
          %mul3A_598 = arith.constant 200 : i32
          %mul3A_599 = arith.muli %scan3A_597, %mul3A_598 : i32
          %broadcast_in_dim3A_600 = arith.constant 0.000000e+00 : f32
          %broadcast_in_dim3A_601 = vector.broadcast %broadcast_in_dim3A_600 : f32 to vector<16xf32>
          %broadcast_in_dim3A_602 = arith.constant 0 : i32
          %broadcast_in_dim3A_603 = vector.broadcast %broadcast_in_dim3A_602 : i32 to vector<16xi32>
          %add3A_604 = arith.constant 0 : i32
          %add3A_605 = arith.addi %mul3A_599, %add3A_604 : i32
          %get3A_606 = arith.index_cast %add3A_605 : i32 to index
          %get3A_607 = tpu.vector_load %arg11[%get3A_606] {strides = array<i32>} : memref<6416xf32, #tpu.memory_space<vmem>>, vector<16xf32>,
          %add3A_608 = arith.addf %broadcast_in_dim3A_601, %get3A_607 : vector<16xf32>
          %get3A_609 = arith.index_cast %add3A_605 : i32 to index
          %get3A_610 = tpu.vector_load %arg9[%get3A_609] {strides = array<i32>} : memref<6416xi32, #tpu.memory_space<vmem>>, vector<16xi32>,
          %eq3A_611 = arith.constant 1 : i32
          %eq3A_612 = vector.broadcast %eq3A_611 : i32 to vector<16xi32>
          %eq3A_613 = arith.cmpi eq, %get3A_610, %eq3A_612 : vector<16xi32>
          %jit3A = arith.constant 1 : i32
          %jit3A_614 = arith.constant 0 : i32
          %broadcast_in_dim3A_615 = vector.broadcast %jit3A : i32 to vector<16xi32>
          %broadcast_in_dim3A_616 = vector.broadcast %jit3A_614 : i32 to vector<16xi32>
          %select_n3A = arith.select %eq3A_613, %broadcast_in_dim3A_615, %broadcast_in_dim3A_616 : vector<16xi1>, vector<16xi32>
          %add3A_617 = arith.addi %broadcast_in_dim3A_603, %select_n3A : vector<16xi32>
          %add3A_618 = arith.constant 16 : i32
          %add3A_619 = arith.addi %mul3A_599, %add3A_618 : i32
          %get3A_620 = arith.index_cast %add3A_619 : i32 to index
          %get3A_621 = tpu.vector_load %arg11[%get3A_620] {strides = array<i32>} : memref<6416xf32, #tpu.memory_space<vmem>>, vector<16xf32>,
          %add3A_622 = arith.addf %add3A_608, %get3A_621 : vector<16xf32>
          %get3A_623 = arith.index_cast %add3A_619 : i32 to index
          %get3A_624 = tpu.vector_load %arg9[%get3A_623] {strides = array<i32>} : memref<6416xi32, #tpu.memory_space<vmem>>, vector<16xi32>,
          %eq3A_625 = arith.constant 1 : i32
          %eq3A_626 = vector.broadcast %eq3A_625 : i32 to vector<16xi32>
          %eq3A_627 = arith.cmpi eq, %get3A_624, %eq3A_626 : vector<16xi32>
          %jit3A_628 = arith.constant 1 : i32
          %jit3A_629 = arith.constant 0 : i32
          %broadcast_in_dim3A_630 = vector.broadcast %jit3A_628 : i32 to vector<16xi32>
          %broadcast_in_dim3A_631 = vector.broadcast %jit3A_629 : i32 to vector<16xi32>
          %select_n3A_632 = arith.select %eq3A_627, %broadcast_in_dim3A_630, %broadcast_in_dim3A_631 : vector<16xi1>, vector<16xi32>
          %add3A_633 = arith.addi %add3A_617, %select_n3A_632 : vector<16xi32>
          %add3A_634 = arith.constant 32 : i32
          %add3A_635 = arith.addi %mul3A_599, %add3A_634 : i32
          %get3A_636 = arith.index_cast %add3A_635 : i32 to index
          %get3A_637 = tpu.vector_load %arg11[%get3A_636] {strides = array<i32>} : memref<6416xf32, #tpu.memory_space<vmem>>, vector<16xf32>,
          %add3A_638 = arith.addf %add3A_622, %get3A_637 : vector<16xf32>
          %get3A_639 = arith.index_cast %add3A_635 : i32 to index
          %get3A_640 = tpu.vector_load %arg9[%get3A_639] {strides = array<i32>} : memref<6416xi32, #tpu.memory_space<vmem>>, vector<16xi32>,
          %eq3A_641 = arith.constant 1 : i32
          %eq3A_642 = vector.broadcast %eq3A_641 : i32 to vector<16xi32>
          %eq3A_643 = arith.cmpi eq, %get3A_640, %eq3A_642 : vector<16xi32>
          %jit3A_644 = arith.constant 1 : i32
          %jit3A_645 = arith.constant 0 : i32
          %broadcast_in_dim3A_646 = vector.broadcast %jit3A_644 : i32 to vector<16xi32>
          %broadcast_in_dim3A_647 = vector.broadcast %jit3A_645 : i32 to vector<16xi32>
          %select_n3A_648 = arith.select %eq3A_643, %broadcast_in_dim3A_646, %broadcast_in_dim3A_647 : vector<16xi1>, vector<16xi32>
          %add3A_649 = arith.addi %add3A_633, %select_n3A_648 : vector<16xi32>
          %add3A_650 = arith.constant 48 : i32
          %add3A_651 = arith.addi %mul3A_599, %add3A_650 : i32
          %get3A_652 = arith.index_cast %add3A_651 : i32 to index
          %get3A_653 = tpu.vector_load %arg11[%get3A_652] {strides = array<i32>} : memref<6416xf32, #tpu.memory_space<vmem>>, vector<16xf32>,
          %add3A_654 = arith.addf %add3A_638, %get3A_653 : vector<16xf32>
          %get3A_655 = arith.index_cast %add3A_651 : i32 to index
          %get3A_656 = tpu.vector_load %arg9[%get3A_655] {strides = array<i32>} : memref<6416xi32, #tpu.memory_space<vmem>>, vector<16xi32>,
          %eq3A_657 = arith.constant 1 : i32
          %eq3A_658 = vector.broadcast %eq3A_657 : i32 to vector<16xi32>
          %eq3A_659 = arith.cmpi eq, %get3A_656, %eq3A_658 : vector<16xi32>
          %jit3A_660 = arith.constant 1 : i32
          %jit3A_661 = arith.constant 0 : i32
          %broadcast_in_dim3A_662 = vector.broadcast %jit3A_660 : i32 to vector<16xi32>
          %broadcast_in_dim3A_663 = vector.broadcast %jit3A_661 : i32 to vector<16xi32>
          %select_n3A_664 = arith.select %eq3A_659, %broadcast_in_dim3A_662, %broadcast_in_dim3A_663 : vector<16xi1>, vector<16xi32>
          %add3A_665 = arith.addi %add3A_649, %select_n3A_664 : vector<16xi32>
          %add3A_666 = arith.constant 64 : i32
          %add3A_667 = arith.addi %mul3A_599, %add3A_666 : i32
          %get3A_668 = arith.index_cast %add3A_667 : i32 to index
          %get3A_669 = tpu.vector_load %arg11[%get3A_668] {strides = array<i32>} : memref<6416xf32, #tpu.memory_space<vmem>>, vector<16xf32>,
          %add3A_670 = arith.addf %add3A_654, %get3A_669 : vector<16xf32>
          %get3A_671 = arith.index_cast %add3A_667 : i32 to index
          %get3A_672 = tpu.vector_load %arg9[%get3A_671] {strides = array<i32>} : memref<6416xi32, #tpu.memory_space<vmem>>, vector<16xi32>,
          %eq3A_673 = arith.constant 1 : i32
          %eq3A_674 = vector.broadcast %eq3A_673 : i32 to vector<16xi32>
          %eq3A_675 = arith.cmpi eq, %get3A_672, %eq3A_674 : vector<16xi32>
          %jit3A_676 = arith.constant 1 : i32
          %jit3A_677 = arith.constant 0 : i32
          %broadcast_in_dim3A_678 = vector.broadcast %jit3A_676 : i32 to vector<16xi32>
          %broadcast_in_dim3A_679 = vector.broadcast %jit3A_677 : i32 to vector<16xi32>
          %select_n3A_680 = arith.select %eq3A_675, %broadcast_in_dim3A_678, %broadcast_in_dim3A_679 : vector<16xi1>, vector<16xi32>
          %add3A_681 = arith.addi %add3A_665, %select_n3A_680 : vector<16xi32>
          %add3A_682 = arith.constant 80 : i32
          %add3A_683 = arith.addi %mul3A_599, %add3A_682 : i32
          %get3A_684 = arith.index_cast %add3A_683 : i32 to index
          %get3A_685 = tpu.vector_load %arg11[%get3A_684] {strides = array<i32>} : memref<6416xf32, #tpu.memory_space<vmem>>, vector<16xf32>,
          %add3A_686 = arith.addf %add3A_670, %get3A_685 : vector<16xf32>
          %get3A_687 = arith.index_cast %add3A_683 : i32 to index
          %get3A_688 = tpu.vector_load %arg9[%get3A_687] {strides = array<i32>} : memref<6416xi32, #tpu.memory_space<vmem>>, vector<16xi32>,
          %eq3A_689 = arith.constant 1 : i32
          %eq3A_690 = vector.broadcast %eq3A_689 : i32 to vector<16xi32>
          %eq3A_691 = arith.cmpi eq, %get3A_688, %eq3A_690 : vector<16xi32>
          %jit3A_692 = arith.constant 1 : i32
          %jit3A_693 = arith.constant 0 : i32
          %broadcast_in_dim3A_694 = vector.broadcast %jit3A_692 : i32 to vector<16xi32>
          %broadcast_in_dim3A_695 = vector.broadcast %jit3A_693 : i32 to vector<16xi32>
          %select_n3A_696 = arith.select %eq3A_691, %broadcast_in_dim3A_694, %broadcast_in_dim3A_695 : vector<16xi1>, vector<16xi32>
          %add3A_697 = arith.addi %add3A_681, %select_n3A_696 : vector<16xi32>
          %add3A_698 = arith.constant 96 : i32
          %add3A_699 = arith.addi %mul3A_599, %add3A_698 : i32
          %get3A_700 = arith.index_cast %add3A_699 : i32 to index
          %get3A_701 = tpu.vector_load %arg11[%get3A_700] {strides = array<i32>} : memref<6416xf32, #tpu.memory_space<vmem>>, vector<16xf32>,
          %add3A_702 = arith.addf %add3A_686, %get3A_701 : vector<16xf32>
          %get3A_703 = arith.index_cast %add3A_699 : i32 to index
          %get3A_704 = tpu.vector_load %arg9[%get3A_703] {strides = array<i32>} : memref<6416xi32, #tpu.memory_space<vmem>>, vector<16xi32>,
          %eq3A_705 = arith.constant 1 : i32
          %eq3A_706 = vector.broadcast %eq3A_705 : i32 to vector<16xi32>
          %eq3A_707 = arith.cmpi eq, %get3A_704, %eq3A_706 : vector<16xi32>
          %jit3A_708 = arith.constant 1 : i32
          %jit3A_709 = arith.constant 0 : i32
          %broadcast_in_dim3A_710 = vector.broadcast %jit3A_708 : i32 to vector<16xi32>
          %broadcast_in_dim3A_711 = vector.broadcast %jit3A_709 : i32 to vector<16xi32>
          %select_n3A_712 = arith.select %eq3A_707, %broadcast_in_dim3A_710, %broadcast_in_dim3A_711 : vector<16xi1>, vector<16xi32>
          %add3A_713 = arith.addi %add3A_697, %select_n3A_712 : vector<16xi32>
          %add3A_714 = arith.constant 112 : i32
          %add3A_715 = arith.addi %mul3A_599, %add3A_714 : i32
          %get3A_716 = arith.index_cast %add3A_715 : i32 to index
          %get3A_717 = tpu.vector_load %arg11[%get3A_716] {strides = array<i32>} : memref<6416xf32, #tpu.memory_space<vmem>>, vector<16xf32>,
          %add3A_718 = arith.addf %add3A_702, %get3A_717 : vector<16xf32>
          %get3A_719 = arith.index_cast %add3A_715 : i32 to index
          %get3A_720 = tpu.vector_load %arg9[%get3A_719] {strides = array<i32>} : memref<6416xi32, #tpu.memory_space<vmem>>, vector<16xi32>,
          %eq3A_721 = arith.constant 1 : i32
          %eq3A_722 = vector.broadcast %eq3A_721 : i32 to vector<16xi32>
          %eq3A_723 = arith.cmpi eq, %get3A_720, %eq3A_722 : vector<16xi32>
          %jit3A_724 = arith.constant 1 : i32
          %jit3A_725 = arith.constant 0 : i32
          %broadcast_in_dim3A_726 = vector.broadcast %jit3A_724 : i32 to vector<16xi32>
          %broadcast_in_dim3A_727 = vector.broadcast %jit3A_725 : i32 to vector<16xi32>
          %select_n3A_728 = arith.select %eq3A_723, %broadcast_in_dim3A_726, %broadcast_in_dim3A_727 : vector<16xi1>, vector<16xi32>
          %add3A_729 = arith.addi %add3A_713, %select_n3A_728 : vector<16xi32>
          %add3A_730 = arith.constant 128 : i32
          %add3A_731 = arith.addi %mul3A_599, %add3A_730 : i32
          %get3A_732 = arith.index_cast %add3A_731 : i32 to index
          %get3A_733 = tpu.vector_load %arg11[%get3A_732] {strides = array<i32>} : memref<6416xf32, #tpu.memory_space<vmem>>, vector<16xf32>,
          %add3A_734 = arith.addf %add3A_718, %get3A_733 : vector<16xf32>
          %get3A_735 = arith.index_cast %add3A_731 : i32 to index
          %get3A_736 = tpu.vector_load %arg9[%get3A_735] {strides = array<i32>} : memref<6416xi32, #tpu.memory_space<vmem>>, vector<16xi32>,
          %eq3A_737 = arith.constant 1 : i32
          %eq3A_738 = vector.broadcast %eq3A_737 : i32 to vector<16xi32>
          %eq3A_739 = arith.cmpi eq, %get3A_736, %eq3A_738 : vector<16xi32>
          %jit3A_740 = arith.constant 1 : i32
          %jit3A_741 = arith.constant 0 : i32
          %broadcast_in_dim3A_742 = vector.broadcast %jit3A_740 : i32 to vector<16xi32>
          %broadcast_in_dim3A_743 = vector.broadcast %jit3A_741 : i32 to vector<16xi32>
          %select_n3A_744 = arith.select %eq3A_739, %broadcast_in_dim3A_742, %broadcast_in_dim3A_743 : vector<16xi1>, vector<16xi32>
          %add3A_745 = arith.addi %add3A_729, %select_n3A_744 : vector<16xi32>
          %add3A_746 = arith.constant 144 : i32
          %add3A_747 = arith.addi %mul3A_599, %add3A_746 : i32
          %get3A_748 = arith.index_cast %add3A_747 : i32 to index
          %get3A_749 = tpu.vector_load %arg11[%get3A_748] {strides = array<i32>} : memref<6416xf32, #tpu.memory_space<vmem>>, vector<16xf32>,
          %add3A_750 = arith.addf %add3A_734, %get3A_749 : vector<16xf32>
          %get3A_751 = arith.index_cast %add3A_747 : i32 to index
          %get3A_752 = tpu.vector_load %arg9[%get3A_751] {strides = array<i32>} : memref<6416xi32, #tpu.memory_space<vmem>>, vector<16xi32>,
          %eq3A_753 = arith.constant 1 : i32
          %eq3A_754 = vector.broadcast %eq3A_753 : i32 to vector<16xi32>
          %eq3A_755 = arith.cmpi eq, %get3A_752, %eq3A_754 : vector<16xi32>
          %jit3A_756 = arith.constant 1 : i32
          %jit3A_757 = arith.constant 0 : i32
          %broadcast_in_dim3A_758 = vector.broadcast %jit3A_756 : i32 to vector<16xi32>
          %broadcast_in_dim3A_759 = vector.broadcast %jit3A_757 : i32 to vector<16xi32>
          %select_n3A_760 = arith.select %eq3A_755, %broadcast_in_dim3A_758, %broadcast_in_dim3A_759 : vector<16xi1>, vector<16xi32>
          %add3A_761 = arith.addi %add3A_745, %select_n3A_760 : vector<16xi32>
          %add3A_762 = arith.constant 160 : i32
          %add3A_763 = arith.addi %mul3A_599, %add3A_762 : i32
          %get3A_764 = arith.index_cast %add3A_763 : i32 to index
          %get3A_765 = tpu.vector_load %arg11[%get3A_764] {strides = array<i32>} : memref<6416xf32, #tpu.memory_space<vmem>>, vector<16xf32>,
          %add3A_766 = arith.addf %add3A_750, %get3A_765 : vector<16xf32>
          %get3A_767 = arith.index_cast %add3A_763 : i32 to index
          %get3A_768 = tpu.vector_load %arg9[%get3A_767] {strides = array<i32>} : memref<6416xi32, #tpu.memory_space<vmem>>, vector<16xi32>,
          %eq3A_769 = arith.constant 1 : i32
          %eq3A_770 = vector.broadcast %eq3A_769 : i32 to vector<16xi32>
          %eq3A_771 = arith.cmpi eq, %get3A_768, %eq3A_770 : vector<16xi32>
          %jit3A_772 = arith.constant 1 : i32
          %jit3A_773 = arith.constant 0 : i32
          %broadcast_in_dim3A_774 = vector.broadcast %jit3A_772 : i32 to vector<16xi32>
          %broadcast_in_dim3A_775 = vector.broadcast %jit3A_773 : i32 to vector<16xi32>
          %select_n3A_776 = arith.select %eq3A_771, %broadcast_in_dim3A_774, %broadcast_in_dim3A_775 : vector<16xi1>, vector<16xi32>
          %add3A_777 = arith.addi %add3A_761, %select_n3A_776 : vector<16xi32>
          %add3A_778 = arith.constant 176 : i32
          %add3A_779 = arith.addi %mul3A_599, %add3A_778 : i32
          %get3A_780 = arith.index_cast %add3A_779 : i32 to index
          %get3A_781 = tpu.vector_load %arg11[%get3A_780] {strides = array<i32>} : memref<6416xf32, #tpu.memory_space<vmem>>, vector<16xf32>,
          %add3A_782 = arith.addf %add3A_766, %get3A_781 : vector<16xf32>
          %get3A_783 = arith.index_cast %add3A_779 : i32 to index
          %get3A_784 = tpu.vector_load %arg9[%get3A_783] {strides = array<i32>} : memref<6416xi32, #tpu.memory_space<vmem>>, vector<16xi32>,
          %eq3A_785 = arith.constant 1 : i32
          %eq3A_786 = vector.broadcast %eq3A_785 : i32 to vector<16xi32>
          %eq3A_787 = arith.cmpi eq, %get3A_784, %eq3A_786 : vector<16xi32>
          %jit3A_788 = arith.constant 1 : i32
          %jit3A_789 = arith.constant 0 : i32
          %broadcast_in_dim3A_790 = vector.broadcast %jit3A_788 : i32 to vector<16xi32>
          %broadcast_in_dim3A_791 = vector.broadcast %jit3A_789 : i32 to vector<16xi32>
          %select_n3A_792 = arith.select %eq3A_787, %broadcast_in_dim3A_790, %broadcast_in_dim3A_791 : vector<16xi1>, vector<16xi32>
          %add3A_793 = arith.addi %add3A_777, %select_n3A_792 : vector<16xi32>
          %add3A_794 = arith.constant 192 : i32
          %add3A_795 = arith.addi %mul3A_599, %add3A_794 : i32
          %get3A_796 = arith.index_cast %add3A_795 : i32 to index
          %get3A_797 = tpu.vector_load %arg11[%get3A_796] {strides = array<i32>} : memref<6416xf32, #tpu.memory_space<vmem>>, vector<16xf32>,
          %jit3A_798 = arith.constant 0.000000e+00 : f32
          %broadcast_in_dim3A_799 = vector.broadcast %jit3A_798 : f32 to vector<16xf32>
          %select_n3A_800 = arith.select %lt3A_3, %get3A_797, %broadcast_in_dim3A_799 : vector<16xi1>, vector<16xf32>
          %add3A_801 = arith.addf %add3A_782, %select_n3A_800 : vector<16xf32>
          %get3A_802 = arith.index_cast %add3A_795 : i32 to index
          %get3A_803 = tpu.vector_load %arg9[%get3A_802] {strides = array<i32>} : memref<6416xi32, #tpu.memory_space<vmem>>, vector<16xi32>,
          %eq3A_804 = arith.constant 1 : i32
          %eq3A_805 = vector.broadcast %eq3A_804 : i32 to vector<16xi32>
          %eq3A_806 = arith.cmpi eq, %get3A_803, %eq3A_805 : vector<16xi32>
          %and3A = arith.andi %lt3A_3, %eq3A_806 : vector<16xi1>
          %jit3A_807 = arith.constant 1 : i32
          %jit3A_808 = arith.constant 0 : i32
          %broadcast_in_dim3A_809 = vector.broadcast %jit3A_807 : i32 to vector<16xi32>
          %broadcast_in_dim3A_810 = vector.broadcast %jit3A_808 : i32 to vector<16xi32>
          %select_n3A_811 = arith.select %and3A, %broadcast_in_dim3A_809, %broadcast_in_dim3A_810 : vector<16xi1>, vector<16xi32>
          %add3A_812 = arith.addi %add3A_793, %select_n3A_811 : vector<16xi32>
          %mul3A_813 = arith.constant 16 : i32
          %mul3A_814 = arith.muli %scan3A_597, %mul3A_813 : i32
          %swap3A_815 = arith.index_cast %mul3A_814 : i32 to index
          %swap3A_816 = tpu.vector_load %arg15[%swap3A_815] {strides = array<i32>} : memref<512xf32, #tpu.memory_space<vmem>>, vector<16xf32>,
          tpu.vector_store %arg15[%swap3A_815], %add3A_801 {strides = array<i32>} : memref<512xf32, #tpu.memory_space<vmem>>, vector<16xf32>,
          %swap3A_817 = arith.index_cast %mul3A_814 : i32 to index
          %swap3A_818 = tpu.vector_load %arg16[%swap3A_817] {strides = array<i32>} : memref<512xi32, #tpu.memory_space<vmem>>, vector<16xi32>,
          tpu.vector_store %arg16[%swap3A_817], %add3A_812 {strides = array<i32>} : memref<512xi32, #tpu.memory_space<vmem>>, vector<16xi32>,
        }
        %scan3A_57 = arith.constant 32 : i32
        %add3A_58 = arith.constant 0 : i32
        %add3A_59 = vector.broadcast %add3A_58 : i32 to vector<16xi32>
        %add3A_60 = arith.addi %iota3A, %add3A_59 : vector<16xi32>
        %mul3A_61 = arith.constant 16 : i32
        %mul3A_62 = vector.broadcast %mul3A_61 : i32 to vector<16xi32>
        %mul3A_63 = arith.muli %add3A_60, %mul3A_62 : vector<16xi32>
        %broadcast_in_dim3A = arith.constant 0.000000e+00 : f32
        %broadcast_in_dim3A_64 = vector.broadcast %broadcast_in_dim3A : f32 to vector<16xf32>
        %broadcast_in_dim3A_65 = arith.constant 0 : i32
        %broadcast_in_dim3A_66 = vector.broadcast %broadcast_in_dim3A_65 : i32 to vector<16xi32>
        %add3A_67 = arith.constant 0 : i32
        %add3A_68 = vector.broadcast %add3A_67 : i32 to vector<16xi32>
        %add3A_69 = arith.addi %mul3A_63, %add3A_68 : vector<16xi32>
        %gather3A = tpu.vector_load_idx %arg15[%add3A_69] : memref<512xf32, #tpu.memory_space<vmem>>[vector<16xi32>], vector<16xf32>,
        %add3A_70 = arith.addf %broadcast_in_dim3A_64, %gather3A : vector<16xf32>
        %gather3A_71 = tpu.vector_load_idx %arg16[%add3A_69] : memref<512xi32, #tpu.memory_space<vmem>>[vector<16xi32>], vector<16xi32>,
        %add3A_72 = arith.addi %broadcast_in_dim3A_66, %gather3A_71 : vector<16xi32>
        %add3A_73 = arith.constant 1 : i32
        %add3A_74 = vector.broadcast %add3A_73 : i32 to vector<16xi32>
        %add3A_75 = arith.addi %mul3A_63, %add3A_74 : vector<16xi32>
        %gather3A_76 = tpu.vector_load_idx %arg15[%add3A_75] : memref<512xf32, #tpu.memory_space<vmem>>[vector<16xi32>], vector<16xf32>,
        %add3A_77 = arith.addf %add3A_70, %gather3A_76 : vector<16xf32>
        %gather3A_78 = tpu.vector_load_idx %arg16[%add3A_75] : memref<512xi32, #tpu.memory_space<vmem>>[vector<16xi32>], vector<16xi32>,
        %add3A_79 = arith.addi %add3A_72, %gather3A_78 : vector<16xi32>
        %add3A_80 = arith.constant 2 : i32
        %add3A_81 = vector.broadcast %add3A_80 : i32 to vector<16xi32>
        %add3A_82 = arith.addi %mul3A_63, %add3A_81 : vector<16xi32>
        %gather3A_83 = tpu.vector_load_idx %arg15[%add3A_82] : memref<512xf32, #tpu.memory_space<vmem>>[vector<16xi32>], vector<16xf32>,
        %add3A_84 = arith.addf %add3A_77, %gather3A_83 : vector<16xf32>
        %gather3A_85 = tpu.vector_load_idx %arg16[%add3A_82] : memref<512xi32, #tpu.memory_space<vmem>>[vector<16xi32>], vector<16xi32>,
        %add3A_86 = arith.addi %add3A_79, %gather3A_85 : vector<16xi32>
        %add3A_87 = arith.constant 3 : i32
        %add3A_88 = vector.broadcast %add3A_87 : i32 to vector<16xi32>
        %add3A_89 = arith.addi %mul3A_63, %add3A_88 : vector<16xi32>
        %gather3A_90 = tpu.vector_load_idx %arg15[%add3A_89] : memref<512xf32, #tpu.memory_space<vmem>>[vector<16xi32>], vector<16xf32>,
        %add3A_91 = arith.addf %add3A_84, %gather3A_90 : vector<16xf32>
        %gather3A_92 = tpu.vector_load_idx %arg16[%add3A_89] : memref<512xi32, #tpu.memory_space<vmem>>[vector<16xi32>], vector<16xi32>,
        %add3A_93 = arith.addi %add3A_86, %gather3A_92 : vector<16xi32>
        %add3A_94 = arith.constant 4 : i32
        %add3A_95 = vector.broadcast %add3A_94 : i32 to vector<16xi32>
        %add3A_96 = arith.addi %mul3A_63, %add3A_95 : vector<16xi32>
        %gather3A_97 = tpu.vector_load_idx %arg15[%add3A_96] : memref<512xf32, #tpu.memory_space<vmem>>[vector<16xi32>], vector<16xf32>,
        %add3A_98 = arith.addf %add3A_91, %gather3A_97 : vector<16xf32>
        %gather3A_99 = tpu.vector_load_idx %arg16[%add3A_96] : memref<512xi32, #tpu.memory_space<vmem>>[vector<16xi32>], vector<16xi32>,
        %add3A_100 = arith.addi %add3A_93, %gather3A_99 : vector<16xi32>
        %add3A_101 = arith.constant 5 : i32
        %add3A_102 = vector.broadcast %add3A_101 : i32 to vector<16xi32>
        %add3A_103 = arith.addi %mul3A_63, %add3A_102 : vector<16xi32>
        %gather3A_104 = tpu.vector_load_idx %arg15[%add3A_103] : memref<512xf32, #tpu.memory_space<vmem>>[vector<16xi32>], vector<16xf32>,
        %add3A_105 = arith.addf %add3A_98, %gather3A_104 : vector<16xf32>
        %gather3A_106 = tpu.vector_load_idx %arg16[%add3A_103] : memref<512xi32, #tpu.memory_space<vmem>>[vector<16xi32>], vector<16xi32>,
        %add3A_107 = arith.addi %add3A_100, %gather3A_106 : vector<16xi32>
        %add3A_108 = arith.constant 6 : i32
        %add3A_109 = vector.broadcast %add3A_108 : i32 to vector<16xi32>
        %add3A_110 = arith.addi %mul3A_63, %add3A_109 : vector<16xi32>
        %gather3A_111 = tpu.vector_load_idx %arg15[%add3A_110] : memref<512xf32, #tpu.memory_space<vmem>>[vector<16xi32>], vector<16xf32>,
        %add3A_112 = arith.addf %add3A_105, %gather3A_111 : vector<16xf32>
        %gather3A_113 = tpu.vector_load_idx %arg16[%add3A_110] : memref<512xi32, #tpu.memory_space<vmem>>[vector<16xi32>], vector<16xi32>,
        %add3A_114 = arith.addi %add3A_107, %gather3A_113 : vector<16xi32>
        %add3A_115 = arith.constant 7 : i32
        %add3A_116 = vector.broadcast %add3A_115 : i32 to vector<16xi32>
        %add3A_117 = arith.addi %mul3A_63, %add3A_116 : vector<16xi32>
        %gather3A_118 = tpu.vector_load_idx %arg15[%add3A_117] : memref<512xf32, #tpu.memory_space<vmem>>[vector<16xi32>], vector<16xf32>,
        %add3A_119 = arith.addf %add3A_112, %gather3A_118 : vector<16xf32>
        %gather3A_120 = tpu.vector_load_idx %arg16[%add3A_117] : memref<512xi32, #tpu.memory_space<vmem>>[vector<16xi32>], vector<16xi32>,
        %add3A_121 = arith.addi %add3A_114, %gather3A_120 : vector<16xi32>
        %add3A_122 = arith.constant 8 : i32
        %add3A_123 = vector.broadcast %add3A_122 : i32 to vector<16xi32>
        %add3A_124 = arith.addi %mul3A_63, %add3A_123 : vector<16xi32>
        %gather3A_125 = tpu.vector_load_idx %arg15[%add3A_124] : memref<512xf32, #tpu.memory_space<vmem>>[vector<16xi32>], vector<16xf32>,
        %add3A_126 = arith.addf %add3A_119, %gather3A_125 : vector<16xf32>
        %gather3A_127 = tpu.vector_load_idx %arg16[%add3A_124] : memref<512xi32, #tpu.memory_space<vmem>>[vector<16xi32>], vector<16xi32>,
        %add3A_128 = arith.addi %add3A_121, %gather3A_127 : vector<16xi32>
        %add3A_129 = arith.constant 9 : i32
        %add3A_130 = vector.broadcast %add3A_129 : i32 to vector<16xi32>
        %add3A_131 = arith.addi %mul3A_63, %add3A_130 : vector<16xi32>
        %gather3A_132 = tpu.vector_load_idx %arg15[%add3A_131] : memref<512xf32, #tpu.memory_space<vmem>>[vector<16xi32>], vector<16xf32>,
        %add3A_133 = arith.addf %add3A_126, %gather3A_132 : vector<16xf32>
        %gather3A_134 = tpu.vector_load_idx %arg16[%add3A_131] : memref<512xi32, #tpu.memory_space<vmem>>[vector<16xi32>], vector<16xi32>,
        %add3A_135 = arith.addi %add3A_128, %gather3A_134 : vector<16xi32>
        %add3A_136 = arith.constant 10 : i32
        %add3A_137 = vector.broadcast %add3A_136 : i32 to vector<16xi32>
        %add3A_138 = arith.addi %mul3A_63, %add3A_137 : vector<16xi32>
        %gather3A_139 = tpu.vector_load_idx %arg15[%add3A_138] : memref<512xf32, #tpu.memory_space<vmem>>[vector<16xi32>], vector<16xf32>,
        %add3A_140 = arith.addf %add3A_133, %gather3A_139 : vector<16xf32>
        %gather3A_141 = tpu.vector_load_idx %arg16[%add3A_138] : memref<512xi32, #tpu.memory_space<vmem>>[vector<16xi32>], vector<16xi32>,
        %add3A_142 = arith.addi %add3A_135, %gather3A_141 : vector<16xi32>
        %add3A_143 = arith.constant 11 : i32
        %add3A_144 = vector.broadcast %add3A_143 : i32 to vector<16xi32>
        %add3A_145 = arith.addi %mul3A_63, %add3A_144 : vector<16xi32>
        %gather3A_146 = tpu.vector_load_idx %arg15[%add3A_145] : memref<512xf32, #tpu.memory_space<vmem>>[vector<16xi32>], vector<16xf32>,
        %add3A_147 = arith.addf %add3A_140, %gather3A_146 : vector<16xf32>
        %gather3A_148 = tpu.vector_load_idx %arg16[%add3A_145] : memref<512xi32, #tpu.memory_space<vmem>>[vector<16xi32>], vector<16xi32>,
        %add3A_149 = arith.addi %add3A_142, %gather3A_148 : vector<16xi32>
        %add3A_150 = arith.constant 12 : i32
        %add3A_151 = vector.broadcast %add3A_150 : i32 to vector<16xi32>
        %add3A_152 = arith.addi %mul3A_63, %add3A_151 : vector<16xi32>
        %gather3A_153 = tpu.vector_load_idx %arg15[%add3A_152] : memref<512xf32, #tpu.memory_space<vmem>>[vector<16xi32>], vector<16xf32>,
        %add3A_154 = arith.addf %add3A_147, %gather3A_153 : vector<16xf32>
        %gather3A_155 = tpu.vector_load_idx %arg16[%add3A_152] : memref<512xi32, #tpu.memory_space<vmem>>[vector<16xi32>], vector<16xi32>,
        %add3A_156 = arith.addi %add3A_149, %gather3A_155 : vector<16xi32>
        %add3A_157 = arith.constant 13 : i32
        %add3A_158 = vector.broadcast %add3A_157 : i32 to vector<16xi32>
        %add3A_159 = arith.addi %mul3A_63, %add3A_158 : vector<16xi32>
        %gather3A_160 = tpu.vector_load_idx %arg15[%add3A_159] : memref<512xf32, #tpu.memory_space<vmem>>[vector<16xi32>], vector<16xf32>,
        %add3A_161 = arith.addf %add3A_154, %gather3A_160 : vector<16xf32>
        %gather3A_162 = tpu.vector_load_idx %arg16[%add3A_159] : memref<512xi32, #tpu.memory_space<vmem>>[vector<16xi32>], vector<16xi32>,
        %add3A_163 = arith.addi %add3A_156, %gather3A_162 : vector<16xi32>
        %add3A_164 = arith.constant 14 : i32
        %add3A_165 = vector.broadcast %add3A_164 : i32 to vector<16xi32>
        %add3A_166 = arith.addi %mul3A_63, %add3A_165 : vector<16xi32>
        %gather3A_167 = tpu.vector_load_idx %arg15[%add3A_166] : memref<512xf32, #tpu.memory_space<vmem>>[vector<16xi32>], vector<16xf32>,
        %add3A_168 = arith.addf %add3A_161, %gather3A_167 : vector<16xf32>
        %gather3A_169 = tpu.vector_load_idx %arg16[%add3A_166] : memref<512xi32, #tpu.memory_space<vmem>>[vector<16xi32>], vector<16xi32>,
        %add3A_170 = arith.addi %add3A_163, %gather3A_169 : vector<16xi32>
        %add3A_171 = arith.constant 15 : i32
        %add3A_172 = vector.broadcast %add3A_171 : i32 to vector<16xi32>
        %add3A_173 = arith.addi %mul3A_63, %add3A_172 : vector<16xi32>
        %gather3A_174 = tpu.vector_load_idx %arg15[%add3A_173] : memref<512xf32, #tpu.memory_space<vmem>>[vector<16xi32>], vector<16xf32>,
        %add3A_175 = arith.addf %add3A_168, %gather3A_174 : vector<16xf32>
        %gather3A_176 = tpu.vector_load_idx %arg16[%add3A_173] : memref<512xi32, #tpu.memory_space<vmem>>[vector<16xi32>], vector<16xi32>,
        %add3A_177 = arith.addi %add3A_170, %gather3A_176 : vector<16xi32>
        %convert_element_type3A_178 = arith.sitofp %add3A_177 : vector<16xi32> to vector<16xf32>
        %div3A = arith.divf %add3A_175, %convert_element_type3A_178 : vector<16xf32>
        %mul3A_179 = arith.constant 32 : i32
        %mul3A_180 = arith.muli %mul3A_31, %mul3A_179 : i32
        %add3A_181 = arith.constant 0 : i32
        %add3A_182 = arith.addi %mul3A_180, %add3A_181 : i32
        %swap3A = arith.index_cast %add3A_182 : i32 to index
        %swap3A_183 = tpu.vector_load %arg13[%swap3A] {strides = array<i32>} : memref<1024xf32, #tpu.memory_space<vmem>>, vector<16xf32>,
        tpu.vector_store %arg13[%swap3A], %div3A {strides = array<i32>} : memref<1024xf32, #tpu.memory_space<vmem>>, vector<16xf32>,
        %add3A_184 = arith.constant 16 : i32
        %add3A_185 = vector.broadcast %add3A_184 : i32 to vector<16xi32>
        %add3A_186 = arith.addi %iota3A, %add3A_185 : vector<16xi32>
        %mul3A_187 = arith.constant 16 : i32
        %mul3A_188 = vector.broadcast %mul3A_187 : i32 to vector<16xi32>
        %mul3A_189 = arith.muli %add3A_186, %mul3A_188 : vector<16xi32>
        %broadcast_in_dim3A_190 = arith.constant 0.000000e+00 : f32
        %broadcast_in_dim3A_191 = vector.broadcast %broadcast_in_dim3A_190 : f32 to vector<16xf32>
        %broadcast_in_dim3A_192 = arith.constant 0 : i32
        %broadcast_in_dim3A_193 = vector.broadcast %broadcast_in_dim3A_192 : i32 to vector<16xi32>
        %add3A_194 = arith.constant 0 : i32
        %add3A_195 = vector.broadcast %add3A_194 : i32 to vector<16xi32>
        %add3A_196 = arith.addi %mul3A_189, %add3A_195 : vector<16xi32>
        %gather3A_197 = tpu.vector_load_idx %arg15[%add3A_196] : memref<512xf32, #tpu.memory_space<vmem>>[vector<16xi32>], vector<16xf32>,
        %add3A_198 = arith.addf %broadcast_in_dim3A_191, %gather3A_197 : vector<16xf32>
        %gather3A_199 = tpu.vector_load_idx %arg16[%add3A_196] : memref<512xi32, #tpu.memory_space<vmem>>[vector<16xi32>], vector<16xi32>,
        %add3A_200 = arith.addi %broadcast_in_dim3A_193, %gather3A_199 : vector<16xi32>
        %add3A_201 = arith.constant 1 : i32
        %add3A_202 = vector.broadcast %add3A_201 : i32 to vector<16xi32>
        %add3A_203 = arith.addi %mul3A_189, %add3A_202 : vector<16xi32>
        %gather3A_204 = tpu.vector_load_idx %arg15[%add3A_203] : memref<512xf32, #tpu.memory_space<vmem>>[vector<16xi32>], vector<16xf32>,
        %add3A_205 = arith.addf %add3A_198, %gather3A_204 : vector<16xf32>
        %gather3A_206 = tpu.vector_load_idx %arg16[%add3A_203] : memref<512xi32, #tpu.memory_space<vmem>>[vector<16xi32>], vector<16xi32>,
        %add3A_207 = arith.addi %add3A_200, %gather3A_206 : vector<16xi32>
        %add3A_208 = arith.constant 2 : i32
        %add3A_209 = vector.broadcast %add3A_208 : i32 to vector<16xi32>
        %add3A_210 = arith.addi %mul3A_189, %add3A_209 : vector<16xi32>
        %gather3A_211 = tpu.vector_load_idx %arg15[%add3A_210] : memref<512xf32, #tpu.memory_space<vmem>>[vector<16xi32>], vector<16xf32>,
        %add3A_212 = arith.addf %add3A_205, %gather3A_211 : vector<16xf32>
        %gather3A_213 = tpu.vector_load_idx %arg16[%add3A_210] : memref<512xi32, #tpu.memory_space<vmem>>[vector<16xi32>], vector<16xi32>,
        %add3A_214 = arith.addi %add3A_207, %gather3A_213 : vector<16xi32>
        %add3A_215 = arith.constant 3 : i32
        %add3A_216 = vector.broadcast %add3A_215 : i32 to vector<16xi32>
        %add3A_217 = arith.addi %mul3A_189, %add3A_216 : vector<16xi32>
        %gather3A_218 = tpu.vector_load_idx %arg15[%add3A_217] : memref<512xf32, #tpu.memory_space<vmem>>[vector<16xi32>], vector<16xf32>,
        %add3A_219 = arith.addf %add3A_212, %gather3A_218 : vector<16xf32>
        %gather3A_220 = tpu.vector_load_idx %arg16[%add3A_217] : memref<512xi32, #tpu.memory_space<vmem>>[vector<16xi32>], vector<16xi32>,
        %add3A_221 = arith.addi %add3A_214, %gather3A_220 : vector<16xi32>
        %add3A_222 = arith.constant 4 : i32
        %add3A_223 = vector.broadcast %add3A_222 : i32 to vector<16xi32>
        %add3A_224 = arith.addi %mul3A_189, %add3A_223 : vector<16xi32>
        %gather3A_225 = tpu.vector_load_idx %arg15[%add3A_224] : memref<512xf32, #tpu.memory_space<vmem>>[vector<16xi32>], vector<16xf32>,
        %add3A_226 = arith.addf %add3A_219, %gather3A_225 : vector<16xf32>
        %gather3A_227 = tpu.vector_load_idx %arg16[%add3A_224] : memref<512xi32, #tpu.memory_space<vmem>>[vector<16xi32>], vector<16xi32>,
        %add3A_228 = arith.addi %add3A_221, %gather3A_227 : vector<16xi32>
        %add3A_229 = arith.constant 5 : i32
        %add3A_230 = vector.broadcast %add3A_229 : i32 to vector<16xi32>
        %add3A_231 = arith.addi %mul3A_189, %add3A_230 : vector<16xi32>
        %gather3A_232 = tpu.vector_load_idx %arg15[%add3A_231] : memref<512xf32, #tpu.memory_space<vmem>>[vector<16xi32>], vector<16xf32>,
        %add3A_233 = arith.addf %add3A_226, %gather3A_232 : vector<16xf32>
        %gather3A_234 = tpu.vector_load_idx %arg16[%add3A_231] : memref<512xi32, #tpu.memory_space<vmem>>[vector<16xi32>], vector<16xi32>,
        %add3A_235 = arith.addi %add3A_228, %gather3A_234 : vector<16xi32>
        %add3A_236 = arith.constant 6 : i32
        %add3A_237 = vector.broadcast %add3A_236 : i32 to vector<16xi32>
        %add3A_238 = arith.addi %mul3A_189, %add3A_237 : vector<16xi32>
        %gather3A_239 = tpu.vector_load_idx %arg15[%add3A_238] : memref<512xf32, #tpu.memory_space<vmem>>[vector<16xi32>], vector<16xf32>,
        %add3A_240 = arith.addf %add3A_233, %gather3A_239 : vector<16xf32>
        %gather3A_241 = tpu.vector_load_idx %arg16[%add3A_238] : memref<512xi32, #tpu.memory_space<vmem>>[vector<16xi32>], vector<16xi32>,
        %add3A_242 = arith.addi %add3A_235, %gather3A_241 : vector<16xi32>
        %add3A_243 = arith.constant 7 : i32
        %add3A_244 = vector.broadcast %add3A_243 : i32 to vector<16xi32>
        %add3A_245 = arith.addi %mul3A_189, %add3A_244 : vector<16xi32>
        %gather3A_246 = tpu.vector_load_idx %arg15[%add3A_245] : memref<512xf32, #tpu.memory_space<vmem>>[vector<16xi32>], vector<16xf32>,
        %add3A_247 = arith.addf %add3A_240, %gather3A_246 : vector<16xf32>
        %gather3A_248 = tpu.vector_load_idx %arg16[%add3A_245] : memref<512xi32, #tpu.memory_space<vmem>>[vector<16xi32>], vector<16xi32>,
        %add3A_249 = arith.addi %add3A_242, %gather3A_248 : vector<16xi32>
        %add3A_250 = arith.constant 8 : i32
        %add3A_251 = vector.broadcast %add3A_250 : i32 to vector<16xi32>
        %add3A_252 = arith.addi %mul3A_189, %add3A_251 : vector<16xi32>
        %gather3A_253 = tpu.vector_load_idx %arg15[%add3A_252] : memref<512xf32, #tpu.memory_space<vmem>>[vector<16xi32>], vector<16xf32>,
        %add3A_254 = arith.addf %add3A_247, %gather3A_253 : vector<16xf32>
        %gather3A_255 = tpu.vector_load_idx %arg16[%add3A_252] : memref<512xi32, #tpu.memory_space<vmem>>[vector<16xi32>], vector<16xi32>,
        %add3A_256 = arith.addi %add3A_249, %gather3A_255 : vector<16xi32>
        %add3A_257 = arith.constant 9 : i32
        %add3A_258 = vector.broadcast %add3A_257 : i32 to vector<16xi32>
        %add3A_259 = arith.addi %mul3A_189, %add3A_258 : vector<16xi32>
        %gather3A_260 = tpu.vector_load_idx %arg15[%add3A_259] : memref<512xf32, #tpu.memory_space<vmem>>[vector<16xi32>], vector<16xf32>,
        %add3A_261 = arith.addf %add3A_254, %gather3A_260 : vector<16xf32>
        %gather3A_262 = tpu.vector_load_idx %arg16[%add3A_259] : memref<512xi32, #tpu.memory_space<vmem>>[vector<16xi32>], vector<16xi32>,
        %add3A_263 = arith.addi %add3A_256, %gather3A_262 : vector<16xi32>
        %add3A_264 = arith.constant 10 : i32
        %add3A_265 = vector.broadcast %add3A_264 : i32 to vector<16xi32>
        %add3A_266 = arith.addi %mul3A_189, %add3A_265 : vector<16xi32>
        %gather3A_267 = tpu.vector_load_idx %arg15[%add3A_266] : memref<512xf32, #tpu.memory_space<vmem>>[vector<16xi32>], vector<16xf32>,
        %add3A_268 = arith.addf %add3A_261, %gather3A_267 : vector<16xf32>
        %gather3A_269 = tpu.vector_load_idx %arg16[%add3A_266] : memref<512xi32, #tpu.memory_space<vmem>>[vector<16xi32>], vector<16xi32>,
        %add3A_270 = arith.addi %add3A_263, %gather3A_269 : vector<16xi32>
        %add3A_271 = arith.constant 11 : i32
        %add3A_272 = vector.broadcast %add3A_271 : i32 to vector<16xi32>
        %add3A_273 = arith.addi %mul3A_189, %add3A_272 : vector<16xi32>
        %gather3A_274 = tpu.vector_load_idx %arg15[%add3A_273] : memref<512xf32, #tpu.memory_space<vmem>>[vector<16xi32>], vector<16xf32>,
        %add3A_275 = arith.addf %add3A_268, %gather3A_274 : vector<16xf32>
        %gather3A_276 = tpu.vector_load_idx %arg16[%add3A_273] : memref<512xi32, #tpu.memory_space<vmem>>[vector<16xi32>], vector<16xi32>,
        %add3A_277 = arith.addi %add3A_270, %gather3A_276 : vector<16xi32>
        %add3A_278 = arith.constant 12 : i32
        %add3A_279 = vector.broadcast %add3A_278 : i32 to vector<16xi32>
        %add3A_280 = arith.addi %mul3A_189, %add3A_279 : vector<16xi32>
        %gather3A_281 = tpu.vector_load_idx %arg15[%add3A_280] : memref<512xf32, #tpu.memory_space<vmem>>[vector<16xi32>], vector<16xf32>,
        %add3A_282 = arith.addf %add3A_275, %gather3A_281 : vector<16xf32>
        %gather3A_283 = tpu.vector_load_idx %arg16[%add3A_280] : memref<512xi32, #tpu.memory_space<vmem>>[vector<16xi32>], vector<16xi32>,
        %add3A_284 = arith.addi %add3A_277, %gather3A_283 : vector<16xi32>
        %add3A_285 = arith.constant 13 : i32
        %add3A_286 = vector.broadcast %add3A_285 : i32 to vector<16xi32>
        %add3A_287 = arith.addi %mul3A_189, %add3A_286 : vector<16xi32>
        %gather3A_288 = tpu.vector_load_idx %arg15[%add3A_287] : memref<512xf32, #tpu.memory_space<vmem>>[vector<16xi32>], vector<16xf32>,
        %add3A_289 = arith.addf %add3A_282, %gather3A_288 : vector<16xf32>
        %gather3A_290 = tpu.vector_load_idx %arg16[%add3A_287] : memref<512xi32, #tpu.memory_space<vmem>>[vector<16xi32>], vector<16xi32>,
        %add3A_291 = arith.addi %add3A_284, %gather3A_290 : vector<16xi32>
        %add3A_292 = arith.constant 14 : i32
        %add3A_293 = vector.broadcast %add3A_292 : i32 to vector<16xi32>
        %add3A_294 = arith.addi %mul3A_189, %add3A_293 : vector<16xi32>
        %gather3A_295 = tpu.vector_load_idx %arg15[%add3A_294] : memref<512xf32, #tpu.memory_space<vmem>>[vector<16xi32>], vector<16xf32>,
        %add3A_296 = arith.addf %add3A_289, %gather3A_295 : vector<16xf32>
        %gather3A_297 = tpu.vector_load_idx %arg16[%add3A_294] : memref<512xi32, #tpu.memory_space<vmem>>[vector<16xi32>], vector<16xi32>,
        %add3A_298 = arith.addi %add3A_291, %gather3A_297 : vector<16xi32>
        %add3A_299 = arith.constant 15 : i32
        %add3A_300 = vector.broadcast %add3A_299 : i32 to vector<16xi32>
        %add3A_301 = arith.addi %mul3A_189, %add3A_300 : vector<16xi32>
        %gather3A_302 = tpu.vector_load_idx %arg15[%add3A_301] : memref<512xf32, #tpu.memory_space<vmem>>[vector<16xi32>], vector<16xf32>,
        %add3A_303 = arith.addf %add3A_296, %gather3A_302 : vector<16xf32>
        %gather3A_304 = tpu.vector_load_idx %arg16[%add3A_301] : memref<512xi32, #tpu.memory_space<vmem>>[vector<16xi32>], vector<16xi32>,
        %add3A_305 = arith.addi %add3A_298, %gather3A_304 : vector<16xi32>
        %convert_element_type3A_306 = arith.sitofp %add3A_305 : vector<16xi32> to vector<16xf32>
        %div3A_307 = arith.divf %add3A_303, %convert_element_type3A_306 : vector<16xf32>
        %mul3A_308 = arith.constant 32 : i32
        %mul3A_309 = arith.muli %mul3A_31, %mul3A_308 : i32
        %add3A_310 = arith.constant 16 : i32
        %add3A_311 = arith.addi %mul3A_309, %add3A_310 : i32
        %swap3A_312 = arith.index_cast %add3A_311 : i32 to index
        %swap3A_313 = tpu.vector_load %arg13[%swap3A_312] {strides = array<i32>} : memref<1024xf32, #tpu.memory_space<vmem>>, vector<16xf32>,
        tpu.vector_store %arg13[%swap3A_312], %div3A_307 {strides = array<i32>} : memref<1024xf32, #tpu.memory_space<vmem>>, vector<16xf32>,
        %dma_wait3A_314 = arith.constant 0 : i32
        %dma_wait3A_315 = tpu.memref_slice %arg12[%dma_wait3A_314] : memref<6416xf32, #tpu.memory_space<vmem>> -> memref<6400xf32, #tpu.memory_space<vmem>>
        %dma_wait3A_316 = arith.constant 0 : i32
        %dma_wait3A_317 = tpu.memref_slice %arg4[%dma_wait3A_316] : memref<1003520xf32, #tpu.memory_space<hbm>> -> memref<6400xf32, #tpu.memory_space<hbm>>
        %dma_wait3A_318 = arith.constant 0 : i32
        %dma_wait3A_319 = tpu.memref_slice %arg12[%dma_wait3A_318] : memref<6416xf32, #tpu.memory_space<vmem>> -> memref<6400xf32, #tpu.memory_space<vmem>>
        %dma_wait3A_320 = arith.constant 0 : i32
        %dma_wait3A_321 = tpu.memref_slice %arg4[%dma_wait3A_320] : memref<1003520xf32, #tpu.memory_space<hbm>> -> memref<6400xf32, #tpu.memory_space<hbm>>
        tpu.wait_dma2 semaphore(%arg18 : memref<!tpu.dma_semaphore, #tpu.memory_space<semaphore_mem>>) src(%dma_wait3A_321 : memref<6400xf32, #tpu.memory_space<hbm>>) dst(%dma_wait3A_319 : memref<6400xf32, #tpu.memory_space<vmem>>)
        %add3A_322 = arith.constant 2 : i32
        %add3A_323 = arith.addi %mul3A_31, %add3A_322 : i32
        %lt3A_324 = arith.constant 32 : i32
        %lt3A_325 = arith.cmpi slt, %add3A_323, %lt3A_324 : i32
        %convert_element_type3A_326 = arith.extui %lt3A_325 : i1 to i32
        %cond3A_327 = arith.constant 0 : i32
        %cond3A_328 = arith.cmpi ne, %convert_element_type3A_326, %cond3A_327 : i32
        scf.if %cond3A_328 {
          %add3A_597 = arith.constant 2 : i32
          %add3A_598 = arith.addi %mul3A_31, %add3A_597 : i32
          %mul3A_599 = arith.constant 32 : i32
          %mul3A_600 = arith.muli %add3A_598, %mul3A_599 : i32
          %add3A_601 = arith.addi %mul3A_0, %mul3A_600 : i32
          %mul3A_602 = arith.constant 200 : i32
          %mul3A_603 = arith.muli %add3A_601, %mul3A_602 : i32
          "tpu.region"() ({
            %run_scoped3A_610 = tpu.sem_alloc : memref<!tpu.dma_semaphore, #tpu.memory_space<semaphore_mem>>
            %dma_start3A_611 = arith.constant 0 : i32
            %dma_start3A_612 = tpu.memref_slice %arg9[%dma_start3A_611] : memref<6416xi32, #tpu.memory_space<vmem>> -> memref<6400xi32, #tpu.memory_space<vmem>>
            %dma_start3A_613 = tpu.memref_slice %arg2[%mul3A_603] : memref<3276800xi32, #tpu.memory_space<hbm>> -> memref<6400xi32, #tpu.memory_space<hbm>>
            %dma_start3A_614 = arith.constant 0 : i32
            %dma_start3A_615 = tpu.memref_slice %arg9[%dma_start3A_614] : memref<6416xi32, #tpu.memory_space<vmem>> -> memref<6400xi32, #tpu.memory_space<vmem>>
            %dma_start3A_616 = tpu.memref_slice %arg2[%mul3A_603] : memref<3276800xi32, #tpu.memory_space<hbm>> -> memref<6400xi32, #tpu.memory_space<hbm>>
            tpu.enqueue_dma source(%dma_start3A_616 : memref<6400xi32, #tpu.memory_space<hbm>>) target(%dma_start3A_615 : memref<6400xi32, #tpu.memory_space<vmem>>) target_semaphore(%run_scoped3A_610 : memref<!tpu.dma_semaphore, #tpu.memory_space<semaphore_mem>>)
            %dma_wait3A_617 = arith.constant 0 : i32
            %dma_wait3A_618 = tpu.memref_slice %arg9[%dma_wait3A_617] : memref<6416xi32, #tpu.memory_space<vmem>> -> memref<6400xi32, #tpu.memory_space<vmem>>
            %dma_wait3A_619 = tpu.memref_slice %arg2[%mul3A_603] : memref<3276800xi32, #tpu.memory_space<hbm>> -> memref<6400xi32, #tpu.memory_space<hbm>>
            %dma_wait3A_620 = arith.constant 0 : i32
            %dma_wait3A_621 = tpu.memref_slice %arg9[%dma_wait3A_620] : memref<6416xi32, #tpu.memory_space<vmem>> -> memref<6400xi32, #tpu.memory_space<vmem>>
            %dma_wait3A_622 = tpu.memref_slice %arg2[%mul3A_603] : memref<3276800xi32, #tpu.memory_space<hbm>> -> memref<6400xi32, #tpu.memory_space<hbm>>
            tpu.wait_dma2 semaphore(%run_scoped3A_610 : memref<!tpu.dma_semaphore, #tpu.memory_space<semaphore_mem>>) src(%dma_wait3A_622 : memref<6400xi32, #tpu.memory_space<hbm>>) dst(%dma_wait3A_621 : memref<6400xi32, #tpu.memory_space<vmem>>)
            tpu.yield
          }) : () -> ()
          %dma_start3A_604 = arith.constant 0 : i32
          %dma_start3A_605 = tpu.memref_slice %arg11[%dma_start3A_604] : memref<6416xf32, #tpu.memory_space<vmem>> -> memref<6400xf32, #tpu.memory_space<vmem>>
          %dma_start3A_606 = arith.constant 0 : i32
          %dma_start3A_607 = tpu.memref_slice %arg9[%dma_start3A_606] : memref<6416xi32, #tpu.memory_space<vmem>> -> memref<6400xi32, #tpu.memory_space<vmem>>
          %dma_start3A_608 = arith.constant 0 : i32
          %dma_start3A_609 = tpu.memref_slice %arg8[%dma_start3A_608] : memref<1003520xf32, #tpu.memory_space<vmem_shared>> -> memref<1003520xf32, #tpu.memory_space<vmem_shared>>
          tpu.enqueue_indirect_dma source(%dma_start3A_609 : memref<1003520xf32, #tpu.memory_space<vmem_shared>>) target(%dma_start3A_605 : memref<6400xf32, #tpu.memory_space<vmem>>) offsets(%dma_start3A_607 : memref<6400xi32, #tpu.memory_space<vmem>>) semaphore(%arg17 : memref<!tpu.dma_semaphore, #tpu.memory_space<semaphore_mem>>)
        } else {
        }
        %add3A_329 = arith.constant 1 : i32
        %add3A_330 = arith.addi %mul3A_31, %add3A_329 : i32
        %scan3A_331 = arith.constant 0 : i32
        %scan3A_332 = arith.constant 0 : i32
        %scan3A_333 = arith.constant 32 : i32
        %scan3A_334 = arith.addi %scan3A_332, %scan3A_333 : i32
        %scan3A_335 = arith.constant 1 : i32
        scf.for %scan3A_597 = %scan3A_332 to %scan3A_334 step %scan3A_335  : i32 {
          %mul3A_598 = arith.constant 200 : i32
          %mul3A_599 = arith.muli %scan3A_597, %mul3A_598 : i32
          %broadcast_in_dim3A_600 = arith.constant 0.000000e+00 : f32
          %broadcast_in_dim3A_601 = vector.broadcast %broadcast_in_dim3A_600 : f32 to vector<16xf32>
          %broadcast_in_dim3A_602 = arith.constant 0 : i32
          %broadcast_in_dim3A_603 = vector.broadcast %broadcast_in_dim3A_602 : i32 to vector<16xi32>
          %add3A_604 = arith.constant 0 : i32
          %add3A_605 = arith.addi %mul3A_599, %add3A_604 : i32
          %get3A_606 = arith.index_cast %add3A_605 : i32 to index
          %get3A_607 = tpu.vector_load %arg12[%get3A_606] {strides = array<i32>} : memref<6416xf32, #tpu.memory_space<vmem>>, vector<16xf32>,
          %add3A_608 = arith.addf %broadcast_in_dim3A_601, %get3A_607 : vector<16xf32>
          %get3A_609 = arith.index_cast %add3A_605 : i32 to index
          %get3A_610 = tpu.vector_load %arg10[%get3A_609] {strides = array<i32>} : memref<6416xi32, #tpu.memory_space<vmem>>, vector<16xi32>,
          %eq3A_611 = arith.constant 1 : i32
          %eq3A_612 = vector.broadcast %eq3A_611 : i32 to vector<16xi32>
          %eq3A_613 = arith.cmpi eq, %get3A_610, %eq3A_612 : vector<16xi32>
          %jit3A = arith.constant 1 : i32
          %jit3A_614 = arith.constant 0 : i32
          %broadcast_in_dim3A_615 = vector.broadcast %jit3A : i32 to vector<16xi32>
          %broadcast_in_dim3A_616 = vector.broadcast %jit3A_614 : i32 to vector<16xi32>
          %select_n3A = arith.select %eq3A_613, %broadcast_in_dim3A_615, %broadcast_in_dim3A_616 : vector<16xi1>, vector<16xi32>
          %add3A_617 = arith.addi %broadcast_in_dim3A_603, %select_n3A : vector<16xi32>
          %add3A_618 = arith.constant 16 : i32
          %add3A_619 = arith.addi %mul3A_599, %add3A_618 : i32
          %get3A_620 = arith.index_cast %add3A_619 : i32 to index
          %get3A_621 = tpu.vector_load %arg12[%get3A_620] {strides = array<i32>} : memref<6416xf32, #tpu.memory_space<vmem>>, vector<16xf32>,
          %add3A_622 = arith.addf %add3A_608, %get3A_621 : vector<16xf32>
          %get3A_623 = arith.index_cast %add3A_619 : i32 to index
          %get3A_624 = tpu.vector_load %arg10[%get3A_623] {strides = array<i32>} : memref<6416xi32, #tpu.memory_space<vmem>>, vector<16xi32>,
          %eq3A_625 = arith.constant 1 : i32
          %eq3A_626 = vector.broadcast %eq3A_625 : i32 to vector<16xi32>
          %eq3A_627 = arith.cmpi eq, %get3A_624, %eq3A_626 : vector<16xi32>
          %jit3A_628 = arith.constant 1 : i32
          %jit3A_629 = arith.constant 0 : i32
          %broadcast_in_dim3A_630 = vector.broadcast %jit3A_628 : i32 to vector<16xi32>
          %broadcast_in_dim3A_631 = vector.broadcast %jit3A_629 : i32 to vector<16xi32>
          %select_n3A_632 = arith.select %eq3A_627, %broadcast_in_dim3A_630, %broadcast_in_dim3A_631 : vector<16xi1>, vector<16xi32>
          %add3A_633 = arith.addi %add3A_617, %select_n3A_632 : vector<16xi32>
          %add3A_634 = arith.constant 32 : i32
          %add3A_635 = arith.addi %mul3A_599, %add3A_634 : i32
          %get3A_636 = arith.index_cast %add3A_635 : i32 to index
          %get3A_637 = tpu.vector_load %arg12[%get3A_636] {strides = array<i32>} : memref<6416xf32, #tpu.memory_space<vmem>>, vector<16xf32>,
          %add3A_638 = arith.addf %add3A_622, %get3A_637 : vector<16xf32>
          %get3A_639 = arith.index_cast %add3A_635 : i32 to index
          %get3A_640 = tpu.vector_load %arg10[%get3A_639] {strides = array<i32>} : memref<6416xi32, #tpu.memory_space<vmem>>, vector<16xi32>,
          %eq3A_641 = arith.constant 1 : i32
          %eq3A_642 = vector.broadcast %eq3A_641 : i32 to vector<16xi32>
          %eq3A_643 = arith.cmpi eq, %get3A_640, %eq3A_642 : vector<16xi32>
          %jit3A_644 = arith.constant 1 : i32
          %jit3A_645 = arith.constant 0 : i32
          %broadcast_in_dim3A_646 = vector.broadcast %jit3A_644 : i32 to vector<16xi32>
          %broadcast_in_dim3A_647 = vector.broadcast %jit3A_645 : i32 to vector<16xi32>
          %select_n3A_648 = arith.select %eq3A_643, %broadcast_in_dim3A_646, %broadcast_in_dim3A_647 : vector<16xi1>, vector<16xi32>
          %add3A_649 = arith.addi %add3A_633, %select_n3A_648 : vector<16xi32>
          %add3A_650 = arith.constant 48 : i32
          %add3A_651 = arith.addi %mul3A_599, %add3A_650 : i32
          %get3A_652 = arith.index_cast %add3A_651 : i32 to index
          %get3A_653 = tpu.vector_load %arg12[%get3A_652] {strides = array<i32>} : memref<6416xf32, #tpu.memory_space<vmem>>, vector<16xf32>,
          %add3A_654 = arith.addf %add3A_638, %get3A_653 : vector<16xf32>
          %get3A_655 = arith.index_cast %add3A_651 : i32 to index
          %get3A_656 = tpu.vector_load %arg10[%get3A_655] {strides = array<i32>} : memref<6416xi32, #tpu.memory_space<vmem>>, vector<16xi32>,
          %eq3A_657 = arith.constant 1 : i32
          %eq3A_658 = vector.broadcast %eq3A_657 : i32 to vector<16xi32>
          %eq3A_659 = arith.cmpi eq, %get3A_656, %eq3A_658 : vector<16xi32>
          %jit3A_660 = arith.constant 1 : i32
          %jit3A_661 = arith.constant 0 : i32
          %broadcast_in_dim3A_662 = vector.broadcast %jit3A_660 : i32 to vector<16xi32>
          %broadcast_in_dim3A_663 = vector.broadcast %jit3A_661 : i32 to vector<16xi32>
          %select_n3A_664 = arith.select %eq3A_659, %broadcast_in_dim3A_662, %broadcast_in_dim3A_663 : vector<16xi1>, vector<16xi32>
          %add3A_665 = arith.addi %add3A_649, %select_n3A_664 : vector<16xi32>
          %add3A_666 = arith.constant 64 : i32
          %add3A_667 = arith.addi %mul3A_599, %add3A_666 : i32
          %get3A_668 = arith.index_cast %add3A_667 : i32 to index
          %get3A_669 = tpu.vector_load %arg12[%get3A_668] {strides = array<i32>} : memref<6416xf32, #tpu.memory_space<vmem>>, vector<16xf32>,
          %add3A_670 = arith.addf %add3A_654, %get3A_669 : vector<16xf32>
          %get3A_671 = arith.index_cast %add3A_667 : i32 to index
          %get3A_672 = tpu.vector_load %arg10[%get3A_671] {strides = array<i32>} : memref<6416xi32, #tpu.memory_space<vmem>>, vector<16xi32>,
          %eq3A_673 = arith.constant 1 : i32
          %eq3A_674 = vector.broadcast %eq3A_673 : i32 to vector<16xi32>
          %eq3A_675 = arith.cmpi eq, %get3A_672, %eq3A_674 : vector<16xi32>
          %jit3A_676 = arith.constant 1 : i32
          %jit3A_677 = arith.constant 0 : i32
          %broadcast_in_dim3A_678 = vector.broadcast %jit3A_676 : i32 to vector<16xi32>
          %broadcast_in_dim3A_679 = vector.broadcast %jit3A_677 : i32 to vector<16xi32>
          %select_n3A_680 = arith.select %eq3A_675, %broadcast_in_dim3A_678, %broadcast_in_dim3A_679 : vector<16xi1>, vector<16xi32>
          %add3A_681 = arith.addi %add3A_665, %select_n3A_680 : vector<16xi32>
          %add3A_682 = arith.constant 80 : i32
          %add3A_683 = arith.addi %mul3A_599, %add3A_682 : i32
          %get3A_684 = arith.index_cast %add3A_683 : i32 to index
          %get3A_685 = tpu.vector_load %arg12[%get3A_684] {strides = array<i32>} : memref<6416xf32, #tpu.memory_space<vmem>>, vector<16xf32>,
          %add3A_686 = arith.addf %add3A_670, %get3A_685 : vector<16xf32>
          %get3A_687 = arith.index_cast %add3A_683 : i32 to index
          %get3A_688 = tpu.vector_load %arg10[%get3A_687] {strides = array<i32>} : memref<6416xi32, #tpu.memory_space<vmem>>, vector<16xi32>,
          %eq3A_689 = arith.constant 1 : i32
          %eq3A_690 = vector.broadcast %eq3A_689 : i32 to vector<16xi32>
          %eq3A_691 = arith.cmpi eq, %get3A_688, %eq3A_690 : vector<16xi32>
          %jit3A_692 = arith.constant 1 : i32
          %jit3A_693 = arith.constant 0 : i32
          %broadcast_in_dim3A_694 = vector.broadcast %jit3A_692 : i32 to vector<16xi32>
          %broadcast_in_dim3A_695 = vector.broadcast %jit3A_693 : i32 to vector<16xi32>
          %select_n3A_696 = arith.select %eq3A_691, %broadcast_in_dim3A_694, %broadcast_in_dim3A_695 : vector<16xi1>, vector<16xi32>
          %add3A_697 = arith.addi %add3A_681, %select_n3A_696 : vector<16xi32>
          %add3A_698 = arith.constant 96 : i32
          %add3A_699 = arith.addi %mul3A_599, %add3A_698 : i32
          %get3A_700 = arith.index_cast %add3A_699 : i32 to index
          %get3A_701 = tpu.vector_load %arg12[%get3A_700] {strides = array<i32>} : memref<6416xf32, #tpu.memory_space<vmem>>, vector<16xf32>,
          %add3A_702 = arith.addf %add3A_686, %get3A_701 : vector<16xf32>
          %get3A_703 = arith.index_cast %add3A_699 : i32 to index
          %get3A_704 = tpu.vector_load %arg10[%get3A_703] {strides = array<i32>} : memref<6416xi32, #tpu.memory_space<vmem>>, vector<16xi32>,
          %eq3A_705 = arith.constant 1 : i32
          %eq3A_706 = vector.broadcast %eq3A_705 : i32 to vector<16xi32>
          %eq3A_707 = arith.cmpi eq, %get3A_704, %eq3A_706 : vector<16xi32>
          %jit3A_708 = arith.constant 1 : i32
          %jit3A_709 = arith.constant 0 : i32
          %broadcast_in_dim3A_710 = vector.broadcast %jit3A_708 : i32 to vector<16xi32>
          %broadcast_in_dim3A_711 = vector.broadcast %jit3A_709 : i32 to vector<16xi32>
          %select_n3A_712 = arith.select %eq3A_707, %broadcast_in_dim3A_710, %broadcast_in_dim3A_711 : vector<16xi1>, vector<16xi32>
          %add3A_713 = arith.addi %add3A_697, %select_n3A_712 : vector<16xi32>
          %add3A_714 = arith.constant 112 : i32
          %add3A_715 = arith.addi %mul3A_599, %add3A_714 : i32
          %get3A_716 = arith.index_cast %add3A_715 : i32 to index
          %get3A_717 = tpu.vector_load %arg12[%get3A_716] {strides = array<i32>} : memref<6416xf32, #tpu.memory_space<vmem>>, vector<16xf32>,
          %add3A_718 = arith.addf %add3A_702, %get3A_717 : vector<16xf32>
          %get3A_719 = arith.index_cast %add3A_715 : i32 to index
          %get3A_720 = tpu.vector_load %arg10[%get3A_719] {strides = array<i32>} : memref<6416xi32, #tpu.memory_space<vmem>>, vector<16xi32>,
          %eq3A_721 = arith.constant 1 : i32
          %eq3A_722 = vector.broadcast %eq3A_721 : i32 to vector<16xi32>
          %eq3A_723 = arith.cmpi eq, %get3A_720, %eq3A_722 : vector<16xi32>
          %jit3A_724 = arith.constant 1 : i32
          %jit3A_725 = arith.constant 0 : i32
          %broadcast_in_dim3A_726 = vector.broadcast %jit3A_724 : i32 to vector<16xi32>
          %broadcast_in_dim3A_727 = vector.broadcast %jit3A_725 : i32 to vector<16xi32>
          %select_n3A_728 = arith.select %eq3A_723, %broadcast_in_dim3A_726, %broadcast_in_dim3A_727 : vector<16xi1>, vector<16xi32>
          %add3A_729 = arith.addi %add3A_713, %select_n3A_728 : vector<16xi32>
          %add3A_730 = arith.constant 128 : i32
          %add3A_731 = arith.addi %mul3A_599, %add3A_730 : i32
          %get3A_732 = arith.index_cast %add3A_731 : i32 to index
          %get3A_733 = tpu.vector_load %arg12[%get3A_732] {strides = array<i32>} : memref<6416xf32, #tpu.memory_space<vmem>>, vector<16xf32>,
          %add3A_734 = arith.addf %add3A_718, %get3A_733 : vector<16xf32>
          %get3A_735 = arith.index_cast %add3A_731 : i32 to index
          %get3A_736 = tpu.vector_load %arg10[%get3A_735] {strides = array<i32>} : memref<6416xi32, #tpu.memory_space<vmem>>, vector<16xi32>,
          %eq3A_737 = arith.constant 1 : i32
          %eq3A_738 = vector.broadcast %eq3A_737 : i32 to vector<16xi32>
          %eq3A_739 = arith.cmpi eq, %get3A_736, %eq3A_738 : vector<16xi32>
          %jit3A_740 = arith.constant 1 : i32
          %jit3A_741 = arith.constant 0 : i32
          %broadcast_in_dim3A_742 = vector.broadcast %jit3A_740 : i32 to vector<16xi32>
          %broadcast_in_dim3A_743 = vector.broadcast %jit3A_741 : i32 to vector<16xi32>
          %select_n3A_744 = arith.select %eq3A_739, %broadcast_in_dim3A_742, %broadcast_in_dim3A_743 : vector<16xi1>, vector<16xi32>
          %add3A_745 = arith.addi %add3A_729, %select_n3A_744 : vector<16xi32>
          %add3A_746 = arith.constant 144 : i32
          %add3A_747 = arith.addi %mul3A_599, %add3A_746 : i32
          %get3A_748 = arith.index_cast %add3A_747 : i32 to index
          %get3A_749 = tpu.vector_load %arg12[%get3A_748] {strides = array<i32>} : memref<6416xf32, #tpu.memory_space<vmem>>, vector<16xf32>,
          %add3A_750 = arith.addf %add3A_734, %get3A_749 : vector<16xf32>
          %get3A_751 = arith.index_cast %add3A_747 : i32 to index
          %get3A_752 = tpu.vector_load %arg10[%get3A_751] {strides = array<i32>} : memref<6416xi32, #tpu.memory_space<vmem>>, vector<16xi32>,
          %eq3A_753 = arith.constant 1 : i32
          %eq3A_754 = vector.broadcast %eq3A_753 : i32 to vector<16xi32>
          %eq3A_755 = arith.cmpi eq, %get3A_752, %eq3A_754 : vector<16xi32>
          %jit3A_756 = arith.constant 1 : i32
          %jit3A_757 = arith.constant 0 : i32
          %broadcast_in_dim3A_758 = vector.broadcast %jit3A_756 : i32 to vector<16xi32>
          %broadcast_in_dim3A_759 = vector.broadcast %jit3A_757 : i32 to vector<16xi32>
          %select_n3A_760 = arith.select %eq3A_755, %broadcast_in_dim3A_758, %broadcast_in_dim3A_759 : vector<16xi1>, vector<16xi32>
          %add3A_761 = arith.addi %add3A_745, %select_n3A_760 : vector<16xi32>
          %add3A_762 = arith.constant 160 : i32
          %add3A_763 = arith.addi %mul3A_599, %add3A_762 : i32
          %get3A_764 = arith.index_cast %add3A_763 : i32 to index
          %get3A_765 = tpu.vector_load %arg12[%get3A_764] {strides = array<i32>} : memref<6416xf32, #tpu.memory_space<vmem>>, vector<16xf32>,
          %add3A_766 = arith.addf %add3A_750, %get3A_765 : vector<16xf32>
          %get3A_767 = arith.index_cast %add3A_763 : i32 to index
          %get3A_768 = tpu.vector_load %arg10[%get3A_767] {strides = array<i32>} : memref<6416xi32, #tpu.memory_space<vmem>>, vector<16xi32>,
          %eq3A_769 = arith.constant 1 : i32
          %eq3A_770 = vector.broadcast %eq3A_769 : i32 to vector<16xi32>
          %eq3A_771 = arith.cmpi eq, %get3A_768, %eq3A_770 : vector<16xi32>
          %jit3A_772 = arith.constant 1 : i32
          %jit3A_773 = arith.constant 0 : i32
          %broadcast_in_dim3A_774 = vector.broadcast %jit3A_772 : i32 to vector<16xi32>
          %broadcast_in_dim3A_775 = vector.broadcast %jit3A_773 : i32 to vector<16xi32>
          %select_n3A_776 = arith.select %eq3A_771, %broadcast_in_dim3A_774, %broadcast_in_dim3A_775 : vector<16xi1>, vector<16xi32>
          %add3A_777 = arith.addi %add3A_761, %select_n3A_776 : vector<16xi32>
          %add3A_778 = arith.constant 176 : i32
          %add3A_779 = arith.addi %mul3A_599, %add3A_778 : i32
          %get3A_780 = arith.index_cast %add3A_779 : i32 to index
          %get3A_781 = tpu.vector_load %arg12[%get3A_780] {strides = array<i32>} : memref<6416xf32, #tpu.memory_space<vmem>>, vector<16xf32>,
          %add3A_782 = arith.addf %add3A_766, %get3A_781 : vector<16xf32>
          %get3A_783 = arith.index_cast %add3A_779 : i32 to index
          %get3A_784 = tpu.vector_load %arg10[%get3A_783] {strides = array<i32>} : memref<6416xi32, #tpu.memory_space<vmem>>, vector<16xi32>,
          %eq3A_785 = arith.constant 1 : i32
          %eq3A_786 = vector.broadcast %eq3A_785 : i32 to vector<16xi32>
          %eq3A_787 = arith.cmpi eq, %get3A_784, %eq3A_786 : vector<16xi32>
          %jit3A_788 = arith.constant 1 : i32
          %jit3A_789 = arith.constant 0 : i32
          %broadcast_in_dim3A_790 = vector.broadcast %jit3A_788 : i32 to vector<16xi32>
          %broadcast_in_dim3A_791 = vector.broadcast %jit3A_789 : i32 to vector<16xi32>
          %select_n3A_792 = arith.select %eq3A_787, %broadcast_in_dim3A_790, %broadcast_in_dim3A_791 : vector<16xi1>, vector<16xi32>
          %add3A_793 = arith.addi %add3A_777, %select_n3A_792 : vector<16xi32>
          %add3A_794 = arith.constant 192 : i32
          %add3A_795 = arith.addi %mul3A_599, %add3A_794 : i32
          %get3A_796 = arith.index_cast %add3A_795 : i32 to index
          %get3A_797 = tpu.vector_load %arg12[%get3A_796] {strides = array<i32>} : memref<6416xf32, #tpu.memory_space<vmem>>, vector<16xf32>,
          %jit3A_798 = arith.constant 0.000000e+00 : f32
          %broadcast_in_dim3A_799 = vector.broadcast %jit3A_798 : f32 to vector<16xf32>
          %select_n3A_800 = arith.select %lt3A_3, %get3A_797, %broadcast_in_dim3A_799 : vector<16xi1>, vector<16xf32>
          %add3A_801 = arith.addf %add3A_782, %select_n3A_800 : vector<16xf32>
          %get3A_802 = arith.index_cast %add3A_795 : i32 to index
          %get3A_803 = tpu.vector_load %arg10[%get3A_802] {strides = array<i32>} : memref<6416xi32, #tpu.memory_space<vmem>>, vector<16xi32>,
          %eq3A_804 = arith.constant 1 : i32
          %eq3A_805 = vector.broadcast %eq3A_804 : i32 to vector<16xi32>
          %eq3A_806 = arith.cmpi eq, %get3A_803, %eq3A_805 : vector<16xi32>
          %and3A = arith.andi %lt3A_3, %eq3A_806 : vector<16xi1>
          %jit3A_807 = arith.constant 1 : i32
          %jit3A_808 = arith.constant 0 : i32
          %broadcast_in_dim3A_809 = vector.broadcast %jit3A_807 : i32 to vector<16xi32>
          %broadcast_in_dim3A_810 = vector.broadcast %jit3A_808 : i32 to vector<16xi32>
          %select_n3A_811 = arith.select %and3A, %broadcast_in_dim3A_809, %broadcast_in_dim3A_810 : vector<16xi1>, vector<16xi32>
          %add3A_812 = arith.addi %add3A_793, %select_n3A_811 : vector<16xi32>
          %mul3A_813 = arith.constant 16 : i32
          %mul3A_814 = arith.muli %scan3A_597, %mul3A_813 : i32
          %swap3A_815 = arith.index_cast %mul3A_814 : i32 to index
          %swap3A_816 = tpu.vector_load %arg15[%swap3A_815] {strides = array<i32>} : memref<512xf32, #tpu.memory_space<vmem>>, vector<16xf32>,
          tpu.vector_store %arg15[%swap3A_815], %add3A_801 {strides = array<i32>} : memref<512xf32, #tpu.memory_space<vmem>>, vector<16xf32>,
          %swap3A_817 = arith.index_cast %mul3A_814 : i32 to index
          %swap3A_818 = tpu.vector_load %arg16[%swap3A_817] {strides = array<i32>} : memref<512xi32, #tpu.memory_space<vmem>>, vector<16xi32>,
          tpu.vector_store %arg16[%swap3A_817], %add3A_812 {strides = array<i32>} : memref<512xi32, #tpu.memory_space<vmem>>, vector<16xi32>,
        }
        %scan3A_336 = arith.constant 32 : i32
        %add3A_337 = arith.constant 0 : i32
        %add3A_338 = vector.broadcast %add3A_337 : i32 to vector<16xi32>
        %add3A_339 = arith.addi %iota3A, %add3A_338 : vector<16xi32>
        %mul3A_340 = arith.constant 16 : i32
        %mul3A_341 = vector.broadcast %mul3A_340 : i32 to vector<16xi32>
        %mul3A_342 = arith.muli %add3A_339, %mul3A_341 : vector<16xi32>
        %broadcast_in_dim3A_343 = arith.constant 0.000000e+00 : f32
        %broadcast_in_dim3A_344 = vector.broadcast %broadcast_in_dim3A_343 : f32 to vector<16xf32>
        %broadcast_in_dim3A_345 = arith.constant 0 : i32
        %broadcast_in_dim3A_346 = vector.broadcast %broadcast_in_dim3A_345 : i32 to vector<16xi32>
        %add3A_347 = arith.constant 0 : i32
        %add3A_348 = vector.broadcast %add3A_347 : i32 to vector<16xi32>
        %add3A_349 = arith.addi %mul3A_342, %add3A_348 : vector<16xi32>
        %gather3A_350 = tpu.vector_load_idx %arg15[%add3A_349] : memref<512xf32, #tpu.memory_space<vmem>>[vector<16xi32>], vector<16xf32>,
        %add3A_351 = arith.addf %broadcast_in_dim3A_344, %gather3A_350 : vector<16xf32>
        %gather3A_352 = tpu.vector_load_idx %arg16[%add3A_349] : memref<512xi32, #tpu.memory_space<vmem>>[vector<16xi32>], vector<16xi32>,
        %add3A_353 = arith.addi %broadcast_in_dim3A_346, %gather3A_352 : vector<16xi32>
        %add3A_354 = arith.constant 1 : i32
        %add3A_355 = vector.broadcast %add3A_354 : i32 to vector<16xi32>
        %add3A_356 = arith.addi %mul3A_342, %add3A_355 : vector<16xi32>
        %gather3A_357 = tpu.vector_load_idx %arg15[%add3A_356] : memref<512xf32, #tpu.memory_space<vmem>>[vector<16xi32>], vector<16xf32>,
        %add3A_358 = arith.addf %add3A_351, %gather3A_357 : vector<16xf32>
        %gather3A_359 = tpu.vector_load_idx %arg16[%add3A_356] : memref<512xi32, #tpu.memory_space<vmem>>[vector<16xi32>], vector<16xi32>,
        %add3A_360 = arith.addi %add3A_353, %gather3A_359 : vector<16xi32>
        %add3A_361 = arith.constant 2 : i32
        %add3A_362 = vector.broadcast %add3A_361 : i32 to vector<16xi32>
        %add3A_363 = arith.addi %mul3A_342, %add3A_362 : vector<16xi32>
        %gather3A_364 = tpu.vector_load_idx %arg15[%add3A_363] : memref<512xf32, #tpu.memory_space<vmem>>[vector<16xi32>], vector<16xf32>,
        %add3A_365 = arith.addf %add3A_358, %gather3A_364 : vector<16xf32>
        %gather3A_366 = tpu.vector_load_idx %arg16[%add3A_363] : memref<512xi32, #tpu.memory_space<vmem>>[vector<16xi32>], vector<16xi32>,
        %add3A_367 = arith.addi %add3A_360, %gather3A_366 : vector<16xi32>
        %add3A_368 = arith.constant 3 : i32
        %add3A_369 = vector.broadcast %add3A_368 : i32 to vector<16xi32>
        %add3A_370 = arith.addi %mul3A_342, %add3A_369 : vector<16xi32>
        %gather3A_371 = tpu.vector_load_idx %arg15[%add3A_370] : memref<512xf32, #tpu.memory_space<vmem>>[vector<16xi32>], vector<16xf32>,
        %add3A_372 = arith.addf %add3A_365, %gather3A_371 : vector<16xf32>
        %gather3A_373 = tpu.vector_load_idx %arg16[%add3A_370] : memref<512xi32, #tpu.memory_space<vmem>>[vector<16xi32>], vector<16xi32>,
        %add3A_374 = arith.addi %add3A_367, %gather3A_373 : vector<16xi32>
        %add3A_375 = arith.constant 4 : i32
        %add3A_376 = vector.broadcast %add3A_375 : i32 to vector<16xi32>
        %add3A_377 = arith.addi %mul3A_342, %add3A_376 : vector<16xi32>
        %gather3A_378 = tpu.vector_load_idx %arg15[%add3A_377] : memref<512xf32, #tpu.memory_space<vmem>>[vector<16xi32>], vector<16xf32>,
        %add3A_379 = arith.addf %add3A_372, %gather3A_378 : vector<16xf32>
        %gather3A_380 = tpu.vector_load_idx %arg16[%add3A_377] : memref<512xi32, #tpu.memory_space<vmem>>[vector<16xi32>], vector<16xi32>,
        %add3A_381 = arith.addi %add3A_374, %gather3A_380 : vector<16xi32>
        %add3A_382 = arith.constant 5 : i32
        %add3A_383 = vector.broadcast %add3A_382 : i32 to vector<16xi32>
        %add3A_384 = arith.addi %mul3A_342, %add3A_383 : vector<16xi32>
        %gather3A_385 = tpu.vector_load_idx %arg15[%add3A_384] : memref<512xf32, #tpu.memory_space<vmem>>[vector<16xi32>], vector<16xf32>,
        %add3A_386 = arith.addf %add3A_379, %gather3A_385 : vector<16xf32>
        %gather3A_387 = tpu.vector_load_idx %arg16[%add3A_384] : memref<512xi32, #tpu.memory_space<vmem>>[vector<16xi32>], vector<16xi32>,
        %add3A_388 = arith.addi %add3A_381, %gather3A_387 : vector<16xi32>
        %add3A_389 = arith.constant 6 : i32
        %add3A_390 = vector.broadcast %add3A_389 : i32 to vector<16xi32>
        %add3A_391 = arith.addi %mul3A_342, %add3A_390 : vector<16xi32>
        %gather3A_392 = tpu.vector_load_idx %arg15[%add3A_391] : memref<512xf32, #tpu.memory_space<vmem>>[vector<16xi32>], vector<16xf32>,
        %add3A_393 = arith.addf %add3A_386, %gather3A_392 : vector<16xf32>
        %gather3A_394 = tpu.vector_load_idx %arg16[%add3A_391] : memref<512xi32, #tpu.memory_space<vmem>>[vector<16xi32>], vector<16xi32>,
        %add3A_395 = arith.addi %add3A_388, %gather3A_394 : vector<16xi32>
        %add3A_396 = arith.constant 7 : i32
        %add3A_397 = vector.broadcast %add3A_396 : i32 to vector<16xi32>
        %add3A_398 = arith.addi %mul3A_342, %add3A_397 : vector<16xi32>
        %gather3A_399 = tpu.vector_load_idx %arg15[%add3A_398] : memref<512xf32, #tpu.memory_space<vmem>>[vector<16xi32>], vector<16xf32>,
        %add3A_400 = arith.addf %add3A_393, %gather3A_399 : vector<16xf32>
        %gather3A_401 = tpu.vector_load_idx %arg16[%add3A_398] : memref<512xi32, #tpu.memory_space<vmem>>[vector<16xi32>], vector<16xi32>,
        %add3A_402 = arith.addi %add3A_395, %gather3A_401 : vector<16xi32>
        %add3A_403 = arith.constant 8 : i32
        %add3A_404 = vector.broadcast %add3A_403 : i32 to vector<16xi32>
        %add3A_405 = arith.addi %mul3A_342, %add3A_404 : vector<16xi32>
        %gather3A_406 = tpu.vector_load_idx %arg15[%add3A_405] : memref<512xf32, #tpu.memory_space<vmem>>[vector<16xi32>], vector<16xf32>,
        %add3A_407 = arith.addf %add3A_400, %gather3A_406 : vector<16xf32>
        %gather3A_408 = tpu.vector_load_idx %arg16[%add3A_405] : memref<512xi32, #tpu.memory_space<vmem>>[vector<16xi32>], vector<16xi32>,
        %add3A_409 = arith.addi %add3A_402, %gather3A_408 : vector<16xi32>
        %add3A_410 = arith.constant 9 : i32
        %add3A_411 = vector.broadcast %add3A_410 : i32 to vector<16xi32>
        %add3A_412 = arith.addi %mul3A_342, %add3A_411 : vector<16xi32>
        %gather3A_413 = tpu.vector_load_idx %arg15[%add3A_412] : memref<512xf32, #tpu.memory_space<vmem>>[vector<16xi32>], vector<16xf32>,
        %add3A_414 = arith.addf %add3A_407, %gather3A_413 : vector<16xf32>
        %gather3A_415 = tpu.vector_load_idx %arg16[%add3A_412] : memref<512xi32, #tpu.memory_space<vmem>>[vector<16xi32>], vector<16xi32>,
        %add3A_416 = arith.addi %add3A_409, %gather3A_415 : vector<16xi32>
        %add3A_417 = arith.constant 10 : i32
        %add3A_418 = vector.broadcast %add3A_417 : i32 to vector<16xi32>
        %add3A_419 = arith.addi %mul3A_342, %add3A_418 : vector<16xi32>
        %gather3A_420 = tpu.vector_load_idx %arg15[%add3A_419] : memref<512xf32, #tpu.memory_space<vmem>>[vector<16xi32>], vector<16xf32>,
        %add3A_421 = arith.addf %add3A_414, %gather3A_420 : vector<16xf32>
        %gather3A_422 = tpu.vector_load_idx %arg16[%add3A_419] : memref<512xi32, #tpu.memory_space<vmem>>[vector<16xi32>], vector<16xi32>,
        %add3A_423 = arith.addi %add3A_416, %gather3A_422 : vector<16xi32>
        %add3A_424 = arith.constant 11 : i32
        %add3A_425 = vector.broadcast %add3A_424 : i32 to vector<16xi32>
        %add3A_426 = arith.addi %mul3A_342, %add3A_425 : vector<16xi32>
        %gather3A_427 = tpu.vector_load_idx %arg15[%add3A_426] : memref<512xf32, #tpu.memory_space<vmem>>[vector<16xi32>], vector<16xf32>,
        %add3A_428 = arith.addf %add3A_421, %gather3A_427 : vector<16xf32>
        %gather3A_429 = tpu.vector_load_idx %arg16[%add3A_426] : memref<512xi32, #tpu.memory_space<vmem>>[vector<16xi32>], vector<16xi32>,
        %add3A_430 = arith.addi %add3A_423, %gather3A_429 : vector<16xi32>
        %add3A_431 = arith.constant 12 : i32
        %add3A_432 = vector.broadcast %add3A_431 : i32 to vector<16xi32>
        %add3A_433 = arith.addi %mul3A_342, %add3A_432 : vector<16xi32>
        %gather3A_434 = tpu.vector_load_idx %arg15[%add3A_433] : memref<512xf32, #tpu.memory_space<vmem>>[vector<16xi32>], vector<16xf32>,
        %add3A_435 = arith.addf %add3A_428, %gather3A_434 : vector<16xf32>
        %gather3A_436 = tpu.vector_load_idx %arg16[%add3A_433] : memref<512xi32, #tpu.memory_space<vmem>>[vector<16xi32>], vector<16xi32>,
        %add3A_437 = arith.addi %add3A_430, %gather3A_436 : vector<16xi32>
        %add3A_438 = arith.constant 13 : i32
        %add3A_439 = vector.broadcast %add3A_438 : i32 to vector<16xi32>
        %add3A_440 = arith.addi %mul3A_342, %add3A_439 : vector<16xi32>
        %gather3A_441 = tpu.vector_load_idx %arg15[%add3A_440] : memref<512xf32, #tpu.memory_space<vmem>>[vector<16xi32>], vector<16xf32>,
        %add3A_442 = arith.addf %add3A_435, %gather3A_441 : vector<16xf32>
        %gather3A_443 = tpu.vector_load_idx %arg16[%add3A_440] : memref<512xi32, #tpu.memory_space<vmem>>[vector<16xi32>], vector<16xi32>,
        %add3A_444 = arith.addi %add3A_437, %gather3A_443 : vector<16xi32>
        %add3A_445 = arith.constant 14 : i32
        %add3A_446 = vector.broadcast %add3A_445 : i32 to vector<16xi32>
        %add3A_447 = arith.addi %mul3A_342, %add3A_446 : vector<16xi32>
        %gather3A_448 = tpu.vector_load_idx %arg15[%add3A_447] : memref<512xf32, #tpu.memory_space<vmem>>[vector<16xi32>], vector<16xf32>,
        %add3A_449 = arith.addf %add3A_442, %gather3A_448 : vector<16xf32>
        %gather3A_450 = tpu.vector_load_idx %arg16[%add3A_447] : memref<512xi32, #tpu.memory_space<vmem>>[vector<16xi32>], vector<16xi32>,
        %add3A_451 = arith.addi %add3A_444, %gather3A_450 : vector<16xi32>
        %add3A_452 = arith.constant 15 : i32
        %add3A_453 = vector.broadcast %add3A_452 : i32 to vector<16xi32>
        %add3A_454 = arith.addi %mul3A_342, %add3A_453 : vector<16xi32>
        %gather3A_455 = tpu.vector_load_idx %arg15[%add3A_454] : memref<512xf32, #tpu.memory_space<vmem>>[vector<16xi32>], vector<16xf32>,
        %add3A_456 = arith.addf %add3A_449, %gather3A_455 : vector<16xf32>
        %gather3A_457 = tpu.vector_load_idx %arg16[%add3A_454] : memref<512xi32, #tpu.memory_space<vmem>>[vector<16xi32>], vector<16xi32>,
        %add3A_458 = arith.addi %add3A_451, %gather3A_457 : vector<16xi32>
        %convert_element_type3A_459 = arith.sitofp %add3A_458 : vector<16xi32> to vector<16xf32>
        %div3A_460 = arith.divf %add3A_456, %convert_element_type3A_459 : vector<16xf32>
        %mul3A_461 = arith.constant 32 : i32
        %mul3A_462 = arith.muli %add3A_330, %mul3A_461 : i32
        %add3A_463 = arith.constant 0 : i32
        %add3A_464 = arith.addi %mul3A_462, %add3A_463 : i32
        %swap3A_465 = arith.index_cast %add3A_464 : i32 to index
        %swap3A_466 = tpu.vector_load %arg13[%swap3A_465] {strides = array<i32>} : memref<1024xf32, #tpu.memory_space<vmem>>, vector<16xf32>,
        tpu.vector_store %arg13[%swap3A_465], %div3A_460 {strides = array<i32>} : memref<1024xf32, #tpu.memory_space<vmem>>, vector<16xf32>,
        %add3A_467 = arith.constant 16 : i32
        %add3A_468 = vector.broadcast %add3A_467 : i32 to vector<16xi32>
        %add3A_469 = arith.addi %iota3A, %add3A_468 : vector<16xi32>
        %mul3A_470 = arith.constant 16 : i32
        %mul3A_471 = vector.broadcast %mul3A_470 : i32 to vector<16xi32>
        %mul3A_472 = arith.muli %add3A_469, %mul3A_471 : vector<16xi32>
        %broadcast_in_dim3A_473 = arith.constant 0.000000e+00 : f32
        %broadcast_in_dim3A_474 = vector.broadcast %broadcast_in_dim3A_473 : f32 to vector<16xf32>
        %broadcast_in_dim3A_475 = arith.constant 0 : i32
        %broadcast_in_dim3A_476 = vector.broadcast %broadcast_in_dim3A_475 : i32 to vector<16xi32>
        %add3A_477 = arith.constant 0 : i32
        %add3A_478 = vector.broadcast %add3A_477 : i32 to vector<16xi32>
        %add3A_479 = arith.addi %mul3A_472, %add3A_478 : vector<16xi32>
        %gather3A_480 = tpu.vector_load_idx %arg15[%add3A_479] : memref<512xf32, #tpu.memory_space<vmem>>[vector<16xi32>], vector<16xf32>,
        %add3A_481 = arith.addf %broadcast_in_dim3A_474, %gather3A_480 : vector<16xf32>
        %gather3A_482 = tpu.vector_load_idx %arg16[%add3A_479] : memref<512xi32, #tpu.memory_space<vmem>>[vector<16xi32>], vector<16xi32>,
        %add3A_483 = arith.addi %broadcast_in_dim3A_476, %gather3A_482 : vector<16xi32>
        %add3A_484 = arith.constant 1 : i32
        %add3A_485 = vector.broadcast %add3A_484 : i32 to vector<16xi32>
        %add3A_486 = arith.addi %mul3A_472, %add3A_485 : vector<16xi32>
        %gather3A_487 = tpu.vector_load_idx %arg15[%add3A_486] : memref<512xf32, #tpu.memory_space<vmem>>[vector<16xi32>], vector<16xf32>,
        %add3A_488 = arith.addf %add3A_481, %gather3A_487 : vector<16xf32>
        %gather3A_489 = tpu.vector_load_idx %arg16[%add3A_486] : memref<512xi32, #tpu.memory_space<vmem>>[vector<16xi32>], vector<16xi32>,
        %add3A_490 = arith.addi %add3A_483, %gather3A_489 : vector<16xi32>
        %add3A_491 = arith.constant 2 : i32
        %add3A_492 = vector.broadcast %add3A_491 : i32 to vector<16xi32>
        %add3A_493 = arith.addi %mul3A_472, %add3A_492 : vector<16xi32>
        %gather3A_494 = tpu.vector_load_idx %arg15[%add3A_493] : memref<512xf32, #tpu.memory_space<vmem>>[vector<16xi32>], vector<16xf32>,
        %add3A_495 = arith.addf %add3A_488, %gather3A_494 : vector<16xf32>
        %gather3A_496 = tpu.vector_load_idx %arg16[%add3A_493] : memref<512xi32, #tpu.memory_space<vmem>>[vector<16xi32>], vector<16xi32>,
        %add3A_497 = arith.addi %add3A_490, %gather3A_496 : vector<16xi32>
        %add3A_498 = arith.constant 3 : i32
        %add3A_499 = vector.broadcast %add3A_498 : i32 to vector<16xi32>
        %add3A_500 = arith.addi %mul3A_472, %add3A_499 : vector<16xi32>
        %gather3A_501 = tpu.vector_load_idx %arg15[%add3A_500] : memref<512xf32, #tpu.memory_space<vmem>>[vector<16xi32>], vector<16xf32>,
        %add3A_502 = arith.addf %add3A_495, %gather3A_501 : vector<16xf32>
        %gather3A_503 = tpu.vector_load_idx %arg16[%add3A_500] : memref<512xi32, #tpu.memory_space<vmem>>[vector<16xi32>], vector<16xi32>,
        %add3A_504 = arith.addi %add3A_497, %gather3A_503 : vector<16xi32>
        %add3A_505 = arith.constant 4 : i32
        %add3A_506 = vector.broadcast %add3A_505 : i32 to vector<16xi32>
        %add3A_507 = arith.addi %mul3A_472, %add3A_506 : vector<16xi32>
        %gather3A_508 = tpu.vector_load_idx %arg15[%add3A_507] : memref<512xf32, #tpu.memory_space<vmem>>[vector<16xi32>], vector<16xf32>,
        %add3A_509 = arith.addf %add3A_502, %gather3A_508 : vector<16xf32>
        %gather3A_510 = tpu.vector_load_idx %arg16[%add3A_507] : memref<512xi32, #tpu.memory_space<vmem>>[vector<16xi32>], vector<16xi32>,
        %add3A_511 = arith.addi %add3A_504, %gather3A_510 : vector<16xi32>
        %add3A_512 = arith.constant 5 : i32
        %add3A_513 = vector.broadcast %add3A_512 : i32 to vector<16xi32>
        %add3A_514 = arith.addi %mul3A_472, %add3A_513 : vector<16xi32>
        %gather3A_515 = tpu.vector_load_idx %arg15[%add3A_514] : memref<512xf32, #tpu.memory_space<vmem>>[vector<16xi32>], vector<16xf32>,
        %add3A_516 = arith.addf %add3A_509, %gather3A_515 : vector<16xf32>
        %gather3A_517 = tpu.vector_load_idx %arg16[%add3A_514] : memref<512xi32, #tpu.memory_space<vmem>>[vector<16xi32>], vector<16xi32>,
        %add3A_518 = arith.addi %add3A_511, %gather3A_517 : vector<16xi32>
        %add3A_519 = arith.constant 6 : i32
        %add3A_520 = vector.broadcast %add3A_519 : i32 to vector<16xi32>
        %add3A_521 = arith.addi %mul3A_472, %add3A_520 : vector<16xi32>
        %gather3A_522 = tpu.vector_load_idx %arg15[%add3A_521] : memref<512xf32, #tpu.memory_space<vmem>>[vector<16xi32>], vector<16xf32>,
        %add3A_523 = arith.addf %add3A_516, %gather3A_522 : vector<16xf32>
        %gather3A_524 = tpu.vector_load_idx %arg16[%add3A_521] : memref<512xi32, #tpu.memory_space<vmem>>[vector<16xi32>], vector<16xi32>,
        %add3A_525 = arith.addi %add3A_518, %gather3A_524 : vector<16xi32>
        %add3A_526 = arith.constant 7 : i32
        %add3A_527 = vector.broadcast %add3A_526 : i32 to vector<16xi32>
        %add3A_528 = arith.addi %mul3A_472, %add3A_527 : vector<16xi32>
        %gather3A_529 = tpu.vector_load_idx %arg15[%add3A_528] : memref<512xf32, #tpu.memory_space<vmem>>[vector<16xi32>], vector<16xf32>,
        %add3A_530 = arith.addf %add3A_523, %gather3A_529 : vector<16xf32>
        %gather3A_531 = tpu.vector_load_idx %arg16[%add3A_528] : memref<512xi32, #tpu.memory_space<vmem>>[vector<16xi32>], vector<16xi32>,
        %add3A_532 = arith.addi %add3A_525, %gather3A_531 : vector<16xi32>
        %add3A_533 = arith.constant 8 : i32
        %add3A_534 = vector.broadcast %add3A_533 : i32 to vector<16xi32>
        %add3A_535 = arith.addi %mul3A_472, %add3A_534 : vector<16xi32>
        %gather3A_536 = tpu.vector_load_idx %arg15[%add3A_535] : memref<512xf32, #tpu.memory_space<vmem>>[vector<16xi32>], vector<16xf32>,
        %add3A_537 = arith.addf %add3A_530, %gather3A_536 : vector<16xf32>
        %gather3A_538 = tpu.vector_load_idx %arg16[%add3A_535] : memref<512xi32, #tpu.memory_space<vmem>>[vector<16xi32>], vector<16xi32>,
        %add3A_539 = arith.addi %add3A_532, %gather3A_538 : vector<16xi32>
        %add3A_540 = arith.constant 9 : i32
        %add3A_541 = vector.broadcast %add3A_540 : i32 to vector<16xi32>
        %add3A_542 = arith.addi %mul3A_472, %add3A_541 : vector<16xi32>
        %gather3A_543 = tpu.vector_load_idx %arg15[%add3A_542] : memref<512xf32, #tpu.memory_space<vmem>>[vector<16xi32>], vector<16xf32>,
        %add3A_544 = arith.addf %add3A_537, %gather3A_543 : vector<16xf32>
        %gather3A_545 = tpu.vector_load_idx %arg16[%add3A_542] : memref<512xi32, #tpu.memory_space<vmem>>[vector<16xi32>], vector<16xi32>,
        %add3A_546 = arith.addi %add3A_539, %gather3A_545 : vector<16xi32>
        %add3A_547 = arith.constant 10 : i32
        %add3A_548 = vector.broadcast %add3A_547 : i32 to vector<16xi32>
        %add3A_549 = arith.addi %mul3A_472, %add3A_548 : vector<16xi32>
        %gather3A_550 = tpu.vector_load_idx %arg15[%add3A_549] : memref<512xf32, #tpu.memory_space<vmem>>[vector<16xi32>], vector<16xf32>,
        %add3A_551 = arith.addf %add3A_544, %gather3A_550 : vector<16xf32>
        %gather3A_552 = tpu.vector_load_idx %arg16[%add3A_549] : memref<512xi32, #tpu.memory_space<vmem>>[vector<16xi32>], vector<16xi32>,
        %add3A_553 = arith.addi %add3A_546, %gather3A_552 : vector<16xi32>
        %add3A_554 = arith.constant 11 : i32
        %add3A_555 = vector.broadcast %add3A_554 : i32 to vector<16xi32>
        %add3A_556 = arith.addi %mul3A_472, %add3A_555 : vector<16xi32>
        %gather3A_557 = tpu.vector_load_idx %arg15[%add3A_556] : memref<512xf32, #tpu.memory_space<vmem>>[vector<16xi32>], vector<16xf32>,
        %add3A_558 = arith.addf %add3A_551, %gather3A_557 : vector<16xf32>
        %gather3A_559 = tpu.vector_load_idx %arg16[%add3A_556] : memref<512xi32, #tpu.memory_space<vmem>>[vector<16xi32>], vector<16xi32>,
        %add3A_560 = arith.addi %add3A_553, %gather3A_559 : vector<16xi32>
        %add3A_561 = arith.constant 12 : i32
        %add3A_562 = vector.broadcast %add3A_561 : i32 to vector<16xi32>
        %add3A_563 = arith.addi %mul3A_472, %add3A_562 : vector<16xi32>
        %gather3A_564 = tpu.vector_load_idx %arg15[%add3A_563] : memref<512xf32, #tpu.memory_space<vmem>>[vector<16xi32>], vector<16xf32>,
        %add3A_565 = arith.addf %add3A_558, %gather3A_564 : vector<16xf32>
        %gather3A_566 = tpu.vector_load_idx %arg16[%add3A_563] : memref<512xi32, #tpu.memory_space<vmem>>[vector<16xi32>], vector<16xi32>,
        %add3A_567 = arith.addi %add3A_560, %gather3A_566 : vector<16xi32>
        %add3A_568 = arith.constant 13 : i32
        %add3A_569 = vector.broadcast %add3A_568 : i32 to vector<16xi32>
        %add3A_570 = arith.addi %mul3A_472, %add3A_569 : vector<16xi32>
        %gather3A_571 = tpu.vector_load_idx %arg15[%add3A_570] : memref<512xf32, #tpu.memory_space<vmem>>[vector<16xi32>], vector<16xf32>,
        %add3A_572 = arith.addf %add3A_565, %gather3A_571 : vector<16xf32>
        %gather3A_573 = tpu.vector_load_idx %arg16[%add3A_570] : memref<512xi32, #tpu.memory_space<vmem>>[vector<16xi32>], vector<16xi32>,
        %add3A_574 = arith.addi %add3A_567, %gather3A_573 : vector<16xi32>
        %add3A_575 = arith.constant 14 : i32
        %add3A_576 = vector.broadcast %add3A_575 : i32 to vector<16xi32>
        %add3A_577 = arith.addi %mul3A_472, %add3A_576 : vector<16xi32>
        %gather3A_578 = tpu.vector_load_idx %arg15[%add3A_577] : memref<512xf32, #tpu.memory_space<vmem>>[vector<16xi32>], vector<16xf32>,
        %add3A_579 = arith.addf %add3A_572, %gather3A_578 : vector<16xf32>
        %gather3A_580 = tpu.vector_load_idx %arg16[%add3A_577] : memref<512xi32, #tpu.memory_space<vmem>>[vector<16xi32>], vector<16xi32>,
        %add3A_581 = arith.addi %add3A_574, %gather3A_580 : vector<16xi32>
        %add3A_582 = arith.constant 15 : i32
        %add3A_583 = vector.broadcast %add3A_582 : i32 to vector<16xi32>
        %add3A_584 = arith.addi %mul3A_472, %add3A_583 : vector<16xi32>
        %gather3A_585 = tpu.vector_load_idx %arg15[%add3A_584] : memref<512xf32, #tpu.memory_space<vmem>>[vector<16xi32>], vector<16xf32>,
        %add3A_586 = arith.addf %add3A_579, %gather3A_585 : vector<16xf32>
        %gather3A_587 = tpu.vector_load_idx %arg16[%add3A_584] : memref<512xi32, #tpu.memory_space<vmem>>[vector<16xi32>], vector<16xi32>,
        %add3A_588 = arith.addi %add3A_581, %gather3A_587 : vector<16xi32>
        %convert_element_type3A_589 = arith.sitofp %add3A_588 : vector<16xi32> to vector<16xf32>
        %div3A_590 = arith.divf %add3A_586, %convert_element_type3A_589 : vector<16xf32>
        %mul3A_591 = arith.constant 32 : i32
        %mul3A_592 = arith.muli %add3A_330, %mul3A_591 : i32
        %add3A_593 = arith.constant 16 : i32
        %add3A_594 = arith.addi %mul3A_592, %add3A_593 : i32
        %swap3A_595 = arith.index_cast %add3A_594 : i32 to index
        %swap3A_596 = tpu.vector_load %arg13[%swap3A_595] {strides = array<i32>} : memref<1024xf32, #tpu.memory_space<vmem>>, vector<16xf32>,
        tpu.vector_store %arg13[%swap3A_595], %div3A_590 {strides = array<i32>} : memref<1024xf32, #tpu.memory_space<vmem>>, vector<16xf32>,
      }
      %scan3A_28 = arith.constant 16 : i32
      %run_scoped3A = arith.constant 0 : i32
      "tpu.region"() ({
        %run_scoped3A_29 = tpu.sem_alloc : memref<!tpu.dma_semaphore, #tpu.memory_space<semaphore_mem>>
        %dma_start3A_30 = tpu.memref_slice %arg7[%run_scoped3A, %mul3A_0] : memref<2x16384xf32, #tpu.memory_space<hbm>> -> memref<1x1024xf32, #tpu.memory_space<hbm>>
        %dma_start3A_31 = tpu.memref_squeeze %dma_start3A_30 : memref<1x1024xf32, #tpu.memory_space<hbm>> -> memref<1024xf32, #tpu.memory_space<hbm>>
        %dma_start3A_32 = tpu.memref_slice %arg7[%run_scoped3A, %mul3A_0] : memref<2x16384xf32, #tpu.memory_space<hbm>> -> memref<1x1024xf32, #tpu.memory_space<hbm>>
        %dma_start3A_33 = tpu.memref_squeeze %dma_start3A_32 : memref<1x1024xf32, #tpu.memory_space<hbm>> -> memref<1024xf32, #tpu.memory_space<hbm>>
        tpu.enqueue_dma source(%arg13 : memref<1024xf32, #tpu.memory_space<vmem>>) target(%dma_start3A_33 : memref<1024xf32, #tpu.memory_space<hbm>>) target_semaphore(%run_scoped3A_29 : memref<!tpu.dma_semaphore, #tpu.memory_space<semaphore_mem>>)
        %dma_wait3A = tpu.memref_slice %arg7[%run_scoped3A, %mul3A_0] : memref<2x16384xf32, #tpu.memory_space<hbm>> -> memref<1x1024xf32, #tpu.memory_space<hbm>>
        %dma_wait3A_34 = tpu.memref_squeeze %dma_wait3A : memref<1x1024xf32, #tpu.memory_space<hbm>> -> memref<1024xf32, #tpu.memory_space<hbm>>
        %dma_wait3A_35 = tpu.memref_slice %arg7[%run_scoped3A, %mul3A_0] : memref<2x16384xf32, #tpu.memory_space<hbm>> -> memref<1x1024xf32, #tpu.memory_space<hbm>>
        %dma_wait3A_36 = tpu.memref_squeeze %dma_wait3A_35 : memref<1x1024xf32, #tpu.memory_space<hbm>> -> memref<1024xf32, #tpu.memory_space<hbm>>
        tpu.wait_dma2 semaphore(%run_scoped3A_29 : memref<!tpu.dma_semaphore, #tpu.memory_space<semaphore_mem>>) src(%arg13 : memref<1024xf32, #tpu.memory_space<vmem>>) dst(%dma_wait3A_36 : memref<1024xf32, #tpu.memory_space<hbm>>)
        tpu.yield
      }) : () -> ()
    } else {
    }
    %eq3A_6 = arith.constant 1 : i32
    %eq3A_7 = arith.cmpi eq, %arg0, %eq3A_6 : i32
    %convert_element_type3A_8 = arith.extui %eq3A_7 : i1 to i32
    %cond3A_9 = arith.constant 0 : i32
    %cond3A_10 = arith.cmpi ne, %convert_element_type3A_8, %cond3A_9 : i32
    scf.if %cond3A_10 {
      %eq3A_11 = arith.constant 0 : i32
      %eq3A_12 = arith.cmpi eq, %arg1, %eq3A_11 : i32
      %convert_element_type3A_13 = arith.extui %eq3A_12 : i1 to i32
      %cond3A_14 = arith.constant 0 : i32
      %cond3A_15 = arith.cmpi ne, %convert_element_type3A_13, %cond3A_14 : i32
      scf.if %cond3A_15 {
        "tpu.region"() ({
          %run_scoped3A_29 = tpu.sem_alloc : memref<!tpu.dma_semaphore, #tpu.memory_space<semaphore_mem>>
          tpu.enqueue_dma source(%arg5 : memref<1003520xf32, #tpu.memory_space<hbm>>) target(%arg8 : memref<1003520xf32, #tpu.memory_space<vmem_shared>>) target_semaphore(%run_scoped3A_29 : memref<!tpu.dma_semaphore, #tpu.memory_space<semaphore_mem>>)
          tpu.wait_dma2 semaphore(%run_scoped3A_29 : memref<!tpu.dma_semaphore, #tpu.memory_space<semaphore_mem>>) src(%arg5 : memref<1003520xf32, #tpu.memory_space<hbm>>) dst(%arg8 : memref<1003520xf32, #tpu.memory_space<vmem_shared>>)
          tpu.yield
        }) : () -> ()
      } else {
      }
      %barrier3A = arith.constant 0 : index
      tpu.barrier barrier_id(%barrier3A)
      %add3A = arith.constant 0 : i32
      %add3A_16 = arith.addi %mul3A_0, %add3A : i32
      %mul3A_17 = arith.constant 200 : i32
      %mul3A_18 = arith.muli %add3A_16, %mul3A_17 : i32
      "tpu.region"() ({
        %run_scoped3A_29 = tpu.sem_alloc : memref<!tpu.dma_semaphore, #tpu.memory_space<semaphore_mem>>
        %dma_start3A_30 = arith.constant 0 : i32
        %dma_start3A_31 = tpu.memref_slice %arg9[%dma_start3A_30] : memref<6416xi32, #tpu.memory_space<vmem>> -> memref<6400xi32, #tpu.memory_space<vmem>>
        %dma_start3A_32 = tpu.memref_slice %arg3[%mul3A_18] : memref<3276800xi32, #tpu.memory_space<hbm>> -> memref<6400xi32, #tpu.memory_space<hbm>>
        %dma_start3A_33 = arith.constant 0 : i32
        %dma_start3A_34 = tpu.memref_slice %arg9[%dma_start3A_33] : memref<6416xi32, #tpu.memory_space<vmem>> -> memref<6400xi32, #tpu.memory_space<vmem>>
        %dma_start3A_35 = tpu.memref_slice %arg3[%mul3A_18] : memref<3276800xi32, #tpu.memory_space<hbm>> -> memref<6400xi32, #tpu.memory_space<hbm>>
        tpu.enqueue_dma source(%dma_start3A_35 : memref<6400xi32, #tpu.memory_space<hbm>>) target(%dma_start3A_34 : memref<6400xi32, #tpu.memory_space<vmem>>) target_semaphore(%run_scoped3A_29 : memref<!tpu.dma_semaphore, #tpu.memory_space<semaphore_mem>>)
        %dma_wait3A = arith.constant 0 : i32
        %dma_wait3A_36 = tpu.memref_slice %arg9[%dma_wait3A] : memref<6416xi32, #tpu.memory_space<vmem>> -> memref<6400xi32, #tpu.memory_space<vmem>>
        %dma_wait3A_37 = tpu.memref_slice %arg3[%mul3A_18] : memref<3276800xi32, #tpu.memory_space<hbm>> -> memref<6400xi32, #tpu.memory_space<hbm>>
        %dma_wait3A_38 = arith.constant 0 : i32
        %dma_wait3A_39 = tpu.memref_slice %arg9[%dma_wait3A_38] : memref<6416xi32, #tpu.memory_space<vmem>> -> memref<6400xi32, #tpu.memory_space<vmem>>
        %dma_wait3A_40 = tpu.memref_slice %arg3[%mul3A_18] : memref<3276800xi32, #tpu.memory_space<hbm>> -> memref<6400xi32, #tpu.memory_space<hbm>>
        tpu.wait_dma2 semaphore(%run_scoped3A_29 : memref<!tpu.dma_semaphore, #tpu.memory_space<semaphore_mem>>) src(%dma_wait3A_40 : memref<6400xi32, #tpu.memory_space<hbm>>) dst(%dma_wait3A_39 : memref<6400xi32, #tpu.memory_space<vmem>>)
        tpu.yield
      }) : () -> ()
      %dma_start3A = arith.constant 0 : i32
      %dma_start3A_19 = tpu.memref_slice %arg11[%dma_start3A] : memref<6416xf32, #tpu.memory_space<vmem>> -> memref<6400xf32, #tpu.memory_space<vmem>>
      %dma_start3A_20 = arith.constant 0 : i32
      %dma_start3A_21 = tpu.memref_slice %arg9[%dma_start3A_20] : memref<6416xi32, #tpu.memory_space<vmem>> -> memref<6400xi32, #tpu.memory_space<vmem>>
      %dma_start3A_22 = arith.constant 0 : i32
      %dma_start3A_23 = tpu.memref_slice %arg8[%dma_start3A_22] : memref<1003520xf32, #tpu.memory_space<vmem_shared>> -> memref<1003520xf32, #tpu.memory_space<vmem_shared>>
      tpu.enqueue_indirect_dma source(%dma_start3A_23 : memref<1003520xf32, #tpu.memory_space<vmem_shared>>) target(%dma_start3A_19 : memref<6400xf32, #tpu.memory_space<vmem>>) offsets(%dma_start3A_21 : memref<6400xi32, #tpu.memory_space<vmem>>) semaphore(%arg17 : memref<!tpu.dma_semaphore, #tpu.memory_space<semaphore_mem>>)
      %scan3A = arith.constant 0 : i32
      %scan3A_24 = arith.constant 0 : i32
      %scan3A_25 = arith.constant 16 : i32
      %scan3A_26 = arith.addi %scan3A_24, %scan3A_25 : i32
      %scan3A_27 = arith.constant 1 : i32
      scf.for %scan3A_29 = %scan3A_24 to %scan3A_26 step %scan3A_27  : i32 {
        %mul3A_30 = arith.constant 2 : i32
        %mul3A_31 = arith.muli %scan3A_29, %mul3A_30 : i32
        %dma_wait3A = arith.constant 0 : i32
        %dma_wait3A_32 = tpu.memref_slice %arg11[%dma_wait3A] : memref<6416xf32, #tpu.memory_space<vmem>> -> memref<6400xf32, #tpu.memory_space<vmem>>
        %dma_wait3A_33 = arith.constant 0 : i32
        %dma_wait3A_34 = tpu.memref_slice %arg4[%dma_wait3A_33] : memref<1003520xf32, #tpu.memory_space<hbm>> -> memref<6400xf32, #tpu.memory_space<hbm>>
        %dma_wait3A_35 = arith.constant 0 : i32
        %dma_wait3A_36 = tpu.memref_slice %arg11[%dma_wait3A_35] : memref<6416xf32, #tpu.memory_space<vmem>> -> memref<6400xf32, #tpu.memory_space<vmem>>
        %dma_wait3A_37 = arith.constant 0 : i32
        %dma_wait3A_38 = tpu.memref_slice %arg4[%dma_wait3A_37] : memref<1003520xf32, #tpu.memory_space<hbm>> -> memref<6400xf32, #tpu.memory_space<hbm>>
        tpu.wait_dma2 semaphore(%arg17 : memref<!tpu.dma_semaphore, #tpu.memory_space<semaphore_mem>>) src(%dma_wait3A_38 : memref<6400xf32, #tpu.memory_space<hbm>>) dst(%dma_wait3A_36 : memref<6400xf32, #tpu.memory_space<vmem>>)
        %add3A_39 = arith.constant 1 : i32
        %add3A_40 = arith.addi %mul3A_31, %add3A_39 : i32
        %mul3A_41 = arith.constant 32 : i32
        %mul3A_42 = arith.muli %add3A_40, %mul3A_41 : i32
        %add3A_43 = arith.addi %mul3A_0, %mul3A_42 : i32
        %mul3A_44 = arith.constant 200 : i32
        %mul3A_45 = arith.muli %add3A_43, %mul3A_44 : i32
        "tpu.region"() ({
          %run_scoped3A_601 = tpu.sem_alloc : memref<!tpu.dma_semaphore, #tpu.memory_space<semaphore_mem>>
          %dma_start3A_602 = arith.constant 0 : i32
          %dma_start3A_603 = tpu.memref_slice %arg10[%dma_start3A_602] : memref<6416xi32, #tpu.memory_space<vmem>> -> memref<6400xi32, #tpu.memory_space<vmem>>
          %dma_start3A_604 = tpu.memref_slice %arg3[%mul3A_45] : memref<3276800xi32, #tpu.memory_space<hbm>> -> memref<6400xi32, #tpu.memory_space<hbm>>
          %dma_start3A_605 = arith.constant 0 : i32
          %dma_start3A_606 = tpu.memref_slice %arg10[%dma_start3A_605] : memref<6416xi32, #tpu.memory_space<vmem>> -> memref<6400xi32, #tpu.memory_space<vmem>>
          %dma_start3A_607 = tpu.memref_slice %arg3[%mul3A_45] : memref<3276800xi32, #tpu.memory_space<hbm>> -> memref<6400xi32, #tpu.memory_space<hbm>>
          tpu.enqueue_dma source(%dma_start3A_607 : memref<6400xi32, #tpu.memory_space<hbm>>) target(%dma_start3A_606 : memref<6400xi32, #tpu.memory_space<vmem>>) target_semaphore(%run_scoped3A_601 : memref<!tpu.dma_semaphore, #tpu.memory_space<semaphore_mem>>)
          %dma_wait3A_608 = arith.constant 0 : i32
          %dma_wait3A_609 = tpu.memref_slice %arg10[%dma_wait3A_608] : memref<6416xi32, #tpu.memory_space<vmem>> -> memref<6400xi32, #tpu.memory_space<vmem>>
          %dma_wait3A_610 = tpu.memref_slice %arg3[%mul3A_45] : memref<3276800xi32, #tpu.memory_space<hbm>> -> memref<6400xi32, #tpu.memory_space<hbm>>
          %dma_wait3A_611 = arith.constant 0 : i32
          %dma_wait3A_612 = tpu.memref_slice %arg10[%dma_wait3A_611] : memref<6416xi32, #tpu.memory_space<vmem>> -> memref<6400xi32, #tpu.memory_space<vmem>>
          %dma_wait3A_613 = tpu.memref_slice %arg3[%mul3A_45] : memref<3276800xi32, #tpu.memory_space<hbm>> -> memref<6400xi32, #tpu.memory_space<hbm>>
          tpu.wait_dma2 semaphore(%run_scoped3A_601 : memref<!tpu.dma_semaphore, #tpu.memory_space<semaphore_mem>>) src(%dma_wait3A_613 : memref<6400xi32, #tpu.memory_space<hbm>>) dst(%dma_wait3A_612 : memref<6400xi32, #tpu.memory_space<vmem>>)
          tpu.yield
        }) : () -> ()
        %dma_start3A_46 = arith.constant 0 : i32
        %dma_start3A_47 = tpu.memref_slice %arg12[%dma_start3A_46] : memref<6416xf32, #tpu.memory_space<vmem>> -> memref<6400xf32, #tpu.memory_space<vmem>>
        %dma_start3A_48 = arith.constant 0 : i32
        %dma_start3A_49 = tpu.memref_slice %arg10[%dma_start3A_48] : memref<6416xi32, #tpu.memory_space<vmem>> -> memref<6400xi32, #tpu.memory_space<vmem>>
        %dma_start3A_50 = arith.constant 0 : i32
        %dma_start3A_51 = tpu.memref_slice %arg8[%dma_start3A_50] : memref<1003520xf32, #tpu.memory_space<vmem_shared>> -> memref<1003520xf32, #tpu.memory_space<vmem_shared>>
        tpu.enqueue_indirect_dma source(%dma_start3A_51 : memref<1003520xf32, #tpu.memory_space<vmem_shared>>) target(%dma_start3A_47 : memref<6400xf32, #tpu.memory_space<vmem>>) offsets(%dma_start3A_49 : memref<6400xi32, #tpu.memory_space<vmem>>) semaphore(%arg18 : memref<!tpu.dma_semaphore, #tpu.memory_space<semaphore_mem>>)
        %scan3A_52 = arith.constant 0 : i32
        %scan3A_53 = arith.constant 0 : i32
        %scan3A_54 = arith.constant 32 : i32
        %scan3A_55 = arith.addi %scan3A_53, %scan3A_54 : i32
        %scan3A_56 = arith.constant 1 : i32
        scf.for %scan3A_601 = %scan3A_53 to %scan3A_55 step %scan3A_56  : i32 {
          %mul3A_602 = arith.constant 200 : i32
          %mul3A_603 = arith.muli %scan3A_601, %mul3A_602 : i32
          %broadcast_in_dim3A_604 = arith.constant 0.000000e+00 : f32
          %broadcast_in_dim3A_605 = vector.broadcast %broadcast_in_dim3A_604 : f32 to vector<16xf32>
          %broadcast_in_dim3A_606 = arith.constant 0 : i32
          %broadcast_in_dim3A_607 = vector.broadcast %broadcast_in_dim3A_606 : i32 to vector<16xi32>
          %add3A_608 = arith.constant 0 : i32
          %add3A_609 = arith.addi %mul3A_603, %add3A_608 : i32
          %get3A_610 = arith.index_cast %add3A_609 : i32 to index
          %get3A_611 = tpu.vector_load %arg11[%get3A_610] {strides = array<i32>} : memref<6416xf32, #tpu.memory_space<vmem>>, vector<16xf32>,
          %add3A_612 = arith.addf %broadcast_in_dim3A_605, %get3A_611 : vector<16xf32>
          %get3A_613 = arith.index_cast %add3A_609 : i32 to index
          %get3A_614 = tpu.vector_load %arg9[%get3A_613] {strides = array<i32>} : memref<6416xi32, #tpu.memory_space<vmem>>, vector<16xi32>,
          %eq3A_615 = arith.constant 1 : i32
          %eq3A_616 = vector.broadcast %eq3A_615 : i32 to vector<16xi32>
          %eq3A_617 = arith.cmpi eq, %get3A_614, %eq3A_616 : vector<16xi32>
          %jit3A = arith.constant 1 : i32
          %jit3A_618 = arith.constant 0 : i32
          %broadcast_in_dim3A_619 = vector.broadcast %jit3A : i32 to vector<16xi32>
          %broadcast_in_dim3A_620 = vector.broadcast %jit3A_618 : i32 to vector<16xi32>
          %select_n3A = arith.select %eq3A_617, %broadcast_in_dim3A_619, %broadcast_in_dim3A_620 : vector<16xi1>, vector<16xi32>
          %add3A_621 = arith.addi %broadcast_in_dim3A_607, %select_n3A : vector<16xi32>
          %add3A_622 = arith.constant 16 : i32
          %add3A_623 = arith.addi %mul3A_603, %add3A_622 : i32
          %get3A_624 = arith.index_cast %add3A_623 : i32 to index
          %get3A_625 = tpu.vector_load %arg11[%get3A_624] {strides = array<i32>} : memref<6416xf32, #tpu.memory_space<vmem>>, vector<16xf32>,
          %add3A_626 = arith.addf %add3A_612, %get3A_625 : vector<16xf32>
          %get3A_627 = arith.index_cast %add3A_623 : i32 to index
          %get3A_628 = tpu.vector_load %arg9[%get3A_627] {strides = array<i32>} : memref<6416xi32, #tpu.memory_space<vmem>>, vector<16xi32>,
          %eq3A_629 = arith.constant 1 : i32
          %eq3A_630 = vector.broadcast %eq3A_629 : i32 to vector<16xi32>
          %eq3A_631 = arith.cmpi eq, %get3A_628, %eq3A_630 : vector<16xi32>
          %jit3A_632 = arith.constant 1 : i32
          %jit3A_633 = arith.constant 0 : i32
          %broadcast_in_dim3A_634 = vector.broadcast %jit3A_632 : i32 to vector<16xi32>
          %broadcast_in_dim3A_635 = vector.broadcast %jit3A_633 : i32 to vector<16xi32>
          %select_n3A_636 = arith.select %eq3A_631, %broadcast_in_dim3A_634, %broadcast_in_dim3A_635 : vector<16xi1>, vector<16xi32>
          %add3A_637 = arith.addi %add3A_621, %select_n3A_636 : vector<16xi32>
          %add3A_638 = arith.constant 32 : i32
          %add3A_639 = arith.addi %mul3A_603, %add3A_638 : i32
          %get3A_640 = arith.index_cast %add3A_639 : i32 to index
          %get3A_641 = tpu.vector_load %arg11[%get3A_640] {strides = array<i32>} : memref<6416xf32, #tpu.memory_space<vmem>>, vector<16xf32>,
          %add3A_642 = arith.addf %add3A_626, %get3A_641 : vector<16xf32>
          %get3A_643 = arith.index_cast %add3A_639 : i32 to index
          %get3A_644 = tpu.vector_load %arg9[%get3A_643] {strides = array<i32>} : memref<6416xi32, #tpu.memory_space<vmem>>, vector<16xi32>,
          %eq3A_645 = arith.constant 1 : i32
          %eq3A_646 = vector.broadcast %eq3A_645 : i32 to vector<16xi32>
          %eq3A_647 = arith.cmpi eq, %get3A_644, %eq3A_646 : vector<16xi32>
          %jit3A_648 = arith.constant 1 : i32
          %jit3A_649 = arith.constant 0 : i32
          %broadcast_in_dim3A_650 = vector.broadcast %jit3A_648 : i32 to vector<16xi32>
          %broadcast_in_dim3A_651 = vector.broadcast %jit3A_649 : i32 to vector<16xi32>
          %select_n3A_652 = arith.select %eq3A_647, %broadcast_in_dim3A_650, %broadcast_in_dim3A_651 : vector<16xi1>, vector<16xi32>
          %add3A_653 = arith.addi %add3A_637, %select_n3A_652 : vector<16xi32>
          %add3A_654 = arith.constant 48 : i32
          %add3A_655 = arith.addi %mul3A_603, %add3A_654 : i32
          %get3A_656 = arith.index_cast %add3A_655 : i32 to index
          %get3A_657 = tpu.vector_load %arg11[%get3A_656] {strides = array<i32>} : memref<6416xf32, #tpu.memory_space<vmem>>, vector<16xf32>,
          %add3A_658 = arith.addf %add3A_642, %get3A_657 : vector<16xf32>
          %get3A_659 = arith.index_cast %add3A_655 : i32 to index
          %get3A_660 = tpu.vector_load %arg9[%get3A_659] {strides = array<i32>} : memref<6416xi32, #tpu.memory_space<vmem>>, vector<16xi32>,
          %eq3A_661 = arith.constant 1 : i32
          %eq3A_662 = vector.broadcast %eq3A_661 : i32 to vector<16xi32>
          %eq3A_663 = arith.cmpi eq, %get3A_660, %eq3A_662 : vector<16xi32>
          %jit3A_664 = arith.constant 1 : i32
          %jit3A_665 = arith.constant 0 : i32
          %broadcast_in_dim3A_666 = vector.broadcast %jit3A_664 : i32 to vector<16xi32>
          %broadcast_in_dim3A_667 = vector.broadcast %jit3A_665 : i32 to vector<16xi32>
          %select_n3A_668 = arith.select %eq3A_663, %broadcast_in_dim3A_666, %broadcast_in_dim3A_667 : vector<16xi1>, vector<16xi32>
          %add3A_669 = arith.addi %add3A_653, %select_n3A_668 : vector<16xi32>
          %add3A_670 = arith.constant 64 : i32
          %add3A_671 = arith.addi %mul3A_603, %add3A_670 : i32
          %get3A_672 = arith.index_cast %add3A_671 : i32 to index
          %get3A_673 = tpu.vector_load %arg11[%get3A_672] {strides = array<i32>} : memref<6416xf32, #tpu.memory_space<vmem>>, vector<16xf32>,
          %add3A_674 = arith.addf %add3A_658, %get3A_673 : vector<16xf32>
          %get3A_675 = arith.index_cast %add3A_671 : i32 to index
          %get3A_676 = tpu.vector_load %arg9[%get3A_675] {strides = array<i32>} : memref<6416xi32, #tpu.memory_space<vmem>>, vector<16xi32>,
          %eq3A_677 = arith.constant 1 : i32
          %eq3A_678 = vector.broadcast %eq3A_677 : i32 to vector<16xi32>
          %eq3A_679 = arith.cmpi eq, %get3A_676, %eq3A_678 : vector<16xi32>
          %jit3A_680 = arith.constant 1 : i32
          %jit3A_681 = arith.constant 0 : i32
          %broadcast_in_dim3A_682 = vector.broadcast %jit3A_680 : i32 to vector<16xi32>
          %broadcast_in_dim3A_683 = vector.broadcast %jit3A_681 : i32 to vector<16xi32>
          %select_n3A_684 = arith.select %eq3A_679, %broadcast_in_dim3A_682, %broadcast_in_dim3A_683 : vector<16xi1>, vector<16xi32>
          %add3A_685 = arith.addi %add3A_669, %select_n3A_684 : vector<16xi32>
          %add3A_686 = arith.constant 80 : i32
          %add3A_687 = arith.addi %mul3A_603, %add3A_686 : i32
          %get3A_688 = arith.index_cast %add3A_687 : i32 to index
          %get3A_689 = tpu.vector_load %arg11[%get3A_688] {strides = array<i32>} : memref<6416xf32, #tpu.memory_space<vmem>>, vector<16xf32>,
          %add3A_690 = arith.addf %add3A_674, %get3A_689 : vector<16xf32>
          %get3A_691 = arith.index_cast %add3A_687 : i32 to index
          %get3A_692 = tpu.vector_load %arg9[%get3A_691] {strides = array<i32>} : memref<6416xi32, #tpu.memory_space<vmem>>, vector<16xi32>,
          %eq3A_693 = arith.constant 1 : i32
          %eq3A_694 = vector.broadcast %eq3A_693 : i32 to vector<16xi32>
          %eq3A_695 = arith.cmpi eq, %get3A_692, %eq3A_694 : vector<16xi32>
          %jit3A_696 = arith.constant 1 : i32
          %jit3A_697 = arith.constant 0 : i32
          %broadcast_in_dim3A_698 = vector.broadcast %jit3A_696 : i32 to vector<16xi32>
          %broadcast_in_dim3A_699 = vector.broadcast %jit3A_697 : i32 to vector<16xi32>
          %select_n3A_700 = arith.select %eq3A_695, %broadcast_in_dim3A_698, %broadcast_in_dim3A_699 : vector<16xi1>, vector<16xi32>
          %add3A_701 = arith.addi %add3A_685, %select_n3A_700 : vector<16xi32>
          %add3A_702 = arith.constant 96 : i32
          %add3A_703 = arith.addi %mul3A_603, %add3A_702 : i32
          %get3A_704 = arith.index_cast %add3A_703 : i32 to index
          %get3A_705 = tpu.vector_load %arg11[%get3A_704] {strides = array<i32>} : memref<6416xf32, #tpu.memory_space<vmem>>, vector<16xf32>,
          %add3A_706 = arith.addf %add3A_690, %get3A_705 : vector<16xf32>
          %get3A_707 = arith.index_cast %add3A_703 : i32 to index
          %get3A_708 = tpu.vector_load %arg9[%get3A_707] {strides = array<i32>} : memref<6416xi32, #tpu.memory_space<vmem>>, vector<16xi32>,
          %eq3A_709 = arith.constant 1 : i32
          %eq3A_710 = vector.broadcast %eq3A_709 : i32 to vector<16xi32>
          %eq3A_711 = arith.cmpi eq, %get3A_708, %eq3A_710 : vector<16xi32>
          %jit3A_712 = arith.constant 1 : i32
          %jit3A_713 = arith.constant 0 : i32
          %broadcast_in_dim3A_714 = vector.broadcast %jit3A_712 : i32 to vector<16xi32>
          %broadcast_in_dim3A_715 = vector.broadcast %jit3A_713 : i32 to vector<16xi32>
          %select_n3A_716 = arith.select %eq3A_711, %broadcast_in_dim3A_714, %broadcast_in_dim3A_715 : vector<16xi1>, vector<16xi32>
          %add3A_717 = arith.addi %add3A_701, %select_n3A_716 : vector<16xi32>
          %add3A_718 = arith.constant 112 : i32
          %add3A_719 = arith.addi %mul3A_603, %add3A_718 : i32
          %get3A_720 = arith.index_cast %add3A_719 : i32 to index
          %get3A_721 = tpu.vector_load %arg11[%get3A_720] {strides = array<i32>} : memref<6416xf32, #tpu.memory_space<vmem>>, vector<16xf32>,
          %add3A_722 = arith.addf %add3A_706, %get3A_721 : vector<16xf32>
          %get3A_723 = arith.index_cast %add3A_719 : i32 to index
          %get3A_724 = tpu.vector_load %arg9[%get3A_723] {strides = array<i32>} : memref<6416xi32, #tpu.memory_space<vmem>>, vector<16xi32>,
          %eq3A_725 = arith.constant 1 : i32
          %eq3A_726 = vector.broadcast %eq3A_725 : i32 to vector<16xi32>
          %eq3A_727 = arith.cmpi eq, %get3A_724, %eq3A_726 : vector<16xi32>
          %jit3A_728 = arith.constant 1 : i32
          %jit3A_729 = arith.constant 0 : i32
          %broadcast_in_dim3A_730 = vector.broadcast %jit3A_728 : i32 to vector<16xi32>
          %broadcast_in_dim3A_731 = vector.broadcast %jit3A_729 : i32 to vector<16xi32>
          %select_n3A_732 = arith.select %eq3A_727, %broadcast_in_dim3A_730, %broadcast_in_dim3A_731 : vector<16xi1>, vector<16xi32>
          %add3A_733 = arith.addi %add3A_717, %select_n3A_732 : vector<16xi32>
          %add3A_734 = arith.constant 128 : i32
          %add3A_735 = arith.addi %mul3A_603, %add3A_734 : i32
          %get3A_736 = arith.index_cast %add3A_735 : i32 to index
          %get3A_737 = tpu.vector_load %arg11[%get3A_736] {strides = array<i32>} : memref<6416xf32, #tpu.memory_space<vmem>>, vector<16xf32>,
          %add3A_738 = arith.addf %add3A_722, %get3A_737 : vector<16xf32>
          %get3A_739 = arith.index_cast %add3A_735 : i32 to index
          %get3A_740 = tpu.vector_load %arg9[%get3A_739] {strides = array<i32>} : memref<6416xi32, #tpu.memory_space<vmem>>, vector<16xi32>,
          %eq3A_741 = arith.constant 1 : i32
          %eq3A_742 = vector.broadcast %eq3A_741 : i32 to vector<16xi32>
          %eq3A_743 = arith.cmpi eq, %get3A_740, %eq3A_742 : vector<16xi32>
          %jit3A_744 = arith.constant 1 : i32
          %jit3A_745 = arith.constant 0 : i32
          %broadcast_in_dim3A_746 = vector.broadcast %jit3A_744 : i32 to vector<16xi32>
          %broadcast_in_dim3A_747 = vector.broadcast %jit3A_745 : i32 to vector<16xi32>
          %select_n3A_748 = arith.select %eq3A_743, %broadcast_in_dim3A_746, %broadcast_in_dim3A_747 : vector<16xi1>, vector<16xi32>
          %add3A_749 = arith.addi %add3A_733, %select_n3A_748 : vector<16xi32>
          %add3A_750 = arith.constant 144 : i32
          %add3A_751 = arith.addi %mul3A_603, %add3A_750 : i32
          %get3A_752 = arith.index_cast %add3A_751 : i32 to index
          %get3A_753 = tpu.vector_load %arg11[%get3A_752] {strides = array<i32>} : memref<6416xf32, #tpu.memory_space<vmem>>, vector<16xf32>,
          %add3A_754 = arith.addf %add3A_738, %get3A_753 : vector<16xf32>
          %get3A_755 = arith.index_cast %add3A_751 : i32 to index
          %get3A_756 = tpu.vector_load %arg9[%get3A_755] {strides = array<i32>} : memref<6416xi32, #tpu.memory_space<vmem>>, vector<16xi32>,
          %eq3A_757 = arith.constant 1 : i32
          %eq3A_758 = vector.broadcast %eq3A_757 : i32 to vector<16xi32>
          %eq3A_759 = arith.cmpi eq, %get3A_756, %eq3A_758 : vector<16xi32>
          %jit3A_760 = arith.constant 1 : i32
          %jit3A_761 = arith.constant 0 : i32
          %broadcast_in_dim3A_762 = vector.broadcast %jit3A_760 : i32 to vector<16xi32>
          %broadcast_in_dim3A_763 = vector.broadcast %jit3A_761 : i32 to vector<16xi32>
          %select_n3A_764 = arith.select %eq3A_759, %broadcast_in_dim3A_762, %broadcast_in_dim3A_763 : vector<16xi1>, vector<16xi32>
          %add3A_765 = arith.addi %add3A_749, %select_n3A_764 : vector<16xi32>
          %add3A_766 = arith.constant 160 : i32
          %add3A_767 = arith.addi %mul3A_603, %add3A_766 : i32
          %get3A_768 = arith.index_cast %add3A_767 : i32 to index
          %get3A_769 = tpu.vector_load %arg11[%get3A_768] {strides = array<i32>} : memref<6416xf32, #tpu.memory_space<vmem>>, vector<16xf32>,
          %add3A_770 = arith.addf %add3A_754, %get3A_769 : vector<16xf32>
          %get3A_771 = arith.index_cast %add3A_767 : i32 to index
          %get3A_772 = tpu.vector_load %arg9[%get3A_771] {strides = array<i32>} : memref<6416xi32, #tpu.memory_space<vmem>>, vector<16xi32>,
          %eq3A_773 = arith.constant 1 : i32
          %eq3A_774 = vector.broadcast %eq3A_773 : i32 to vector<16xi32>
          %eq3A_775 = arith.cmpi eq, %get3A_772, %eq3A_774 : vector<16xi32>
          %jit3A_776 = arith.constant 1 : i32
          %jit3A_777 = arith.constant 0 : i32
          %broadcast_in_dim3A_778 = vector.broadcast %jit3A_776 : i32 to vector<16xi32>
          %broadcast_in_dim3A_779 = vector.broadcast %jit3A_777 : i32 to vector<16xi32>
          %select_n3A_780 = arith.select %eq3A_775, %broadcast_in_dim3A_778, %broadcast_in_dim3A_779 : vector<16xi1>, vector<16xi32>
          %add3A_781 = arith.addi %add3A_765, %select_n3A_780 : vector<16xi32>
          %add3A_782 = arith.constant 176 : i32
          %add3A_783 = arith.addi %mul3A_603, %add3A_782 : i32
          %get3A_784 = arith.index_cast %add3A_783 : i32 to index
          %get3A_785 = tpu.vector_load %arg11[%get3A_784] {strides = array<i32>} : memref<6416xf32, #tpu.memory_space<vmem>>, vector<16xf32>,
          %add3A_786 = arith.addf %add3A_770, %get3A_785 : vector<16xf32>
          %get3A_787 = arith.index_cast %add3A_783 : i32 to index
          %get3A_788 = tpu.vector_load %arg9[%get3A_787] {strides = array<i32>} : memref<6416xi32, #tpu.memory_space<vmem>>, vector<16xi32>,
          %eq3A_789 = arith.constant 1 : i32
          %eq3A_790 = vector.broadcast %eq3A_789 : i32 to vector<16xi32>
          %eq3A_791 = arith.cmpi eq, %get3A_788, %eq3A_790 : vector<16xi32>
          %jit3A_792 = arith.constant 1 : i32
          %jit3A_793 = arith.constant 0 : i32
          %broadcast_in_dim3A_794 = vector.broadcast %jit3A_792 : i32 to vector<16xi32>
          %broadcast_in_dim3A_795 = vector.broadcast %jit3A_793 : i32 to vector<16xi32>
          %select_n3A_796 = arith.select %eq3A_791, %broadcast_in_dim3A_794, %broadcast_in_dim3A_795 : vector<16xi1>, vector<16xi32>
          %add3A_797 = arith.addi %add3A_781, %select_n3A_796 : vector<16xi32>
          %add3A_798 = arith.constant 192 : i32
          %add3A_799 = arith.addi %mul3A_603, %add3A_798 : i32
          %get3A_800 = arith.index_cast %add3A_799 : i32 to index
          %get3A_801 = tpu.vector_load %arg11[%get3A_800] {strides = array<i32>} : memref<6416xf32, #tpu.memory_space<vmem>>, vector<16xf32>,
          %jit3A_802 = arith.constant 0.000000e+00 : f32
          %broadcast_in_dim3A_803 = vector.broadcast %jit3A_802 : f32 to vector<16xf32>
          %select_n3A_804 = arith.select %lt3A_3, %get3A_801, %broadcast_in_dim3A_803 : vector<16xi1>, vector<16xf32>
          %add3A_805 = arith.addf %add3A_786, %select_n3A_804 : vector<16xf32>
          %get3A_806 = arith.index_cast %add3A_799 : i32 to index
          %get3A_807 = tpu.vector_load %arg9[%get3A_806] {strides = array<i32>} : memref<6416xi32, #tpu.memory_space<vmem>>, vector<16xi32>,
          %eq3A_808 = arith.constant 1 : i32
          %eq3A_809 = vector.broadcast %eq3A_808 : i32 to vector<16xi32>
          %eq3A_810 = arith.cmpi eq, %get3A_807, %eq3A_809 : vector<16xi32>
          %and3A = arith.andi %lt3A_3, %eq3A_810 : vector<16xi1>
          %jit3A_811 = arith.constant 1 : i32
          %jit3A_812 = arith.constant 0 : i32
          %broadcast_in_dim3A_813 = vector.broadcast %jit3A_811 : i32 to vector<16xi32>
          %broadcast_in_dim3A_814 = vector.broadcast %jit3A_812 : i32 to vector<16xi32>
          %select_n3A_815 = arith.select %and3A, %broadcast_in_dim3A_813, %broadcast_in_dim3A_814 : vector<16xi1>, vector<16xi32>
          %add3A_816 = arith.addi %add3A_797, %select_n3A_815 : vector<16xi32>
          %mul3A_817 = arith.constant 16 : i32
          %mul3A_818 = arith.muli %scan3A_601, %mul3A_817 : i32
          %swap3A_819 = arith.index_cast %mul3A_818 : i32 to index
          %swap3A_820 = tpu.vector_load %arg15[%swap3A_819] {strides = array<i32>} : memref<512xf32, #tpu.memory_space<vmem>>, vector<16xf32>,
          tpu.vector_store %arg15[%swap3A_819], %add3A_805 {strides = array<i32>} : memref<512xf32, #tpu.memory_space<vmem>>, vector<16xf32>,
          %swap3A_821 = arith.index_cast %mul3A_818 : i32 to index
          %swap3A_822 = tpu.vector_load %arg16[%swap3A_821] {strides = array<i32>} : memref<512xi32, #tpu.memory_space<vmem>>, vector<16xi32>,
          tpu.vector_store %arg16[%swap3A_821], %add3A_816 {strides = array<i32>} : memref<512xi32, #tpu.memory_space<vmem>>, vector<16xi32>,
        }
        %scan3A_57 = arith.constant 32 : i32
        %add3A_58 = arith.constant 0 : i32
        %add3A_59 = vector.broadcast %add3A_58 : i32 to vector<16xi32>
        %add3A_60 = arith.addi %iota3A, %add3A_59 : vector<16xi32>
        %mul3A_61 = arith.constant 16 : i32
        %mul3A_62 = vector.broadcast %mul3A_61 : i32 to vector<16xi32>
        %mul3A_63 = arith.muli %add3A_60, %mul3A_62 : vector<16xi32>
        %broadcast_in_dim3A = arith.constant 0.000000e+00 : f32
        %broadcast_in_dim3A_64 = vector.broadcast %broadcast_in_dim3A : f32 to vector<16xf32>
        %broadcast_in_dim3A_65 = arith.constant 0 : i32
        %broadcast_in_dim3A_66 = vector.broadcast %broadcast_in_dim3A_65 : i32 to vector<16xi32>
        %add3A_67 = arith.constant 0 : i32
        %add3A_68 = vector.broadcast %add3A_67 : i32 to vector<16xi32>
        %add3A_69 = arith.addi %mul3A_63, %add3A_68 : vector<16xi32>
        %gather3A = tpu.vector_load_idx %arg15[%add3A_69] : memref<512xf32, #tpu.memory_space<vmem>>[vector<16xi32>], vector<16xf32>,
        %add3A_70 = arith.addf %broadcast_in_dim3A_64, %gather3A : vector<16xf32>
        %gather3A_71 = tpu.vector_load_idx %arg16[%add3A_69] : memref<512xi32, #tpu.memory_space<vmem>>[vector<16xi32>], vector<16xi32>,
        %add3A_72 = arith.addi %broadcast_in_dim3A_66, %gather3A_71 : vector<16xi32>
        %add3A_73 = arith.constant 1 : i32
        %add3A_74 = vector.broadcast %add3A_73 : i32 to vector<16xi32>
        %add3A_75 = arith.addi %mul3A_63, %add3A_74 : vector<16xi32>
        %gather3A_76 = tpu.vector_load_idx %arg15[%add3A_75] : memref<512xf32, #tpu.memory_space<vmem>>[vector<16xi32>], vector<16xf32>,
        %add3A_77 = arith.addf %add3A_70, %gather3A_76 : vector<16xf32>
        %gather3A_78 = tpu.vector_load_idx %arg16[%add3A_75] : memref<512xi32, #tpu.memory_space<vmem>>[vector<16xi32>], vector<16xi32>,
        %add3A_79 = arith.addi %add3A_72, %gather3A_78 : vector<16xi32>
        %add3A_80 = arith.constant 2 : i32
        %add3A_81 = vector.broadcast %add3A_80 : i32 to vector<16xi32>
        %add3A_82 = arith.addi %mul3A_63, %add3A_81 : vector<16xi32>
        %gather3A_83 = tpu.vector_load_idx %arg15[%add3A_82] : memref<512xf32, #tpu.memory_space<vmem>>[vector<16xi32>], vector<16xf32>,
        %add3A_84 = arith.addf %add3A_77, %gather3A_83 : vector<16xf32>
        %gather3A_85 = tpu.vector_load_idx %arg16[%add3A_82] : memref<512xi32, #tpu.memory_space<vmem>>[vector<16xi32>], vector<16xi32>,
        %add3A_86 = arith.addi %add3A_79, %gather3A_85 : vector<16xi32>
        %add3A_87 = arith.constant 3 : i32
        %add3A_88 = vector.broadcast %add3A_87 : i32 to vector<16xi32>
        %add3A_89 = arith.addi %mul3A_63, %add3A_88 : vector<16xi32>
        %gather3A_90 = tpu.vector_load_idx %arg15[%add3A_89] : memref<512xf32, #tpu.memory_space<vmem>>[vector<16xi32>], vector<16xf32>,
        %add3A_91 = arith.addf %add3A_84, %gather3A_90 : vector<16xf32>
        %gather3A_92 = tpu.vector_load_idx %arg16[%add3A_89] : memref<512xi32, #tpu.memory_space<vmem>>[vector<16xi32>], vector<16xi32>,
        %add3A_93 = arith.addi %add3A_86, %gather3A_92 : vector<16xi32>
        %add3A_94 = arith.constant 4 : i32
        %add3A_95 = vector.broadcast %add3A_94 : i32 to vector<16xi32>
        %add3A_96 = arith.addi %mul3A_63, %add3A_95 : vector<16xi32>
        %gather3A_97 = tpu.vector_load_idx %arg15[%add3A_96] : memref<512xf32, #tpu.memory_space<vmem>>[vector<16xi32>], vector<16xf32>,
        %add3A_98 = arith.addf %add3A_91, %gather3A_97 : vector<16xf32>
        %gather3A_99 = tpu.vector_load_idx %arg16[%add3A_96] : memref<512xi32, #tpu.memory_space<vmem>>[vector<16xi32>], vector<16xi32>,
        %add3A_100 = arith.addi %add3A_93, %gather3A_99 : vector<16xi32>
        %add3A_101 = arith.constant 5 : i32
        %add3A_102 = vector.broadcast %add3A_101 : i32 to vector<16xi32>
        %add3A_103 = arith.addi %mul3A_63, %add3A_102 : vector<16xi32>
        %gather3A_104 = tpu.vector_load_idx %arg15[%add3A_103] : memref<512xf32, #tpu.memory_space<vmem>>[vector<16xi32>], vector<16xf32>,
        %add3A_105 = arith.addf %add3A_98, %gather3A_104 : vector<16xf32>
        %gather3A_106 = tpu.vector_load_idx %arg16[%add3A_103] : memref<512xi32, #tpu.memory_space<vmem>>[vector<16xi32>], vector<16xi32>,
        %add3A_107 = arith.addi %add3A_100, %gather3A_106 : vector<16xi32>
        %add3A_108 = arith.constant 6 : i32
        %add3A_109 = vector.broadcast %add3A_108 : i32 to vector<16xi32>
        %add3A_110 = arith.addi %mul3A_63, %add3A_109 : vector<16xi32>
        %gather3A_111 = tpu.vector_load_idx %arg15[%add3A_110] : memref<512xf32, #tpu.memory_space<vmem>>[vector<16xi32>], vector<16xf32>,
        %add3A_112 = arith.addf %add3A_105, %gather3A_111 : vector<16xf32>
        %gather3A_113 = tpu.vector_load_idx %arg16[%add3A_110] : memref<512xi32, #tpu.memory_space<vmem>>[vector<16xi32>], vector<16xi32>,
        %add3A_114 = arith.addi %add3A_107, %gather3A_113 : vector<16xi32>
        %add3A_115 = arith.constant 7 : i32
        %add3A_116 = vector.broadcast %add3A_115 : i32 to vector<16xi32>
        %add3A_117 = arith.addi %mul3A_63, %add3A_116 : vector<16xi32>
        %gather3A_118 = tpu.vector_load_idx %arg15[%add3A_117] : memref<512xf32, #tpu.memory_space<vmem>>[vector<16xi32>], vector<16xf32>,
        %add3A_119 = arith.addf %add3A_112, %gather3A_118 : vector<16xf32>
        %gather3A_120 = tpu.vector_load_idx %arg16[%add3A_117] : memref<512xi32, #tpu.memory_space<vmem>>[vector<16xi32>], vector<16xi32>,
        %add3A_121 = arith.addi %add3A_114, %gather3A_120 : vector<16xi32>
        %add3A_122 = arith.constant 8 : i32
        %add3A_123 = vector.broadcast %add3A_122 : i32 to vector<16xi32>
        %add3A_124 = arith.addi %mul3A_63, %add3A_123 : vector<16xi32>
        %gather3A_125 = tpu.vector_load_idx %arg15[%add3A_124] : memref<512xf32, #tpu.memory_space<vmem>>[vector<16xi32>], vector<16xf32>,
        %add3A_126 = arith.addf %add3A_119, %gather3A_125 : vector<16xf32>
        %gather3A_127 = tpu.vector_load_idx %arg16[%add3A_124] : memref<512xi32, #tpu.memory_space<vmem>>[vector<16xi32>], vector<16xi32>,
        %add3A_128 = arith.addi %add3A_121, %gather3A_127 : vector<16xi32>
        %add3A_129 = arith.constant 9 : i32
        %add3A_130 = vector.broadcast %add3A_129 : i32 to vector<16xi32>
        %add3A_131 = arith.addi %mul3A_63, %add3A_130 : vector<16xi32>
        %gather3A_132 = tpu.vector_load_idx %arg15[%add3A_131] : memref<512xf32, #tpu.memory_space<vmem>>[vector<16xi32>], vector<16xf32>,
        %add3A_133 = arith.addf %add3A_126, %gather3A_132 : vector<16xf32>
        %gather3A_134 = tpu.vector_load_idx %arg16[%add3A_131] : memref<512xi32, #tpu.memory_space<vmem>>[vector<16xi32>], vector<16xi32>,
        %add3A_135 = arith.addi %add3A_128, %gather3A_134 : vector<16xi32>
        %add3A_136 = arith.constant 10 : i32
        %add3A_137 = vector.broadcast %add3A_136 : i32 to vector<16xi32>
        %add3A_138 = arith.addi %mul3A_63, %add3A_137 : vector<16xi32>
        %gather3A_139 = tpu.vector_load_idx %arg15[%add3A_138] : memref<512xf32, #tpu.memory_space<vmem>>[vector<16xi32>], vector<16xf32>,
        %add3A_140 = arith.addf %add3A_133, %gather3A_139 : vector<16xf32>
        %gather3A_141 = tpu.vector_load_idx %arg16[%add3A_138] : memref<512xi32, #tpu.memory_space<vmem>>[vector<16xi32>], vector<16xi32>,
        %add3A_142 = arith.addi %add3A_135, %gather3A_141 : vector<16xi32>
        %add3A_143 = arith.constant 11 : i32
        %add3A_144 = vector.broadcast %add3A_143 : i32 to vector<16xi32>
        %add3A_145 = arith.addi %mul3A_63, %add3A_144 : vector<16xi32>
        %gather3A_146 = tpu.vector_load_idx %arg15[%add3A_145] : memref<512xf32, #tpu.memory_space<vmem>>[vector<16xi32>], vector<16xf32>,
        %add3A_147 = arith.addf %add3A_140, %gather3A_146 : vector<16xf32>
        %gather3A_148 = tpu.vector_load_idx %arg16[%add3A_145] : memref<512xi32, #tpu.memory_space<vmem>>[vector<16xi32>], vector<16xi32>,
        %add3A_149 = arith.addi %add3A_142, %gather3A_148 : vector<16xi32>
        %add3A_150 = arith.constant 12 : i32
        %add3A_151 = vector.broadcast %add3A_150 : i32 to vector<16xi32>
        %add3A_152 = arith.addi %mul3A_63, %add3A_151 : vector<16xi32>
        %gather3A_153 = tpu.vector_load_idx %arg15[%add3A_152] : memref<512xf32, #tpu.memory_space<vmem>>[vector<16xi32>], vector<16xf32>,
        %add3A_154 = arith.addf %add3A_147, %gather3A_153 : vector<16xf32>
        %gather3A_155 = tpu.vector_load_idx %arg16[%add3A_152] : memref<512xi32, #tpu.memory_space<vmem>>[vector<16xi32>], vector<16xi32>,
        %add3A_156 = arith.addi %add3A_149, %gather3A_155 : vector<16xi32>
        %add3A_157 = arith.constant 13 : i32
        %add3A_158 = vector.broadcast %add3A_157 : i32 to vector<16xi32>
        %add3A_159 = arith.addi %mul3A_63, %add3A_158 : vector<16xi32>
        %gather3A_160 = tpu.vector_load_idx %arg15[%add3A_159] : memref<512xf32, #tpu.memory_space<vmem>>[vector<16xi32>], vector<16xf32>,
        %add3A_161 = arith.addf %add3A_154, %gather3A_160 : vector<16xf32>
        %gather3A_162 = tpu.vector_load_idx %arg16[%add3A_159] : memref<512xi32, #tpu.memory_space<vmem>>[vector<16xi32>], vector<16xi32>,
        %add3A_163 = arith.addi %add3A_156, %gather3A_162 : vector<16xi32>
        %add3A_164 = arith.constant 14 : i32
        %add3A_165 = vector.broadcast %add3A_164 : i32 to vector<16xi32>
        %add3A_166 = arith.addi %mul3A_63, %add3A_165 : vector<16xi32>
        %gather3A_167 = tpu.vector_load_idx %arg15[%add3A_166] : memref<512xf32, #tpu.memory_space<vmem>>[vector<16xi32>], vector<16xf32>,
        %add3A_168 = arith.addf %add3A_161, %gather3A_167 : vector<16xf32>
        %gather3A_169 = tpu.vector_load_idx %arg16[%add3A_166] : memref<512xi32, #tpu.memory_space<vmem>>[vector<16xi32>], vector<16xi32>,
        %add3A_170 = arith.addi %add3A_163, %gather3A_169 : vector<16xi32>
        %add3A_171 = arith.constant 15 : i32
        %add3A_172 = vector.broadcast %add3A_171 : i32 to vector<16xi32>
        %add3A_173 = arith.addi %mul3A_63, %add3A_172 : vector<16xi32>
        %gather3A_174 = tpu.vector_load_idx %arg15[%add3A_173] : memref<512xf32, #tpu.memory_space<vmem>>[vector<16xi32>], vector<16xf32>,
        %add3A_175 = arith.addf %add3A_168, %gather3A_174 : vector<16xf32>
        %gather3A_176 = tpu.vector_load_idx %arg16[%add3A_173] : memref<512xi32, #tpu.memory_space<vmem>>[vector<16xi32>], vector<16xi32>,
        %add3A_177 = arith.addi %add3A_170, %gather3A_176 : vector<16xi32>
        %convert_element_type3A_178 = arith.sitofp %add3A_177 : vector<16xi32> to vector<16xf32>
        %div3A = arith.divf %add3A_175, %convert_element_type3A_178 : vector<16xf32>
        %add3A_179 = arith.addf %div3A, %get3A_1 : vector<16xf32>
        %mul3A_180 = arith.constant 32 : i32
        %mul3A_181 = arith.muli %mul3A_31, %mul3A_180 : i32
        %add3A_182 = arith.constant 0 : i32
        %add3A_183 = arith.addi %mul3A_181, %add3A_182 : i32
        %swap3A = arith.index_cast %add3A_183 : i32 to index
        %swap3A_184 = tpu.vector_load %arg13[%swap3A] {strides = array<i32>} : memref<1024xf32, #tpu.memory_space<vmem>>, vector<16xf32>,
        tpu.vector_store %arg13[%swap3A], %add3A_179 {strides = array<i32>} : memref<1024xf32, #tpu.memory_space<vmem>>, vector<16xf32>,
        %add3A_185 = arith.constant 16 : i32
        %add3A_186 = vector.broadcast %add3A_185 : i32 to vector<16xi32>
        %add3A_187 = arith.addi %iota3A, %add3A_186 : vector<16xi32>
        %mul3A_188 = arith.constant 16 : i32
        %mul3A_189 = vector.broadcast %mul3A_188 : i32 to vector<16xi32>
        %mul3A_190 = arith.muli %add3A_187, %mul3A_189 : vector<16xi32>
        %broadcast_in_dim3A_191 = arith.constant 0.000000e+00 : f32
        %broadcast_in_dim3A_192 = vector.broadcast %broadcast_in_dim3A_191 : f32 to vector<16xf32>
        %broadcast_in_dim3A_193 = arith.constant 0 : i32
        %broadcast_in_dim3A_194 = vector.broadcast %broadcast_in_dim3A_193 : i32 to vector<16xi32>
        %add3A_195 = arith.constant 0 : i32
        %add3A_196 = vector.broadcast %add3A_195 : i32 to vector<16xi32>
        %add3A_197 = arith.addi %mul3A_190, %add3A_196 : vector<16xi32>
        %gather3A_198 = tpu.vector_load_idx %arg15[%add3A_197] : memref<512xf32, #tpu.memory_space<vmem>>[vector<16xi32>], vector<16xf32>,
        %add3A_199 = arith.addf %broadcast_in_dim3A_192, %gather3A_198 : vector<16xf32>
        %gather3A_200 = tpu.vector_load_idx %arg16[%add3A_197] : memref<512xi32, #tpu.memory_space<vmem>>[vector<16xi32>], vector<16xi32>,
        %add3A_201 = arith.addi %broadcast_in_dim3A_194, %gather3A_200 : vector<16xi32>
        %add3A_202 = arith.constant 1 : i32
        %add3A_203 = vector.broadcast %add3A_202 : i32 to vector<16xi32>
        %add3A_204 = arith.addi %mul3A_190, %add3A_203 : vector<16xi32>
        %gather3A_205 = tpu.vector_load_idx %arg15[%add3A_204] : memref<512xf32, #tpu.memory_space<vmem>>[vector<16xi32>], vector<16xf32>,
        %add3A_206 = arith.addf %add3A_199, %gather3A_205 : vector<16xf32>
        %gather3A_207 = tpu.vector_load_idx %arg16[%add3A_204] : memref<512xi32, #tpu.memory_space<vmem>>[vector<16xi32>], vector<16xi32>,
        %add3A_208 = arith.addi %add3A_201, %gather3A_207 : vector<16xi32>
        %add3A_209 = arith.constant 2 : i32
        %add3A_210 = vector.broadcast %add3A_209 : i32 to vector<16xi32>
        %add3A_211 = arith.addi %mul3A_190, %add3A_210 : vector<16xi32>
        %gather3A_212 = tpu.vector_load_idx %arg15[%add3A_211] : memref<512xf32, #tpu.memory_space<vmem>>[vector<16xi32>], vector<16xf32>,
        %add3A_213 = arith.addf %add3A_206, %gather3A_212 : vector<16xf32>
        %gather3A_214 = tpu.vector_load_idx %arg16[%add3A_211] : memref<512xi32, #tpu.memory_space<vmem>>[vector<16xi32>], vector<16xi32>,
        %add3A_215 = arith.addi %add3A_208, %gather3A_214 : vector<16xi32>
        %add3A_216 = arith.constant 3 : i32
        %add3A_217 = vector.broadcast %add3A_216 : i32 to vector<16xi32>
        %add3A_218 = arith.addi %mul3A_190, %add3A_217 : vector<16xi32>
        %gather3A_219 = tpu.vector_load_idx %arg15[%add3A_218] : memref<512xf32, #tpu.memory_space<vmem>>[vector<16xi32>], vector<16xf32>,
        %add3A_220 = arith.addf %add3A_213, %gather3A_219 : vector<16xf32>
        %gather3A_221 = tpu.vector_load_idx %arg16[%add3A_218] : memref<512xi32, #tpu.memory_space<vmem>>[vector<16xi32>], vector<16xi32>,
        %add3A_222 = arith.addi %add3A_215, %gather3A_221 : vector<16xi32>
        %add3A_223 = arith.constant 4 : i32
        %add3A_224 = vector.broadcast %add3A_223 : i32 to vector<16xi32>
        %add3A_225 = arith.addi %mul3A_190, %add3A_224 : vector<16xi32>
        %gather3A_226 = tpu.vector_load_idx %arg15[%add3A_225] : memref<512xf32, #tpu.memory_space<vmem>>[vector<16xi32>], vector<16xf32>,
        %add3A_227 = arith.addf %add3A_220, %gather3A_226 : vector<16xf32>
        %gather3A_228 = tpu.vector_load_idx %arg16[%add3A_225] : memref<512xi32, #tpu.memory_space<vmem>>[vector<16xi32>], vector<16xi32>,
        %add3A_229 = arith.addi %add3A_222, %gather3A_228 : vector<16xi32>
        %add3A_230 = arith.constant 5 : i32
        %add3A_231 = vector.broadcast %add3A_230 : i32 to vector<16xi32>
        %add3A_232 = arith.addi %mul3A_190, %add3A_231 : vector<16xi32>
        %gather3A_233 = tpu.vector_load_idx %arg15[%add3A_232] : memref<512xf32, #tpu.memory_space<vmem>>[vector<16xi32>], vector<16xf32>,
        %add3A_234 = arith.addf %add3A_227, %gather3A_233 : vector<16xf32>
        %gather3A_235 = tpu.vector_load_idx %arg16[%add3A_232] : memref<512xi32, #tpu.memory_space<vmem>>[vector<16xi32>], vector<16xi32>,
        %add3A_236 = arith.addi %add3A_229, %gather3A_235 : vector<16xi32>
        %add3A_237 = arith.constant 6 : i32
        %add3A_238 = vector.broadcast %add3A_237 : i32 to vector<16xi32>
        %add3A_239 = arith.addi %mul3A_190, %add3A_238 : vector<16xi32>
        %gather3A_240 = tpu.vector_load_idx %arg15[%add3A_239] : memref<512xf32, #tpu.memory_space<vmem>>[vector<16xi32>], vector<16xf32>,
        %add3A_241 = arith.addf %add3A_234, %gather3A_240 : vector<16xf32>
        %gather3A_242 = tpu.vector_load_idx %arg16[%add3A_239] : memref<512xi32, #tpu.memory_space<vmem>>[vector<16xi32>], vector<16xi32>,
        %add3A_243 = arith.addi %add3A_236, %gather3A_242 : vector<16xi32>
        %add3A_244 = arith.constant 7 : i32
        %add3A_245 = vector.broadcast %add3A_244 : i32 to vector<16xi32>
        %add3A_246 = arith.addi %mul3A_190, %add3A_245 : vector<16xi32>
        %gather3A_247 = tpu.vector_load_idx %arg15[%add3A_246] : memref<512xf32, #tpu.memory_space<vmem>>[vector<16xi32>], vector<16xf32>,
        %add3A_248 = arith.addf %add3A_241, %gather3A_247 : vector<16xf32>
        %gather3A_249 = tpu.vector_load_idx %arg16[%add3A_246] : memref<512xi32, #tpu.memory_space<vmem>>[vector<16xi32>], vector<16xi32>,
        %add3A_250 = arith.addi %add3A_243, %gather3A_249 : vector<16xi32>
        %add3A_251 = arith.constant 8 : i32
        %add3A_252 = vector.broadcast %add3A_251 : i32 to vector<16xi32>
        %add3A_253 = arith.addi %mul3A_190, %add3A_252 : vector<16xi32>
        %gather3A_254 = tpu.vector_load_idx %arg15[%add3A_253] : memref<512xf32, #tpu.memory_space<vmem>>[vector<16xi32>], vector<16xf32>,
        %add3A_255 = arith.addf %add3A_248, %gather3A_254 : vector<16xf32>
        %gather3A_256 = tpu.vector_load_idx %arg16[%add3A_253] : memref<512xi32, #tpu.memory_space<vmem>>[vector<16xi32>], vector<16xi32>,
        %add3A_257 = arith.addi %add3A_250, %gather3A_256 : vector<16xi32>
        %add3A_258 = arith.constant 9 : i32
        %add3A_259 = vector.broadcast %add3A_258 : i32 to vector<16xi32>
        %add3A_260 = arith.addi %mul3A_190, %add3A_259 : vector<16xi32>
        %gather3A_261 = tpu.vector_load_idx %arg15[%add3A_260] : memref<512xf32, #tpu.memory_space<vmem>>[vector<16xi32>], vector<16xf32>,
        %add3A_262 = arith.addf %add3A_255, %gather3A_261 : vector<16xf32>
        %gather3A_263 = tpu.vector_load_idx %arg16[%add3A_260] : memref<512xi32, #tpu.memory_space<vmem>>[vector<16xi32>], vector<16xi32>,
        %add3A_264 = arith.addi %add3A_257, %gather3A_263 : vector<16xi32>
        %add3A_265 = arith.constant 10 : i32
        %add3A_266 = vector.broadcast %add3A_265 : i32 to vector<16xi32>
        %add3A_267 = arith.addi %mul3A_190, %add3A_266 : vector<16xi32>
        %gather3A_268 = tpu.vector_load_idx %arg15[%add3A_267] : memref<512xf32, #tpu.memory_space<vmem>>[vector<16xi32>], vector<16xf32>,
        %add3A_269 = arith.addf %add3A_262, %gather3A_268 : vector<16xf32>
        %gather3A_270 = tpu.vector_load_idx %arg16[%add3A_267] : memref<512xi32, #tpu.memory_space<vmem>>[vector<16xi32>], vector<16xi32>,
        %add3A_271 = arith.addi %add3A_264, %gather3A_270 : vector<16xi32>
        %add3A_272 = arith.constant 11 : i32
        %add3A_273 = vector.broadcast %add3A_272 : i32 to vector<16xi32>
        %add3A_274 = arith.addi %mul3A_190, %add3A_273 : vector<16xi32>
        %gather3A_275 = tpu.vector_load_idx %arg15[%add3A_274] : memref<512xf32, #tpu.memory_space<vmem>>[vector<16xi32>], vector<16xf32>,
        %add3A_276 = arith.addf %add3A_269, %gather3A_275 : vector<16xf32>
        %gather3A_277 = tpu.vector_load_idx %arg16[%add3A_274] : memref<512xi32, #tpu.memory_space<vmem>>[vector<16xi32>], vector<16xi32>,
        %add3A_278 = arith.addi %add3A_271, %gather3A_277 : vector<16xi32>
        %add3A_279 = arith.constant 12 : i32
        %add3A_280 = vector.broadcast %add3A_279 : i32 to vector<16xi32>
        %add3A_281 = arith.addi %mul3A_190, %add3A_280 : vector<16xi32>
        %gather3A_282 = tpu.vector_load_idx %arg15[%add3A_281] : memref<512xf32, #tpu.memory_space<vmem>>[vector<16xi32>], vector<16xf32>,
        %add3A_283 = arith.addf %add3A_276, %gather3A_282 : vector<16xf32>
        %gather3A_284 = tpu.vector_load_idx %arg16[%add3A_281] : memref<512xi32, #tpu.memory_space<vmem>>[vector<16xi32>], vector<16xi32>,
        %add3A_285 = arith.addi %add3A_278, %gather3A_284 : vector<16xi32>
        %add3A_286 = arith.constant 13 : i32
        %add3A_287 = vector.broadcast %add3A_286 : i32 to vector<16xi32>
        %add3A_288 = arith.addi %mul3A_190, %add3A_287 : vector<16xi32>
        %gather3A_289 = tpu.vector_load_idx %arg15[%add3A_288] : memref<512xf32, #tpu.memory_space<vmem>>[vector<16xi32>], vector<16xf32>,
        %add3A_290 = arith.addf %add3A_283, %gather3A_289 : vector<16xf32>
        %gather3A_291 = tpu.vector_load_idx %arg16[%add3A_288] : memref<512xi32, #tpu.memory_space<vmem>>[vector<16xi32>], vector<16xi32>,
        %add3A_292 = arith.addi %add3A_285, %gather3A_291 : vector<16xi32>
        %add3A_293 = arith.constant 14 : i32
        %add3A_294 = vector.broadcast %add3A_293 : i32 to vector<16xi32>
        %add3A_295 = arith.addi %mul3A_190, %add3A_294 : vector<16xi32>
        %gather3A_296 = tpu.vector_load_idx %arg15[%add3A_295] : memref<512xf32, #tpu.memory_space<vmem>>[vector<16xi32>], vector<16xf32>,
        %add3A_297 = arith.addf %add3A_290, %gather3A_296 : vector<16xf32>
        %gather3A_298 = tpu.vector_load_idx %arg16[%add3A_295] : memref<512xi32, #tpu.memory_space<vmem>>[vector<16xi32>], vector<16xi32>,
        %add3A_299 = arith.addi %add3A_292, %gather3A_298 : vector<16xi32>
        %add3A_300 = arith.constant 15 : i32
        %add3A_301 = vector.broadcast %add3A_300 : i32 to vector<16xi32>
        %add3A_302 = arith.addi %mul3A_190, %add3A_301 : vector<16xi32>
        %gather3A_303 = tpu.vector_load_idx %arg15[%add3A_302] : memref<512xf32, #tpu.memory_space<vmem>>[vector<16xi32>], vector<16xf32>,
        %add3A_304 = arith.addf %add3A_297, %gather3A_303 : vector<16xf32>
        %gather3A_305 = tpu.vector_load_idx %arg16[%add3A_302] : memref<512xi32, #tpu.memory_space<vmem>>[vector<16xi32>], vector<16xi32>,
        %add3A_306 = arith.addi %add3A_299, %gather3A_305 : vector<16xi32>
        %convert_element_type3A_307 = arith.sitofp %add3A_306 : vector<16xi32> to vector<16xf32>
        %div3A_308 = arith.divf %add3A_304, %convert_element_type3A_307 : vector<16xf32>
        %add3A_309 = arith.addf %div3A_308, %get3A_1 : vector<16xf32>
        %mul3A_310 = arith.constant 32 : i32
        %mul3A_311 = arith.muli %mul3A_31, %mul3A_310 : i32
        %add3A_312 = arith.constant 16 : i32
        %add3A_313 = arith.addi %mul3A_311, %add3A_312 : i32
        %swap3A_314 = arith.index_cast %add3A_313 : i32 to index
        %swap3A_315 = tpu.vector_load %arg13[%swap3A_314] {strides = array<i32>} : memref<1024xf32, #tpu.memory_space<vmem>>, vector<16xf32>,
        tpu.vector_store %arg13[%swap3A_314], %add3A_309 {strides = array<i32>} : memref<1024xf32, #tpu.memory_space<vmem>>, vector<16xf32>,
        %dma_wait3A_316 = arith.constant 0 : i32
        %dma_wait3A_317 = tpu.memref_slice %arg12[%dma_wait3A_316] : memref<6416xf32, #tpu.memory_space<vmem>> -> memref<6400xf32, #tpu.memory_space<vmem>>
        %dma_wait3A_318 = arith.constant 0 : i32
        %dma_wait3A_319 = tpu.memref_slice %arg4[%dma_wait3A_318] : memref<1003520xf32, #tpu.memory_space<hbm>> -> memref<6400xf32, #tpu.memory_space<hbm>>
        %dma_wait3A_320 = arith.constant 0 : i32
        %dma_wait3A_321 = tpu.memref_slice %arg12[%dma_wait3A_320] : memref<6416xf32, #tpu.memory_space<vmem>> -> memref<6400xf32, #tpu.memory_space<vmem>>
        %dma_wait3A_322 = arith.constant 0 : i32
        %dma_wait3A_323 = tpu.memref_slice %arg4[%dma_wait3A_322] : memref<1003520xf32, #tpu.memory_space<hbm>> -> memref<6400xf32, #tpu.memory_space<hbm>>
        tpu.wait_dma2 semaphore(%arg18 : memref<!tpu.dma_semaphore, #tpu.memory_space<semaphore_mem>>) src(%dma_wait3A_323 : memref<6400xf32, #tpu.memory_space<hbm>>) dst(%dma_wait3A_321 : memref<6400xf32, #tpu.memory_space<vmem>>)
        %add3A_324 = arith.constant 2 : i32
        %add3A_325 = arith.addi %mul3A_31, %add3A_324 : i32
        %lt3A_326 = arith.constant 32 : i32
        %lt3A_327 = arith.cmpi slt, %add3A_325, %lt3A_326 : i32
        %convert_element_type3A_328 = arith.extui %lt3A_327 : i1 to i32
        %cond3A_329 = arith.constant 0 : i32
        %cond3A_330 = arith.cmpi ne, %convert_element_type3A_328, %cond3A_329 : i32
        scf.if %cond3A_330 {
          %add3A_601 = arith.constant 2 : i32
          %add3A_602 = arith.addi %mul3A_31, %add3A_601 : i32
          %mul3A_603 = arith.constant 32 : i32
          %mul3A_604 = arith.muli %add3A_602, %mul3A_603 : i32
          %add3A_605 = arith.addi %mul3A_0, %mul3A_604 : i32
          %mul3A_606 = arith.constant 200 : i32
          %mul3A_607 = arith.muli %add3A_605, %mul3A_606 : i32
          "tpu.region"() ({
            %run_scoped3A_614 = tpu.sem_alloc : memref<!tpu.dma_semaphore, #tpu.memory_space<semaphore_mem>>
            %dma_start3A_615 = arith.constant 0 : i32
            %dma_start3A_616 = tpu.memref_slice %arg9[%dma_start3A_615] : memref<6416xi32, #tpu.memory_space<vmem>> -> memref<6400xi32, #tpu.memory_space<vmem>>
            %dma_start3A_617 = tpu.memref_slice %arg3[%mul3A_607] : memref<3276800xi32, #tpu.memory_space<hbm>> -> memref<6400xi32, #tpu.memory_space<hbm>>
            %dma_start3A_618 = arith.constant 0 : i32
            %dma_start3A_619 = tpu.memref_slice %arg9[%dma_start3A_618] : memref<6416xi32, #tpu.memory_space<vmem>> -> memref<6400xi32, #tpu.memory_space<vmem>>
            %dma_start3A_620 = tpu.memref_slice %arg3[%mul3A_607] : memref<3276800xi32, #tpu.memory_space<hbm>> -> memref<6400xi32, #tpu.memory_space<hbm>>
            tpu.enqueue_dma source(%dma_start3A_620 : memref<6400xi32, #tpu.memory_space<hbm>>) target(%dma_start3A_619 : memref<6400xi32, #tpu.memory_space<vmem>>) target_semaphore(%run_scoped3A_614 : memref<!tpu.dma_semaphore, #tpu.memory_space<semaphore_mem>>)
            %dma_wait3A_621 = arith.constant 0 : i32
            %dma_wait3A_622 = tpu.memref_slice %arg9[%dma_wait3A_621] : memref<6416xi32, #tpu.memory_space<vmem>> -> memref<6400xi32, #tpu.memory_space<vmem>>
            %dma_wait3A_623 = tpu.memref_slice %arg3[%mul3A_607] : memref<3276800xi32, #tpu.memory_space<hbm>> -> memref<6400xi32, #tpu.memory_space<hbm>>
            %dma_wait3A_624 = arith.constant 0 : i32
            %dma_wait3A_625 = tpu.memref_slice %arg9[%dma_wait3A_624] : memref<6416xi32, #tpu.memory_space<vmem>> -> memref<6400xi32, #tpu.memory_space<vmem>>
            %dma_wait3A_626 = tpu.memref_slice %arg3[%mul3A_607] : memref<3276800xi32, #tpu.memory_space<hbm>> -> memref<6400xi32, #tpu.memory_space<hbm>>
            tpu.wait_dma2 semaphore(%run_scoped3A_614 : memref<!tpu.dma_semaphore, #tpu.memory_space<semaphore_mem>>) src(%dma_wait3A_626 : memref<6400xi32, #tpu.memory_space<hbm>>) dst(%dma_wait3A_625 : memref<6400xi32, #tpu.memory_space<vmem>>)
            tpu.yield
          }) : () -> ()
          %dma_start3A_608 = arith.constant 0 : i32
          %dma_start3A_609 = tpu.memref_slice %arg11[%dma_start3A_608] : memref<6416xf32, #tpu.memory_space<vmem>> -> memref<6400xf32, #tpu.memory_space<vmem>>
          %dma_start3A_610 = arith.constant 0 : i32
          %dma_start3A_611 = tpu.memref_slice %arg9[%dma_start3A_610] : memref<6416xi32, #tpu.memory_space<vmem>> -> memref<6400xi32, #tpu.memory_space<vmem>>
          %dma_start3A_612 = arith.constant 0 : i32
          %dma_start3A_613 = tpu.memref_slice %arg8[%dma_start3A_612] : memref<1003520xf32, #tpu.memory_space<vmem_shared>> -> memref<1003520xf32, #tpu.memory_space<vmem_shared>>
          tpu.enqueue_indirect_dma source(%dma_start3A_613 : memref<1003520xf32, #tpu.memory_space<vmem_shared>>) target(%dma_start3A_609 : memref<6400xf32, #tpu.memory_space<vmem>>) offsets(%dma_start3A_611 : memref<6400xi32, #tpu.memory_space<vmem>>) semaphore(%arg17 : memref<!tpu.dma_semaphore, #tpu.memory_space<semaphore_mem>>)
        } else {
        }
        %add3A_331 = arith.constant 1 : i32
        %add3A_332 = arith.addi %mul3A_31, %add3A_331 : i32
        %scan3A_333 = arith.constant 0 : i32
        %scan3A_334 = arith.constant 0 : i32
        %scan3A_335 = arith.constant 32 : i32
        %scan3A_336 = arith.addi %scan3A_334, %scan3A_335 : i32
        %scan3A_337 = arith.constant 1 : i32
        scf.for %scan3A_601 = %scan3A_334 to %scan3A_336 step %scan3A_337  : i32 {
          %mul3A_602 = arith.constant 200 : i32
          %mul3A_603 = arith.muli %scan3A_601, %mul3A_602 : i32
          %broadcast_in_dim3A_604 = arith.constant 0.000000e+00 : f32
          %broadcast_in_dim3A_605 = vector.broadcast %broadcast_in_dim3A_604 : f32 to vector<16xf32>
          %broadcast_in_dim3A_606 = arith.constant 0 : i32
          %broadcast_in_dim3A_607 = vector.broadcast %broadcast_in_dim3A_606 : i32 to vector<16xi32>
          %add3A_608 = arith.constant 0 : i32
          %add3A_609 = arith.addi %mul3A_603, %add3A_608 : i32
          %get3A_610 = arith.index_cast %add3A_609 : i32 to index
          %get3A_611 = tpu.vector_load %arg12[%get3A_610] {strides = array<i32>} : memref<6416xf32, #tpu.memory_space<vmem>>, vector<16xf32>,
          %add3A_612 = arith.addf %broadcast_in_dim3A_605, %get3A_611 : vector<16xf32>
          %get3A_613 = arith.index_cast %add3A_609 : i32 to index
          %get3A_614 = tpu.vector_load %arg10[%get3A_613] {strides = array<i32>} : memref<6416xi32, #tpu.memory_space<vmem>>, vector<16xi32>,
          %eq3A_615 = arith.constant 1 : i32
          %eq3A_616 = vector.broadcast %eq3A_615 : i32 to vector<16xi32>
          %eq3A_617 = arith.cmpi eq, %get3A_614, %eq3A_616 : vector<16xi32>
          %jit3A = arith.constant 1 : i32
          %jit3A_618 = arith.constant 0 : i32
          %broadcast_in_dim3A_619 = vector.broadcast %jit3A : i32 to vector<16xi32>
          %broadcast_in_dim3A_620 = vector.broadcast %jit3A_618 : i32 to vector<16xi32>
          %select_n3A = arith.select %eq3A_617, %broadcast_in_dim3A_619, %broadcast_in_dim3A_620 : vector<16xi1>, vector<16xi32>
          %add3A_621 = arith.addi %broadcast_in_dim3A_607, %select_n3A : vector<16xi32>
          %add3A_622 = arith.constant 16 : i32
          %add3A_623 = arith.addi %mul3A_603, %add3A_622 : i32
          %get3A_624 = arith.index_cast %add3A_623 : i32 to index
          %get3A_625 = tpu.vector_load %arg12[%get3A_624] {strides = array<i32>} : memref<6416xf32, #tpu.memory_space<vmem>>, vector<16xf32>,
          %add3A_626 = arith.addf %add3A_612, %get3A_625 : vector<16xf32>
          %get3A_627 = arith.index_cast %add3A_623 : i32 to index
          %get3A_628 = tpu.vector_load %arg10[%get3A_627] {strides = array<i32>} : memref<6416xi32, #tpu.memory_space<vmem>>, vector<16xi32>,
          %eq3A_629 = arith.constant 1 : i32
          %eq3A_630 = vector.broadcast %eq3A_629 : i32 to vector<16xi32>
          %eq3A_631 = arith.cmpi eq, %get3A_628, %eq3A_630 : vector<16xi32>
          %jit3A_632 = arith.constant 1 : i32
          %jit3A_633 = arith.constant 0 : i32
          %broadcast_in_dim3A_634 = vector.broadcast %jit3A_632 : i32 to vector<16xi32>
          %broadcast_in_dim3A_635 = vector.broadcast %jit3A_633 : i32 to vector<16xi32>
          %select_n3A_636 = arith.select %eq3A_631, %broadcast_in_dim3A_634, %broadcast_in_dim3A_635 : vector<16xi1>, vector<16xi32>
          %add3A_637 = arith.addi %add3A_621, %select_n3A_636 : vector<16xi32>
          %add3A_638 = arith.constant 32 : i32
          %add3A_639 = arith.addi %mul3A_603, %add3A_638 : i32
          %get3A_640 = arith.index_cast %add3A_639 : i32 to index
          %get3A_641 = tpu.vector_load %arg12[%get3A_640] {strides = array<i32>} : memref<6416xf32, #tpu.memory_space<vmem>>, vector<16xf32>,
          %add3A_642 = arith.addf %add3A_626, %get3A_641 : vector<16xf32>
          %get3A_643 = arith.index_cast %add3A_639 : i32 to index
          %get3A_644 = tpu.vector_load %arg10[%get3A_643] {strides = array<i32>} : memref<6416xi32, #tpu.memory_space<vmem>>, vector<16xi32>,
          %eq3A_645 = arith.constant 1 : i32
          %eq3A_646 = vector.broadcast %eq3A_645 : i32 to vector<16xi32>
          %eq3A_647 = arith.cmpi eq, %get3A_644, %eq3A_646 : vector<16xi32>
          %jit3A_648 = arith.constant 1 : i32
          %jit3A_649 = arith.constant 0 : i32
          %broadcast_in_dim3A_650 = vector.broadcast %jit3A_648 : i32 to vector<16xi32>
          %broadcast_in_dim3A_651 = vector.broadcast %jit3A_649 : i32 to vector<16xi32>
          %select_n3A_652 = arith.select %eq3A_647, %broadcast_in_dim3A_650, %broadcast_in_dim3A_651 : vector<16xi1>, vector<16xi32>
          %add3A_653 = arith.addi %add3A_637, %select_n3A_652 : vector<16xi32>
          %add3A_654 = arith.constant 48 : i32
          %add3A_655 = arith.addi %mul3A_603, %add3A_654 : i32
          %get3A_656 = arith.index_cast %add3A_655 : i32 to index
          %get3A_657 = tpu.vector_load %arg12[%get3A_656] {strides = array<i32>} : memref<6416xf32, #tpu.memory_space<vmem>>, vector<16xf32>,
          %add3A_658 = arith.addf %add3A_642, %get3A_657 : vector<16xf32>
          %get3A_659 = arith.index_cast %add3A_655 : i32 to index
          %get3A_660 = tpu.vector_load %arg10[%get3A_659] {strides = array<i32>} : memref<6416xi32, #tpu.memory_space<vmem>>, vector<16xi32>,
          %eq3A_661 = arith.constant 1 : i32
          %eq3A_662 = vector.broadcast %eq3A_661 : i32 to vector<16xi32>
          %eq3A_663 = arith.cmpi eq, %get3A_660, %eq3A_662 : vector<16xi32>
          %jit3A_664 = arith.constant 1 : i32
          %jit3A_665 = arith.constant 0 : i32
          %broadcast_in_dim3A_666 = vector.broadcast %jit3A_664 : i32 to vector<16xi32>
          %broadcast_in_dim3A_667 = vector.broadcast %jit3A_665 : i32 to vector<16xi32>
          %select_n3A_668 = arith.select %eq3A_663, %broadcast_in_dim3A_666, %broadcast_in_dim3A_667 : vector<16xi1>, vector<16xi32>
          %add3A_669 = arith.addi %add3A_653, %select_n3A_668 : vector<16xi32>
          %add3A_670 = arith.constant 64 : i32
          %add3A_671 = arith.addi %mul3A_603, %add3A_670 : i32
          %get3A_672 = arith.index_cast %add3A_671 : i32 to index
          %get3A_673 = tpu.vector_load %arg12[%get3A_672] {strides = array<i32>} : memref<6416xf32, #tpu.memory_space<vmem>>, vector<16xf32>,
          %add3A_674 = arith.addf %add3A_658, %get3A_673 : vector<16xf32>
          %get3A_675 = arith.index_cast %add3A_671 : i32 to index
          %get3A_676 = tpu.vector_load %arg10[%get3A_675] {strides = array<i32>} : memref<6416xi32, #tpu.memory_space<vmem>>, vector<16xi32>,
          %eq3A_677 = arith.constant 1 : i32
          %eq3A_678 = vector.broadcast %eq3A_677 : i32 to vector<16xi32>
          %eq3A_679 = arith.cmpi eq, %get3A_676, %eq3A_678 : vector<16xi32>
          %jit3A_680 = arith.constant 1 : i32
          %jit3A_681 = arith.constant 0 : i32
          %broadcast_in_dim3A_682 = vector.broadcast %jit3A_680 : i32 to vector<16xi32>
          %broadcast_in_dim3A_683 = vector.broadcast %jit3A_681 : i32 to vector<16xi32>
          %select_n3A_684 = arith.select %eq3A_679, %broadcast_in_dim3A_682, %broadcast_in_dim3A_683 : vector<16xi1>, vector<16xi32>
          %add3A_685 = arith.addi %add3A_669, %select_n3A_684 : vector<16xi32>
          %add3A_686 = arith.constant 80 : i32
          %add3A_687 = arith.addi %mul3A_603, %add3A_686 : i32
          %get3A_688 = arith.index_cast %add3A_687 : i32 to index
          %get3A_689 = tpu.vector_load %arg12[%get3A_688] {strides = array<i32>} : memref<6416xf32, #tpu.memory_space<vmem>>, vector<16xf32>,
          %add3A_690 = arith.addf %add3A_674, %get3A_689 : vector<16xf32>
          %get3A_691 = arith.index_cast %add3A_687 : i32 to index
          %get3A_692 = tpu.vector_load %arg10[%get3A_691] {strides = array<i32>} : memref<6416xi32, #tpu.memory_space<vmem>>, vector<16xi32>,
          %eq3A_693 = arith.constant 1 : i32
          %eq3A_694 = vector.broadcast %eq3A_693 : i32 to vector<16xi32>
          %eq3A_695 = arith.cmpi eq, %get3A_692, %eq3A_694 : vector<16xi32>
          %jit3A_696 = arith.constant 1 : i32
          %jit3A_697 = arith.constant 0 : i32
          %broadcast_in_dim3A_698 = vector.broadcast %jit3A_696 : i32 to vector<16xi32>
          %broadcast_in_dim3A_699 = vector.broadcast %jit3A_697 : i32 to vector<16xi32>
          %select_n3A_700 = arith.select %eq3A_695, %broadcast_in_dim3A_698, %broadcast_in_dim3A_699 : vector<16xi1>, vector<16xi32>
          %add3A_701 = arith.addi %add3A_685, %select_n3A_700 : vector<16xi32>
          %add3A_702 = arith.constant 96 : i32
          %add3A_703 = arith.addi %mul3A_603, %add3A_702 : i32
          %get3A_704 = arith.index_cast %add3A_703 : i32 to index
          %get3A_705 = tpu.vector_load %arg12[%get3A_704] {strides = array<i32>} : memref<6416xf32, #tpu.memory_space<vmem>>, vector<16xf32>,
          %add3A_706 = arith.addf %add3A_690, %get3A_705 : vector<16xf32>
          %get3A_707 = arith.index_cast %add3A_703 : i32 to index
          %get3A_708 = tpu.vector_load %arg10[%get3A_707] {strides = array<i32>} : memref<6416xi32, #tpu.memory_space<vmem>>, vector<16xi32>,
          %eq3A_709 = arith.constant 1 : i32
          %eq3A_710 = vector.broadcast %eq3A_709 : i32 to vector<16xi32>
          %eq3A_711 = arith.cmpi eq, %get3A_708, %eq3A_710 : vector<16xi32>
          %jit3A_712 = arith.constant 1 : i32
          %jit3A_713 = arith.constant 0 : i32
          %broadcast_in_dim3A_714 = vector.broadcast %jit3A_712 : i32 to vector<16xi32>
          %broadcast_in_dim3A_715 = vector.broadcast %jit3A_713 : i32 to vector<16xi32>
          %select_n3A_716 = arith.select %eq3A_711, %broadcast_in_dim3A_714, %broadcast_in_dim3A_715 : vector<16xi1>, vector<16xi32>
          %add3A_717 = arith.addi %add3A_701, %select_n3A_716 : vector<16xi32>
          %add3A_718 = arith.constant 112 : i32
          %add3A_719 = arith.addi %mul3A_603, %add3A_718 : i32
          %get3A_720 = arith.index_cast %add3A_719 : i32 to index
          %get3A_721 = tpu.vector_load %arg12[%get3A_720] {strides = array<i32>} : memref<6416xf32, #tpu.memory_space<vmem>>, vector<16xf32>,
          %add3A_722 = arith.addf %add3A_706, %get3A_721 : vector<16xf32>
          %get3A_723 = arith.index_cast %add3A_719 : i32 to index
          %get3A_724 = tpu.vector_load %arg10[%get3A_723] {strides = array<i32>} : memref<6416xi32, #tpu.memory_space<vmem>>, vector<16xi32>,
          %eq3A_725 = arith.constant 1 : i32
          %eq3A_726 = vector.broadcast %eq3A_725 : i32 to vector<16xi32>
          %eq3A_727 = arith.cmpi eq, %get3A_724, %eq3A_726 : vector<16xi32>
          %jit3A_728 = arith.constant 1 : i32
          %jit3A_729 = arith.constant 0 : i32
          %broadcast_in_dim3A_730 = vector.broadcast %jit3A_728 : i32 to vector<16xi32>
          %broadcast_in_dim3A_731 = vector.broadcast %jit3A_729 : i32 to vector<16xi32>
          %select_n3A_732 = arith.select %eq3A_727, %broadcast_in_dim3A_730, %broadcast_in_dim3A_731 : vector<16xi1>, vector<16xi32>
          %add3A_733 = arith.addi %add3A_717, %select_n3A_732 : vector<16xi32>
          %add3A_734 = arith.constant 128 : i32
          %add3A_735 = arith.addi %mul3A_603, %add3A_734 : i32
          %get3A_736 = arith.index_cast %add3A_735 : i32 to index
          %get3A_737 = tpu.vector_load %arg12[%get3A_736] {strides = array<i32>} : memref<6416xf32, #tpu.memory_space<vmem>>, vector<16xf32>,
          %add3A_738 = arith.addf %add3A_722, %get3A_737 : vector<16xf32>
          %get3A_739 = arith.index_cast %add3A_735 : i32 to index
          %get3A_740 = tpu.vector_load %arg10[%get3A_739] {strides = array<i32>} : memref<6416xi32, #tpu.memory_space<vmem>>, vector<16xi32>,
          %eq3A_741 = arith.constant 1 : i32
          %eq3A_742 = vector.broadcast %eq3A_741 : i32 to vector<16xi32>
          %eq3A_743 = arith.cmpi eq, %get3A_740, %eq3A_742 : vector<16xi32>
          %jit3A_744 = arith.constant 1 : i32
          %jit3A_745 = arith.constant 0 : i32
          %broadcast_in_dim3A_746 = vector.broadcast %jit3A_744 : i32 to vector<16xi32>
          %broadcast_in_dim3A_747 = vector.broadcast %jit3A_745 : i32 to vector<16xi32>
          %select_n3A_748 = arith.select %eq3A_743, %broadcast_in_dim3A_746, %broadcast_in_dim3A_747 : vector<16xi1>, vector<16xi32>
          %add3A_749 = arith.addi %add3A_733, %select_n3A_748 : vector<16xi32>
          %add3A_750 = arith.constant 144 : i32
          %add3A_751 = arith.addi %mul3A_603, %add3A_750 : i32
          %get3A_752 = arith.index_cast %add3A_751 : i32 to index
          %get3A_753 = tpu.vector_load %arg12[%get3A_752] {strides = array<i32>} : memref<6416xf32, #tpu.memory_space<vmem>>, vector<16xf32>,
          %add3A_754 = arith.addf %add3A_738, %get3A_753 : vector<16xf32>
          %get3A_755 = arith.index_cast %add3A_751 : i32 to index
          %get3A_756 = tpu.vector_load %arg10[%get3A_755] {strides = array<i32>} : memref<6416xi32, #tpu.memory_space<vmem>>, vector<16xi32>,
          %eq3A_757 = arith.constant 1 : i32
          %eq3A_758 = vector.broadcast %eq3A_757 : i32 to vector<16xi32>
          %eq3A_759 = arith.cmpi eq, %get3A_756, %eq3A_758 : vector<16xi32>
          %jit3A_760 = arith.constant 1 : i32
          %jit3A_761 = arith.constant 0 : i32
          %broadcast_in_dim3A_762 = vector.broadcast %jit3A_760 : i32 to vector<16xi32>
          %broadcast_in_dim3A_763 = vector.broadcast %jit3A_761 : i32 to vector<16xi32>
          %select_n3A_764 = arith.select %eq3A_759, %broadcast_in_dim3A_762, %broadcast_in_dim3A_763 : vector<16xi1>, vector<16xi32>
          %add3A_765 = arith.addi %add3A_749, %select_n3A_764 : vector<16xi32>
          %add3A_766 = arith.constant 160 : i32
          %add3A_767 = arith.addi %mul3A_603, %add3A_766 : i32
          %get3A_768 = arith.index_cast %add3A_767 : i32 to index
          %get3A_769 = tpu.vector_load %arg12[%get3A_768] {strides = array<i32>} : memref<6416xf32, #tpu.memory_space<vmem>>, vector<16xf32>,
          %add3A_770 = arith.addf %add3A_754, %get3A_769 : vector<16xf32>
          %get3A_771 = arith.index_cast %add3A_767 : i32 to index
          %get3A_772 = tpu.vector_load %arg10[%get3A_771] {strides = array<i32>} : memref<6416xi32, #tpu.memory_space<vmem>>, vector<16xi32>,
          %eq3A_773 = arith.constant 1 : i32
          %eq3A_774 = vector.broadcast %eq3A_773 : i32 to vector<16xi32>
          %eq3A_775 = arith.cmpi eq, %get3A_772, %eq3A_774 : vector<16xi32>
          %jit3A_776 = arith.constant 1 : i32
          %jit3A_777 = arith.constant 0 : i32
          %broadcast_in_dim3A_778 = vector.broadcast %jit3A_776 : i32 to vector<16xi32>
          %broadcast_in_dim3A_779 = vector.broadcast %jit3A_777 : i32 to vector<16xi32>
          %select_n3A_780 = arith.select %eq3A_775, %broadcast_in_dim3A_778, %broadcast_in_dim3A_779 : vector<16xi1>, vector<16xi32>
          %add3A_781 = arith.addi %add3A_765, %select_n3A_780 : vector<16xi32>
          %add3A_782 = arith.constant 176 : i32
          %add3A_783 = arith.addi %mul3A_603, %add3A_782 : i32
          %get3A_784 = arith.index_cast %add3A_783 : i32 to index
          %get3A_785 = tpu.vector_load %arg12[%get3A_784] {strides = array<i32>} : memref<6416xf32, #tpu.memory_space<vmem>>, vector<16xf32>,
          %add3A_786 = arith.addf %add3A_770, %get3A_785 : vector<16xf32>
          %get3A_787 = arith.index_cast %add3A_783 : i32 to index
          %get3A_788 = tpu.vector_load %arg10[%get3A_787] {strides = array<i32>} : memref<6416xi32, #tpu.memory_space<vmem>>, vector<16xi32>,
          %eq3A_789 = arith.constant 1 : i32
          %eq3A_790 = vector.broadcast %eq3A_789 : i32 to vector<16xi32>
          %eq3A_791 = arith.cmpi eq, %get3A_788, %eq3A_790 : vector<16xi32>
          %jit3A_792 = arith.constant 1 : i32
          %jit3A_793 = arith.constant 0 : i32
          %broadcast_in_dim3A_794 = vector.broadcast %jit3A_792 : i32 to vector<16xi32>
          %broadcast_in_dim3A_795 = vector.broadcast %jit3A_793 : i32 to vector<16xi32>
          %select_n3A_796 = arith.select %eq3A_791, %broadcast_in_dim3A_794, %broadcast_in_dim3A_795 : vector<16xi1>, vector<16xi32>
          %add3A_797 = arith.addi %add3A_781, %select_n3A_796 : vector<16xi32>
          %add3A_798 = arith.constant 192 : i32
          %add3A_799 = arith.addi %mul3A_603, %add3A_798 : i32
          %get3A_800 = arith.index_cast %add3A_799 : i32 to index
          %get3A_801 = tpu.vector_load %arg12[%get3A_800] {strides = array<i32>} : memref<6416xf32, #tpu.memory_space<vmem>>, vector<16xf32>,
          %jit3A_802 = arith.constant 0.000000e+00 : f32
          %broadcast_in_dim3A_803 = vector.broadcast %jit3A_802 : f32 to vector<16xf32>
          %select_n3A_804 = arith.select %lt3A_3, %get3A_801, %broadcast_in_dim3A_803 : vector<16xi1>, vector<16xf32>
          %add3A_805 = arith.addf %add3A_786, %select_n3A_804 : vector<16xf32>
          %get3A_806 = arith.index_cast %add3A_799 : i32 to index
          %get3A_807 = tpu.vector_load %arg10[%get3A_806] {strides = array<i32>} : memref<6416xi32, #tpu.memory_space<vmem>>, vector<16xi32>,
          %eq3A_808 = arith.constant 1 : i32
          %eq3A_809 = vector.broadcast %eq3A_808 : i32 to vector<16xi32>
          %eq3A_810 = arith.cmpi eq, %get3A_807, %eq3A_809 : vector<16xi32>
          %and3A = arith.andi %lt3A_3, %eq3A_810 : vector<16xi1>
          %jit3A_811 = arith.constant 1 : i32
          %jit3A_812 = arith.constant 0 : i32
          %broadcast_in_dim3A_813 = vector.broadcast %jit3A_811 : i32 to vector<16xi32>
          %broadcast_in_dim3A_814 = vector.broadcast %jit3A_812 : i32 to vector<16xi32>
          %select_n3A_815 = arith.select %and3A, %broadcast_in_dim3A_813, %broadcast_in_dim3A_814 : vector<16xi1>, vector<16xi32>
          %add3A_816 = arith.addi %add3A_797, %select_n3A_815 : vector<16xi32>
          %mul3A_817 = arith.constant 16 : i32
          %mul3A_818 = arith.muli %scan3A_601, %mul3A_817 : i32
          %swap3A_819 = arith.index_cast %mul3A_818 : i32 to index
          %swap3A_820 = tpu.vector_load %arg15[%swap3A_819] {strides = array<i32>} : memref<512xf32, #tpu.memory_space<vmem>>, vector<16xf32>,
          tpu.vector_store %arg15[%swap3A_819], %add3A_805 {strides = array<i32>} : memref<512xf32, #tpu.memory_space<vmem>>, vector<16xf32>,
          %swap3A_821 = arith.index_cast %mul3A_818 : i32 to index
          %swap3A_822 = tpu.vector_load %arg16[%swap3A_821] {strides = array<i32>} : memref<512xi32, #tpu.memory_space<vmem>>, vector<16xi32>,
          tpu.vector_store %arg16[%swap3A_821], %add3A_816 {strides = array<i32>} : memref<512xi32, #tpu.memory_space<vmem>>, vector<16xi32>,
        }
        %scan3A_338 = arith.constant 32 : i32
        %add3A_339 = arith.constant 0 : i32
        %add3A_340 = vector.broadcast %add3A_339 : i32 to vector<16xi32>
        %add3A_341 = arith.addi %iota3A, %add3A_340 : vector<16xi32>
        %mul3A_342 = arith.constant 16 : i32
        %mul3A_343 = vector.broadcast %mul3A_342 : i32 to vector<16xi32>
        %mul3A_344 = arith.muli %add3A_341, %mul3A_343 : vector<16xi32>
        %broadcast_in_dim3A_345 = arith.constant 0.000000e+00 : f32
        %broadcast_in_dim3A_346 = vector.broadcast %broadcast_in_dim3A_345 : f32 to vector<16xf32>
        %broadcast_in_dim3A_347 = arith.constant 0 : i32
        %broadcast_in_dim3A_348 = vector.broadcast %broadcast_in_dim3A_347 : i32 to vector<16xi32>
        %add3A_349 = arith.constant 0 : i32
        %add3A_350 = vector.broadcast %add3A_349 : i32 to vector<16xi32>
        %add3A_351 = arith.addi %mul3A_344, %add3A_350 : vector<16xi32>
        %gather3A_352 = tpu.vector_load_idx %arg15[%add3A_351] : memref<512xf32, #tpu.memory_space<vmem>>[vector<16xi32>], vector<16xf32>,
        %add3A_353 = arith.addf %broadcast_in_dim3A_346, %gather3A_352 : vector<16xf32>
        %gather3A_354 = tpu.vector_load_idx %arg16[%add3A_351] : memref<512xi32, #tpu.memory_space<vmem>>[vector<16xi32>], vector<16xi32>,
        %add3A_355 = arith.addi %broadcast_in_dim3A_348, %gather3A_354 : vector<16xi32>
        %add3A_356 = arith.constant 1 : i32
        %add3A_357 = vector.broadcast %add3A_356 : i32 to vector<16xi32>
        %add3A_358 = arith.addi %mul3A_344, %add3A_357 : vector<16xi32>
        %gather3A_359 = tpu.vector_load_idx %arg15[%add3A_358] : memref<512xf32, #tpu.memory_space<vmem>>[vector<16xi32>], vector<16xf32>,
        %add3A_360 = arith.addf %add3A_353, %gather3A_359 : vector<16xf32>
        %gather3A_361 = tpu.vector_load_idx %arg16[%add3A_358] : memref<512xi32, #tpu.memory_space<vmem>>[vector<16xi32>], vector<16xi32>,
        %add3A_362 = arith.addi %add3A_355, %gather3A_361 : vector<16xi32>
        %add3A_363 = arith.constant 2 : i32
        %add3A_364 = vector.broadcast %add3A_363 : i32 to vector<16xi32>
        %add3A_365 = arith.addi %mul3A_344, %add3A_364 : vector<16xi32>
        %gather3A_366 = tpu.vector_load_idx %arg15[%add3A_365] : memref<512xf32, #tpu.memory_space<vmem>>[vector<16xi32>], vector<16xf32>,
        %add3A_367 = arith.addf %add3A_360, %gather3A_366 : vector<16xf32>
        %gather3A_368 = tpu.vector_load_idx %arg16[%add3A_365] : memref<512xi32, #tpu.memory_space<vmem>>[vector<16xi32>], vector<16xi32>,
        %add3A_369 = arith.addi %add3A_362, %gather3A_368 : vector<16xi32>
        %add3A_370 = arith.constant 3 : i32
        %add3A_371 = vector.broadcast %add3A_370 : i32 to vector<16xi32>
        %add3A_372 = arith.addi %mul3A_344, %add3A_371 : vector<16xi32>
        %gather3A_373 = tpu.vector_load_idx %arg15[%add3A_372] : memref<512xf32, #tpu.memory_space<vmem>>[vector<16xi32>], vector<16xf32>,
        %add3A_374 = arith.addf %add3A_367, %gather3A_373 : vector<16xf32>
        %gather3A_375 = tpu.vector_load_idx %arg16[%add3A_372] : memref<512xi32, #tpu.memory_space<vmem>>[vector<16xi32>], vector<16xi32>,
        %add3A_376 = arith.addi %add3A_369, %gather3A_375 : vector<16xi32>
        %add3A_377 = arith.constant 4 : i32
        %add3A_378 = vector.broadcast %add3A_377 : i32 to vector<16xi32>
        %add3A_379 = arith.addi %mul3A_344, %add3A_378 : vector<16xi32>
        %gather3A_380 = tpu.vector_load_idx %arg15[%add3A_379] : memref<512xf32, #tpu.memory_space<vmem>>[vector<16xi32>], vector<16xf32>,
        %add3A_381 = arith.addf %add3A_374, %gather3A_380 : vector<16xf32>
        %gather3A_382 = tpu.vector_load_idx %arg16[%add3A_379] : memref<512xi32, #tpu.memory_space<vmem>>[vector<16xi32>], vector<16xi32>,
        %add3A_383 = arith.addi %add3A_376, %gather3A_382 : vector<16xi32>
        %add3A_384 = arith.constant 5 : i32
        %add3A_385 = vector.broadcast %add3A_384 : i32 to vector<16xi32>
        %add3A_386 = arith.addi %mul3A_344, %add3A_385 : vector<16xi32>
        %gather3A_387 = tpu.vector_load_idx %arg15[%add3A_386] : memref<512xf32, #tpu.memory_space<vmem>>[vector<16xi32>], vector<16xf32>,
        %add3A_388 = arith.addf %add3A_381, %gather3A_387 : vector<16xf32>
        %gather3A_389 = tpu.vector_load_idx %arg16[%add3A_386] : memref<512xi32, #tpu.memory_space<vmem>>[vector<16xi32>], vector<16xi32>,
        %add3A_390 = arith.addi %add3A_383, %gather3A_389 : vector<16xi32>
        %add3A_391 = arith.constant 6 : i32
        %add3A_392 = vector.broadcast %add3A_391 : i32 to vector<16xi32>
        %add3A_393 = arith.addi %mul3A_344, %add3A_392 : vector<16xi32>
        %gather3A_394 = tpu.vector_load_idx %arg15[%add3A_393] : memref<512xf32, #tpu.memory_space<vmem>>[vector<16xi32>], vector<16xf32>,
        %add3A_395 = arith.addf %add3A_388, %gather3A_394 : vector<16xf32>
        %gather3A_396 = tpu.vector_load_idx %arg16[%add3A_393] : memref<512xi32, #tpu.memory_space<vmem>>[vector<16xi32>], vector<16xi32>,
        %add3A_397 = arith.addi %add3A_390, %gather3A_396 : vector<16xi32>
        %add3A_398 = arith.constant 7 : i32
        %add3A_399 = vector.broadcast %add3A_398 : i32 to vector<16xi32>
        %add3A_400 = arith.addi %mul3A_344, %add3A_399 : vector<16xi32>
        %gather3A_401 = tpu.vector_load_idx %arg15[%add3A_400] : memref<512xf32, #tpu.memory_space<vmem>>[vector<16xi32>], vector<16xf32>,
        %add3A_402 = arith.addf %add3A_395, %gather3A_401 : vector<16xf32>
        %gather3A_403 = tpu.vector_load_idx %arg16[%add3A_400] : memref<512xi32, #tpu.memory_space<vmem>>[vector<16xi32>], vector<16xi32>,
        %add3A_404 = arith.addi %add3A_397, %gather3A_403 : vector<16xi32>
        %add3A_405 = arith.constant 8 : i32
        %add3A_406 = vector.broadcast %add3A_405 : i32 to vector<16xi32>
        %add3A_407 = arith.addi %mul3A_344, %add3A_406 : vector<16xi32>
        %gather3A_408 = tpu.vector_load_idx %arg15[%add3A_407] : memref<512xf32, #tpu.memory_space<vmem>>[vector<16xi32>], vector<16xf32>,
        %add3A_409 = arith.addf %add3A_402, %gather3A_408 : vector<16xf32>
        %gather3A_410 = tpu.vector_load_idx %arg16[%add3A_407] : memref<512xi32, #tpu.memory_space<vmem>>[vector<16xi32>], vector<16xi32>,
        %add3A_411 = arith.addi %add3A_404, %gather3A_410 : vector<16xi32>
        %add3A_412 = arith.constant 9 : i32
        %add3A_413 = vector.broadcast %add3A_412 : i32 to vector<16xi32>
        %add3A_414 = arith.addi %mul3A_344, %add3A_413 : vector<16xi32>
        %gather3A_415 = tpu.vector_load_idx %arg15[%add3A_414] : memref<512xf32, #tpu.memory_space<vmem>>[vector<16xi32>], vector<16xf32>,
        %add3A_416 = arith.addf %add3A_409, %gather3A_415 : vector<16xf32>
        %gather3A_417 = tpu.vector_load_idx %arg16[%add3A_414] : memref<512xi32, #tpu.memory_space<vmem>>[vector<16xi32>], vector<16xi32>,
        %add3A_418 = arith.addi %add3A_411, %gather3A_417 : vector<16xi32>
        %add3A_419 = arith.constant 10 : i32
        %add3A_420 = vector.broadcast %add3A_419 : i32 to vector<16xi32>
        %add3A_421 = arith.addi %mul3A_344, %add3A_420 : vector<16xi32>
        %gather3A_422 = tpu.vector_load_idx %arg15[%add3A_421] : memref<512xf32, #tpu.memory_space<vmem>>[vector<16xi32>], vector<16xf32>,
        %add3A_423 = arith.addf %add3A_416, %gather3A_422 : vector<16xf32>
        %gather3A_424 = tpu.vector_load_idx %arg16[%add3A_421] : memref<512xi32, #tpu.memory_space<vmem>>[vector<16xi32>], vector<16xi32>,
        %add3A_425 = arith.addi %add3A_418, %gather3A_424 : vector<16xi32>
        %add3A_426 = arith.constant 11 : i32
        %add3A_427 = vector.broadcast %add3A_426 : i32 to vector<16xi32>
        %add3A_428 = arith.addi %mul3A_344, %add3A_427 : vector<16xi32>
        %gather3A_429 = tpu.vector_load_idx %arg15[%add3A_428] : memref<512xf32, #tpu.memory_space<vmem>>[vector<16xi32>], vector<16xf32>,
        %add3A_430 = arith.addf %add3A_423, %gather3A_429 : vector<16xf32>
        %gather3A_431 = tpu.vector_load_idx %arg16[%add3A_428] : memref<512xi32, #tpu.memory_space<vmem>>[vector<16xi32>], vector<16xi32>,
        %add3A_432 = arith.addi %add3A_425, %gather3A_431 : vector<16xi32>
        %add3A_433 = arith.constant 12 : i32
        %add3A_434 = vector.broadcast %add3A_433 : i32 to vector<16xi32>
        %add3A_435 = arith.addi %mul3A_344, %add3A_434 : vector<16xi32>
        %gather3A_436 = tpu.vector_load_idx %arg15[%add3A_435] : memref<512xf32, #tpu.memory_space<vmem>>[vector<16xi32>], vector<16xf32>,
        %add3A_437 = arith.addf %add3A_430, %gather3A_436 : vector<16xf32>
        %gather3A_438 = tpu.vector_load_idx %arg16[%add3A_435] : memref<512xi32, #tpu.memory_space<vmem>>[vector<16xi32>], vector<16xi32>,
        %add3A_439 = arith.addi %add3A_432, %gather3A_438 : vector<16xi32>
        %add3A_440 = arith.constant 13 : i32
        %add3A_441 = vector.broadcast %add3A_440 : i32 to vector<16xi32>
        %add3A_442 = arith.addi %mul3A_344, %add3A_441 : vector<16xi32>
        %gather3A_443 = tpu.vector_load_idx %arg15[%add3A_442] : memref<512xf32, #tpu.memory_space<vmem>>[vector<16xi32>], vector<16xf32>,
        %add3A_444 = arith.addf %add3A_437, %gather3A_443 : vector<16xf32>
        %gather3A_445 = tpu.vector_load_idx %arg16[%add3A_442] : memref<512xi32, #tpu.memory_space<vmem>>[vector<16xi32>], vector<16xi32>,
        %add3A_446 = arith.addi %add3A_439, %gather3A_445 : vector<16xi32>
        %add3A_447 = arith.constant 14 : i32
        %add3A_448 = vector.broadcast %add3A_447 : i32 to vector<16xi32>
        %add3A_449 = arith.addi %mul3A_344, %add3A_448 : vector<16xi32>
        %gather3A_450 = tpu.vector_load_idx %arg15[%add3A_449] : memref<512xf32, #tpu.memory_space<vmem>>[vector<16xi32>], vector<16xf32>,
        %add3A_451 = arith.addf %add3A_444, %gather3A_450 : vector<16xf32>
        %gather3A_452 = tpu.vector_load_idx %arg16[%add3A_449] : memref<512xi32, #tpu.memory_space<vmem>>[vector<16xi32>], vector<16xi32>,
        %add3A_453 = arith.addi %add3A_446, %gather3A_452 : vector<16xi32>
        %add3A_454 = arith.constant 15 : i32
        %add3A_455 = vector.broadcast %add3A_454 : i32 to vector<16xi32>
        %add3A_456 = arith.addi %mul3A_344, %add3A_455 : vector<16xi32>
        %gather3A_457 = tpu.vector_load_idx %arg15[%add3A_456] : memref<512xf32, #tpu.memory_space<vmem>>[vector<16xi32>], vector<16xf32>,
        %add3A_458 = arith.addf %add3A_451, %gather3A_457 : vector<16xf32>
        %gather3A_459 = tpu.vector_load_idx %arg16[%add3A_456] : memref<512xi32, #tpu.memory_space<vmem>>[vector<16xi32>], vector<16xi32>,
        %add3A_460 = arith.addi %add3A_453, %gather3A_459 : vector<16xi32>
        %convert_element_type3A_461 = arith.sitofp %add3A_460 : vector<16xi32> to vector<16xf32>
        %div3A_462 = arith.divf %add3A_458, %convert_element_type3A_461 : vector<16xf32>
        %add3A_463 = arith.addf %div3A_462, %get3A_1 : vector<16xf32>
        %mul3A_464 = arith.constant 32 : i32
        %mul3A_465 = arith.muli %add3A_332, %mul3A_464 : i32
        %add3A_466 = arith.constant 0 : i32
        %add3A_467 = arith.addi %mul3A_465, %add3A_466 : i32
        %swap3A_468 = arith.index_cast %add3A_467 : i32 to index
        %swap3A_469 = tpu.vector_load %arg13[%swap3A_468] {strides = array<i32>} : memref<1024xf32, #tpu.memory_space<vmem>>, vector<16xf32>,
        tpu.vector_store %arg13[%swap3A_468], %add3A_463 {strides = array<i32>} : memref<1024xf32, #tpu.memory_space<vmem>>, vector<16xf32>,
        %add3A_470 = arith.constant 16 : i32
        %add3A_471 = vector.broadcast %add3A_470 : i32 to vector<16xi32>
        %add3A_472 = arith.addi %iota3A, %add3A_471 : vector<16xi32>
        %mul3A_473 = arith.constant 16 : i32
        %mul3A_474 = vector.broadcast %mul3A_473 : i32 to vector<16xi32>
        %mul3A_475 = arith.muli %add3A_472, %mul3A_474 : vector<16xi32>
        %broadcast_in_dim3A_476 = arith.constant 0.000000e+00 : f32
        %broadcast_in_dim3A_477 = vector.broadcast %broadcast_in_dim3A_476 : f32 to vector<16xf32>
        %broadcast_in_dim3A_478 = arith.constant 0 : i32
        %broadcast_in_dim3A_479 = vector.broadcast %broadcast_in_dim3A_478 : i32 to vector<16xi32>
        %add3A_480 = arith.constant 0 : i32
        %add3A_481 = vector.broadcast %add3A_480 : i32 to vector<16xi32>
        %add3A_482 = arith.addi %mul3A_475, %add3A_481 : vector<16xi32>
        %gather3A_483 = tpu.vector_load_idx %arg15[%add3A_482] : memref<512xf32, #tpu.memory_space<vmem>>[vector<16xi32>], vector<16xf32>,
        %add3A_484 = arith.addf %broadcast_in_dim3A_477, %gather3A_483 : vector<16xf32>
        %gather3A_485 = tpu.vector_load_idx %arg16[%add3A_482] : memref<512xi32, #tpu.memory_space<vmem>>[vector<16xi32>], vector<16xi32>,
        %add3A_486 = arith.addi %broadcast_in_dim3A_479, %gather3A_485 : vector<16xi32>
        %add3A_487 = arith.constant 1 : i32
        %add3A_488 = vector.broadcast %add3A_487 : i32 to vector<16xi32>
        %add3A_489 = arith.addi %mul3A_475, %add3A_488 : vector<16xi32>
        %gather3A_490 = tpu.vector_load_idx %arg15[%add3A_489] : memref<512xf32, #tpu.memory_space<vmem>>[vector<16xi32>], vector<16xf32>,
        %add3A_491 = arith.addf %add3A_484, %gather3A_490 : vector<16xf32>
        %gather3A_492 = tpu.vector_load_idx %arg16[%add3A_489] : memref<512xi32, #tpu.memory_space<vmem>>[vector<16xi32>], vector<16xi32>,
        %add3A_493 = arith.addi %add3A_486, %gather3A_492 : vector<16xi32>
        %add3A_494 = arith.constant 2 : i32
        %add3A_495 = vector.broadcast %add3A_494 : i32 to vector<16xi32>
        %add3A_496 = arith.addi %mul3A_475, %add3A_495 : vector<16xi32>
        %gather3A_497 = tpu.vector_load_idx %arg15[%add3A_496] : memref<512xf32, #tpu.memory_space<vmem>>[vector<16xi32>], vector<16xf32>,
        %add3A_498 = arith.addf %add3A_491, %gather3A_497 : vector<16xf32>
        %gather3A_499 = tpu.vector_load_idx %arg16[%add3A_496] : memref<512xi32, #tpu.memory_space<vmem>>[vector<16xi32>], vector<16xi32>,
        %add3A_500 = arith.addi %add3A_493, %gather3A_499 : vector<16xi32>
        %add3A_501 = arith.constant 3 : i32
        %add3A_502 = vector.broadcast %add3A_501 : i32 to vector<16xi32>
        %add3A_503 = arith.addi %mul3A_475, %add3A_502 : vector<16xi32>
        %gather3A_504 = tpu.vector_load_idx %arg15[%add3A_503] : memref<512xf32, #tpu.memory_space<vmem>>[vector<16xi32>], vector<16xf32>,
        %add3A_505 = arith.addf %add3A_498, %gather3A_504 : vector<16xf32>
        %gather3A_506 = tpu.vector_load_idx %arg16[%add3A_503] : memref<512xi32, #tpu.memory_space<vmem>>[vector<16xi32>], vector<16xi32>,
        %add3A_507 = arith.addi %add3A_500, %gather3A_506 : vector<16xi32>
        %add3A_508 = arith.constant 4 : i32
        %add3A_509 = vector.broadcast %add3A_508 : i32 to vector<16xi32>
        %add3A_510 = arith.addi %mul3A_475, %add3A_509 : vector<16xi32>
        %gather3A_511 = tpu.vector_load_idx %arg15[%add3A_510] : memref<512xf32, #tpu.memory_space<vmem>>[vector<16xi32>], vector<16xf32>,
        %add3A_512 = arith.addf %add3A_505, %gather3A_511 : vector<16xf32>
        %gather3A_513 = tpu.vector_load_idx %arg16[%add3A_510] : memref<512xi32, #tpu.memory_space<vmem>>[vector<16xi32>], vector<16xi32>,
        %add3A_514 = arith.addi %add3A_507, %gather3A_513 : vector<16xi32>
        %add3A_515 = arith.constant 5 : i32
        %add3A_516 = vector.broadcast %add3A_515 : i32 to vector<16xi32>
        %add3A_517 = arith.addi %mul3A_475, %add3A_516 : vector<16xi32>
        %gather3A_518 = tpu.vector_load_idx %arg15[%add3A_517] : memref<512xf32, #tpu.memory_space<vmem>>[vector<16xi32>], vector<16xf32>,
        %add3A_519 = arith.addf %add3A_512, %gather3A_518 : vector<16xf32>
        %gather3A_520 = tpu.vector_load_idx %arg16[%add3A_517] : memref<512xi32, #tpu.memory_space<vmem>>[vector<16xi32>], vector<16xi32>,
        %add3A_521 = arith.addi %add3A_514, %gather3A_520 : vector<16xi32>
        %add3A_522 = arith.constant 6 : i32
        %add3A_523 = vector.broadcast %add3A_522 : i32 to vector<16xi32>
        %add3A_524 = arith.addi %mul3A_475, %add3A_523 : vector<16xi32>
        %gather3A_525 = tpu.vector_load_idx %arg15[%add3A_524] : memref<512xf32, #tpu.memory_space<vmem>>[vector<16xi32>], vector<16xf32>,
        %add3A_526 = arith.addf %add3A_519, %gather3A_525 : vector<16xf32>
        %gather3A_527 = tpu.vector_load_idx %arg16[%add3A_524] : memref<512xi32, #tpu.memory_space<vmem>>[vector<16xi32>], vector<16xi32>,
        %add3A_528 = arith.addi %add3A_521, %gather3A_527 : vector<16xi32>
        %add3A_529 = arith.constant 7 : i32
        %add3A_530 = vector.broadcast %add3A_529 : i32 to vector<16xi32>
        %add3A_531 = arith.addi %mul3A_475, %add3A_530 : vector<16xi32>
        %gather3A_532 = tpu.vector_load_idx %arg15[%add3A_531] : memref<512xf32, #tpu.memory_space<vmem>>[vector<16xi32>], vector<16xf32>,
        %add3A_533 = arith.addf %add3A_526, %gather3A_532 : vector<16xf32>
        %gather3A_534 = tpu.vector_load_idx %arg16[%add3A_531] : memref<512xi32, #tpu.memory_space<vmem>>[vector<16xi32>], vector<16xi32>,
        %add3A_535 = arith.addi %add3A_528, %gather3A_534 : vector<16xi32>
        %add3A_536 = arith.constant 8 : i32
        %add3A_537 = vector.broadcast %add3A_536 : i32 to vector<16xi32>
        %add3A_538 = arith.addi %mul3A_475, %add3A_537 : vector<16xi32>
        %gather3A_539 = tpu.vector_load_idx %arg15[%add3A_538] : memref<512xf32, #tpu.memory_space<vmem>>[vector<16xi32>], vector<16xf32>,
        %add3A_540 = arith.addf %add3A_533, %gather3A_539 : vector<16xf32>
        %gather3A_541 = tpu.vector_load_idx %arg16[%add3A_538] : memref<512xi32, #tpu.memory_space<vmem>>[vector<16xi32>], vector<16xi32>,
        %add3A_542 = arith.addi %add3A_535, %gather3A_541 : vector<16xi32>
        %add3A_543 = arith.constant 9 : i32
        %add3A_544 = vector.broadcast %add3A_543 : i32 to vector<16xi32>
        %add3A_545 = arith.addi %mul3A_475, %add3A_544 : vector<16xi32>
        %gather3A_546 = tpu.vector_load_idx %arg15[%add3A_545] : memref<512xf32, #tpu.memory_space<vmem>>[vector<16xi32>], vector<16xf32>,
        %add3A_547 = arith.addf %add3A_540, %gather3A_546 : vector<16xf32>
        %gather3A_548 = tpu.vector_load_idx %arg16[%add3A_545] : memref<512xi32, #tpu.memory_space<vmem>>[vector<16xi32>], vector<16xi32>,
        %add3A_549 = arith.addi %add3A_542, %gather3A_548 : vector<16xi32>
        %add3A_550 = arith.constant 10 : i32
        %add3A_551 = vector.broadcast %add3A_550 : i32 to vector<16xi32>
        %add3A_552 = arith.addi %mul3A_475, %add3A_551 : vector<16xi32>
        %gather3A_553 = tpu.vector_load_idx %arg15[%add3A_552] : memref<512xf32, #tpu.memory_space<vmem>>[vector<16xi32>], vector<16xf32>,
        %add3A_554 = arith.addf %add3A_547, %gather3A_553 : vector<16xf32>
        %gather3A_555 = tpu.vector_load_idx %arg16[%add3A_552] : memref<512xi32, #tpu.memory_space<vmem>>[vector<16xi32>], vector<16xi32>,
        %add3A_556 = arith.addi %add3A_549, %gather3A_555 : vector<16xi32>
        %add3A_557 = arith.constant 11 : i32
        %add3A_558 = vector.broadcast %add3A_557 : i32 to vector<16xi32>
        %add3A_559 = arith.addi %mul3A_475, %add3A_558 : vector<16xi32>
        %gather3A_560 = tpu.vector_load_idx %arg15[%add3A_559] : memref<512xf32, #tpu.memory_space<vmem>>[vector<16xi32>], vector<16xf32>,
        %add3A_561 = arith.addf %add3A_554, %gather3A_560 : vector<16xf32>
        %gather3A_562 = tpu.vector_load_idx %arg16[%add3A_559] : memref<512xi32, #tpu.memory_space<vmem>>[vector<16xi32>], vector<16xi32>,
        %add3A_563 = arith.addi %add3A_556, %gather3A_562 : vector<16xi32>
        %add3A_564 = arith.constant 12 : i32
        %add3A_565 = vector.broadcast %add3A_564 : i32 to vector<16xi32>
        %add3A_566 = arith.addi %mul3A_475, %add3A_565 : vector<16xi32>
        %gather3A_567 = tpu.vector_load_idx %arg15[%add3A_566] : memref<512xf32, #tpu.memory_space<vmem>>[vector<16xi32>], vector<16xf32>,
        %add3A_568 = arith.addf %add3A_561, %gather3A_567 : vector<16xf32>
        %gather3A_569 = tpu.vector_load_idx %arg16[%add3A_566] : memref<512xi32, #tpu.memory_space<vmem>>[vector<16xi32>], vector<16xi32>,
        %add3A_570 = arith.addi %add3A_563, %gather3A_569 : vector<16xi32>
        %add3A_571 = arith.constant 13 : i32
        %add3A_572 = vector.broadcast %add3A_571 : i32 to vector<16xi32>
        %add3A_573 = arith.addi %mul3A_475, %add3A_572 : vector<16xi32>
        %gather3A_574 = tpu.vector_load_idx %arg15[%add3A_573] : memref<512xf32, #tpu.memory_space<vmem>>[vector<16xi32>], vector<16xf32>,
        %add3A_575 = arith.addf %add3A_568, %gather3A_574 : vector<16xf32>
        %gather3A_576 = tpu.vector_load_idx %arg16[%add3A_573] : memref<512xi32, #tpu.memory_space<vmem>>[vector<16xi32>], vector<16xi32>,
        %add3A_577 = arith.addi %add3A_570, %gather3A_576 : vector<16xi32>
        %add3A_578 = arith.constant 14 : i32
        %add3A_579 = vector.broadcast %add3A_578 : i32 to vector<16xi32>
        %add3A_580 = arith.addi %mul3A_475, %add3A_579 : vector<16xi32>
        %gather3A_581 = tpu.vector_load_idx %arg15[%add3A_580] : memref<512xf32, #tpu.memory_space<vmem>>[vector<16xi32>], vector<16xf32>,
        %add3A_582 = arith.addf %add3A_575, %gather3A_581 : vector<16xf32>
        %gather3A_583 = tpu.vector_load_idx %arg16[%add3A_580] : memref<512xi32, #tpu.memory_space<vmem>>[vector<16xi32>], vector<16xi32>,
        %add3A_584 = arith.addi %add3A_577, %gather3A_583 : vector<16xi32>
        %add3A_585 = arith.constant 15 : i32
        %add3A_586 = vector.broadcast %add3A_585 : i32 to vector<16xi32>
        %add3A_587 = arith.addi %mul3A_475, %add3A_586 : vector<16xi32>
        %gather3A_588 = tpu.vector_load_idx %arg15[%add3A_587] : memref<512xf32, #tpu.memory_space<vmem>>[vector<16xi32>], vector<16xf32>,
        %add3A_589 = arith.addf %add3A_582, %gather3A_588 : vector<16xf32>
        %gather3A_590 = tpu.vector_load_idx %arg16[%add3A_587] : memref<512xi32, #tpu.memory_space<vmem>>[vector<16xi32>], vector<16xi32>,
        %add3A_591 = arith.addi %add3A_584, %gather3A_590 : vector<16xi32>
        %convert_element_type3A_592 = arith.sitofp %add3A_591 : vector<16xi32> to vector<16xf32>
        %div3A_593 = arith.divf %add3A_589, %convert_element_type3A_592 : vector<16xf32>
        %add3A_594 = arith.addf %div3A_593, %get3A_1 : vector<16xf32>
        %mul3A_595 = arith.constant 32 : i32
        %mul3A_596 = arith.muli %add3A_332, %mul3A_595 : i32
        %add3A_597 = arith.constant 16 : i32
        %add3A_598 = arith.addi %mul3A_596, %add3A_597 : i32
        %swap3A_599 = arith.index_cast %add3A_598 : i32 to index
        %swap3A_600 = tpu.vector_load %arg13[%swap3A_599] {strides = array<i32>} : memref<1024xf32, #tpu.memory_space<vmem>>, vector<16xf32>,
        tpu.vector_store %arg13[%swap3A_599], %add3A_594 {strides = array<i32>} : memref<1024xf32, #tpu.memory_space<vmem>>, vector<16xf32>,
      }
      %scan3A_28 = arith.constant 16 : i32
      %run_scoped3A = arith.constant 1 : i32
      "tpu.region"() ({
        %run_scoped3A_29 = tpu.sem_alloc : memref<!tpu.dma_semaphore, #tpu.memory_space<semaphore_mem>>
        %dma_start3A_30 = tpu.memref_slice %arg7[%run_scoped3A, %mul3A_0] : memref<2x16384xf32, #tpu.memory_space<hbm>> -> memref<1x1024xf32, #tpu.memory_space<hbm>>
        %dma_start3A_31 = tpu.memref_squeeze %dma_start3A_30 : memref<1x1024xf32, #tpu.memory_space<hbm>> -> memref<1024xf32, #tpu.memory_space<hbm>>
        %dma_start3A_32 = tpu.memref_slice %arg7[%run_scoped3A, %mul3A_0] : memref<2x16384xf32, #tpu.memory_space<hbm>> -> memref<1x1024xf32, #tpu.memory_space<hbm>>
        %dma_start3A_33 = tpu.memref_squeeze %dma_start3A_32 : memref<1x1024xf32, #tpu.memory_space<hbm>> -> memref<1024xf32, #tpu.memory_space<hbm>>
        tpu.enqueue_dma source(%arg13 : memref<1024xf32, #tpu.memory_space<vmem>>) target(%dma_start3A_33 : memref<1024xf32, #tpu.memory_space<hbm>>) target_semaphore(%run_scoped3A_29 : memref<!tpu.dma_semaphore, #tpu.memory_space<semaphore_mem>>)
        %dma_wait3A = tpu.memref_slice %arg7[%run_scoped3A, %mul3A_0] : memref<2x16384xf32, #tpu.memory_space<hbm>> -> memref<1x1024xf32, #tpu.memory_space<hbm>>
        %dma_wait3A_34 = tpu.memref_squeeze %dma_wait3A : memref<1x1024xf32, #tpu.memory_space<hbm>> -> memref<1024xf32, #tpu.memory_space<hbm>>
        %dma_wait3A_35 = tpu.memref_slice %arg7[%run_scoped3A, %mul3A_0] : memref<2x16384xf32, #tpu.memory_space<hbm>> -> memref<1x1024xf32, #tpu.memory_space<hbm>>
        %dma_wait3A_36 = tpu.memref_squeeze %dma_wait3A_35 : memref<1x1024xf32, #tpu.memory_space<hbm>> -> memref<1024xf32, #tpu.memory_space<hbm>>
        tpu.wait_dma2 semaphore(%run_scoped3A_29 : memref<!tpu.dma_semaphore, #tpu.memory_space<semaphore_mem>>) src(%arg13 : memref<1024xf32, #tpu.memory_space<vmem>>) dst(%dma_wait3A_36 : memref<1024xf32, #tpu.memory_space<hbm>>)
        tpu.yield
      }) : () -> ()
    } else {
    }
    return
  }
}

module attributes {stable_mosaic.version = 14 : i64} {
  func.func @_project_body(%arg0: i32, %arg1: memref<64x25088xf32, #tpu.memory_space<vmem>>, %arg2: memref<2x64xf32, #tpu.memory_space<vmem>>, %arg3: memref<1x25088xf32, #tpu.memory_space<vmem>>, %arg4: memref<1x25088xf32, #tpu.memory_space<vmem>>) attributes {dimension_semantics = [#tpu.dimension_semantics<arbitrary>], iteration_bounds = array<i64: 40>, scalar_prefetch = 0 : i64, scratch_operands = 0 : i64, tpu.core_type = #tpu.core_type<tc>, window_params = [{transform_indices = @transform_0, window_bounds = array<i64: 64, 25088>}, {pipeline_mode = #tpu.pipeline_mode<synchronous>, transform_indices = @transform_1, window_bounds = array<i64: 2, 64>}, {transform_indices = @transform_2, window_bounds = array<i64: 1, 25088>}, {transform_indices = @transform_3, window_bounds = array<i64: 1, 25088>}]} {
    %get3A = arith.constant 0 : index
    %get3A_0 = arith.constant 0 : index
    %get3A_1 = vector.load %arg1[%get3A, %get3A_0] : memref<64x25088xf32, #tpu.memory_space<vmem>>, vector<64x25088xf32>
    %get3A_2 = arith.constant 0 : index
    %get3A_3 = arith.constant 0 : index
    %get3A_4 = vector.load %arg2[%get3A_2, %get3A_3] : memref<2x64xf32, #tpu.memory_space<vmem>>, vector<1x64xf32>
    %dot_general3A = arith.constant dense<0.000000e+00> : vector<1x25088xf32>
    %dot_general3A_5 = tpu.matmul %get3A_4, %get3A_1, %dot_general3A {dimension_numbers = #tpu.dot_dimension_numbers<[1], [0], [0], [1], [0, 0, 1, 1], [], []>, transpose_lhs_hint = false} : vector<1x64xf32>, vector<64x25088xf32>, vector<1x25088xf32> -> vector<1x25088xf32>
    %swap3A = arith.constant 0 : index
    %swap3A_6 = arith.constant 0 : index
    %swap3A_7 = vector.load %arg3[%swap3A, %swap3A_6] : memref<1x25088xf32, #tpu.memory_space<vmem>>, vector<1x25088xf32>
    tpu.vector_store %arg3[%swap3A, %swap3A_6], %dot_general3A_5 {strides = array<i32>} : memref<1x25088xf32, #tpu.memory_space<vmem>>, vector<1x25088xf32>,
    %get3A_8 = arith.constant 1 : index
    %get3A_9 = arith.constant 0 : index
    %get3A_10 = vector.load %arg2[%get3A_8, %get3A_9] : memref<2x64xf32, #tpu.memory_space<vmem>>, vector<1x64xf32>
    %dot_general3A_11 = arith.constant dense<0.000000e+00> : vector<1x25088xf32>
    %dot_general3A_12 = tpu.matmul %get3A_10, %get3A_1, %dot_general3A_11 {dimension_numbers = #tpu.dot_dimension_numbers<[1], [0], [0], [1], [0, 0, 1, 1], [], []>, transpose_lhs_hint = false} : vector<1x64xf32>, vector<64x25088xf32>, vector<1x25088xf32> -> vector<1x25088xf32>
    %swap3A_13 = arith.constant 0 : index
    %swap3A_14 = arith.constant 0 : index
    %swap3A_15 = vector.load %arg4[%swap3A_13, %swap3A_14] : memref<1x25088xf32, #tpu.memory_space<vmem>>, vector<1x25088xf32>
    tpu.vector_store %arg4[%swap3A_13, %swap3A_14], %dot_general3A_12 {strides = array<i32>} : memref<1x25088xf32, #tpu.memory_space<vmem>>, vector<1x25088xf32>,
    return
  }
  func.func @transform_0(%arg0: i32) -> (i32, i32) {
    %c0_i32 = arith.constant 0 : i32
    %c0_i32_0 = arith.constant 0 : i32
    return %c0_i32, %arg0 : i32, i32
  }
  func.func @transform_1(%arg0: i32) -> (i32, i32) {
    %c0_i32 = arith.constant 0 : i32
    %c0_i32_0 = arith.constant 0 : i32
    %c0_i32_1 = arith.constant 0 : i32
    return %c0_i32, %c0_i32_0 : i32, i32
  }
  func.func @transform_2(%arg0: i32) -> (i32, i32) {
    %c0_i32 = arith.constant 0 : i32
    %c0_i32_0 = arith.constant 0 : i32
    return %c0_i32, %arg0 : i32, i32
  }
  func.func @transform_3(%arg0: i32) -> (i32, i32) {
    %c0_i32 = arith.constant 0 : i32
    %c0_i32_0 = arith.constant 0 : i32
    return %c0_i32, %arg0 : i32, i32
  }
}

</mosaic_0001>

<sc_bundles>
// kernel: kernel.4.cloned.1.call-start
scs
__scs_entry_jumppad:
0x0: {  	(pc) =	sbr.rel $0x88, $3  }
0x1: {  	(tag) =	ssettag $0x0;
	lr =	simm.s32 $0x1  }
0x2: {  	[smem:$0x3F9C] =	sst lr;
	_ =	strace $0xD0000000  }
0x3: {  	_ = 	snop  }
0x4: {  	_ = 	snop  }
0x5: {  	_ = 	snop  }
0x6: {  	_ = 	snop  }
0x7: {  	_ = 	snop  }
__scs_overlays_trampoline_lowered:
0x8: {  	[smem:$0x3FAB] =	sst s0  }
0x9: {  	[smem:$0x3FAC] =	sst s1  }
0xa: {  	[smem:$0x3FAD] =	sst s2  }
0xb: {  	[smem:$0x3FAE] =	sst s3  }
0xc: {  	[smem:$0x3FAF] =	sst s4  }
0xd: {  	[smem:$0x3FB0] =	sst s5  }
0xe: {  	[smem:$0x3FB1] =	sst s6  }
0xf: {  	[smem:$0x3FB2] =	sst s7  }
0x10: {  	[smem:$0x3FB3] =	sst s8  }
0x11: {  	[smem:$0x3FB4] =	sst s9;
	s0 =	simm.s32 @!p0 $0x0  }
0x12: {  	s1 =	sld [smem:$0x3F9A];
	s0 =	simm.s32 @p0 $0x1  }
0x13: {  	[smem:$0x3FB5] =	sst s0;
	s0 =	simm.s32 @!p1 $0x0  }
0x14: {  	s2 =	sld [smem:$0x3F99];
	s0 =	simm.s32 @p1 $0x1  }
0x15: {  	[smem:$0x3FB6] =	sst s0;
	s0 =	simm.s32 @!p2 $0x0  }
0x16: {  	s3 =	sld [smem:$0x3FDB];
	s0 =	simm.s32 @p2 $0x1  }
0x17: {  	s4 =	simm.s32 $0x1BF5;
	[smem:$0x3FB8] =	sst s0  }
0x18: {  	s0 =	sld [smem:$0x3F9B];
	_ =	swait.ge [sflag:s4], $0x0  }
0x19: {  	s7 =	sld [smem:$0x3F9C]  }
0x1a: {  	s8 =	sadd.s32 $0xFFFFE003, lr  }
0x1b: {  	s9 =	sadd.s32 $0xFFFFFEF7, lr;
	s5 =	simm.s32 $0xFFFFFFFF;
	p2 =	slt.u32 s8, $0xFFFFF086  }
0x1c: {  	p1 =	slt.u32 s9, $0xF7A;
	s5 =	simm.s32 @!p2 $0x0  }
0x1d: {  	s5 =	simm.s32 @p1 $0x1;
	p0 =	seq.s32 s7, s2  }
0x1e: {  	s7 =	smul.u32 @!p0 $0xF7A, s2;
	p2 =	seq.s32 @!p0 s5, $0x0  }
0x1f: {  	s9 =	smul.u32 $0xF7A, s1;
	s8 =	simm.s32 @!p0 $0x1BF5;
	p2 =	por !p2, p0  }
0x20: {  	[sflag:s8] =	ssyncset.s32 @!p0 $0xFFFFF086;
	s6 =	sadd.s32 @!p0 s3, s7;
	s7 =	simm.s32 @!p0 $0x108  }
0x21: {  	s3 =	sadd.s32 s3, s9;
	s6 =	sadd.s32 @!p0 $0x88, s6;
	s7 =	simm.s32 @p2 $0x1082  }
0x22: {  	[simem:s7], [sflag:s8] =	dma.local @!p0 [hbm:s6], $0xF7A  }
0x23: {  	s9 =	sor.u32 $0xD0000000, s2;
	s6 =	simm.s32 $0x108;
	_ =	swait.ge @!p0 [sflag:s8], $0x0  }
0x24: {  	s3 =	sadd.s32 $0x88, s3;
	s6 =	simm.s32 @!p1 $0x1082;
	[sflag:s4] =	ssyncset.s32 $0xFFFFF086  }
0x25: {  	[simem:s6], [sflag:s4] =	dma.local [hbm:s3], $0xF7A  }
0x26: {  	[smem:$0x3F9C] =	sst s1;
	(tag) =	ssettag s2;
	_ =	strace s9  }
0x27: {  	s1 =	sld [smem:$0x3FAC]  }
0x28: {  	s2 =	sld [smem:$0x3FAD]  }
0x29: {  	s4 =	sld [smem:$0x3FAF]  }
0x2a: {  	p0 =	seq.s32 s5, $0x0;
	s5 =	sld [smem:$0x3FB0]  }
0x2b: {  	s6 =	sld [smem:$0x3FB1]  }
0x2c: {  	s7 =	sld [smem:$0x3FB2]  }
0x2d: {  	s3 =	simm.s32 $0x108;
	s8 =	sld [smem:$0x3FB3]  }
0x2e: {  	s3 =	simm.s32 @!p0 $0x1082;
	s9 =	sld [smem:$0x3FB4]  }
0x2f: {  	lr =	sadd.s32 s0, s3;
	s0 =	sld [smem:$0x3FAB]  }
0x30: {  	s3 =	sld [smem:$0x3FAE]  }
0x31: {  	[smem:$0x3FB7] =	sst s10  }
0x32: {  	s10 =	sld [smem:$0x3FB5];
	_ =	sdelay $0x3  }
0x33: {  	p0 =	seq.s32 s10, $0x1;
	s10 =	sld [smem:$0x3FB7];
	_ =	sdelay $0x3  }
0x34: {  	[smem:$0x3FB7] =	sst s10  }
0x35: {  	s10 =	sld [smem:$0x3FB6];
	_ =	sdelay $0x3  }
0x36: {  	p1 =	seq.s32 s10, $0x1;
	s10 =	sld [smem:$0x3FB7];
	_ =	sdelay $0x3  }
0x37: {  	[smem:$0x3FB7] =	sst s10  }
0x38: {  	s10 =	sld [smem:$0x3FB8]  }
0x39: {  	_ = 	snop;
	(pc) =	sbr.ind lr, $3  }
0x3a: {  	_ = 	snop  }
0x3b: {  	_ = 	snop  }
0x3c: {  	p2 =	seq.s32 s10, $0x1;
	s10 =	sld [smem:$0x3FB7]  }
0x3d: {  	_ =	shalt  }
0x3e: {  	_ =	shalt  }
0x3f: {  	_ =	shalt  }
0x40: {  	_ =	shalt  }
0x41: {  	_ =	shalt  }
0x42: {  	_ =	shalt  }
0x43: {  	_ =	shalt  }
0x44: {  	_ =	shalt  }
0x45: {  	_ =	shalt  }
0x46: {  	_ =	shalt  }
0x47: {  	_ =	shalt  }
0x48: {  	_ =	shalt  }
0x49: {  	_ =	shalt  }
0x4a: {  	_ =	shalt  }
0x4b: {  	_ =	shalt  }
0x4c: {  	_ =	shalt  }
0x4d: {  	_ =	shalt  }
0x4e: {  	_ =	shalt  }
0x4f: {  	_ =	shalt  }
0x50: {  	_ =	shalt  }
0x51: {  	_ =	shalt  }
0x52: {  	_ =	shalt  }
0x53: {  	_ =	shalt  }
0x54: {  	_ =	shalt  }
0x55: {  	_ =	shalt  }
0x56: {  	_ =	shalt  }
0x57: {  	_ =	shalt  }
0x58: {  	_ =	shalt  }
0x59: {  	_ =	shalt  }
0x5a: {  	_ =	shalt  }
0x5b: {  	_ =	shalt  }
0x5c: {  	_ =	shalt  }
0x5d: {  	_ =	shalt  }
0x5e: {  	_ =	shalt  }
0x5f: {  	_ =	shalt  }
0x60: {  	_ =	shalt  }
0x61: {  	_ =	shalt  }
0x62: {  	_ =	shalt  }
0x63: {  	_ =	shalt  }
0x64: {  	_ =	shalt  }
0x65: {  	_ =	shalt  }
0x66: {  	_ =	shalt  }
0x67: {  	_ =	shalt  }
0x68: {  	_ =	shalt  }
0x69: {  	_ =	shalt  }
0x6a: {  	_ =	shalt  }
0x6b: {  	_ =	shalt  }
0x6c: {  	_ =	shalt  }
0x6d: {  	_ =	shalt  }
0x6e: {  	_ =	shalt  }
0x6f: {  	_ =	shalt  }
0x70: {  	_ =	shalt  }
0x71: {  	_ =	shalt  }
0x72: {  	_ =	shalt  }
0x73: {  	_ =	shalt  }
0x74: {  	_ =	shalt  }
0x75: {  	_ =	shalt  }
0x76: {  	_ =	shalt  }
0x77: {  	_ =	shalt  }
0x78: {  	_ =	shalt  }
0x79: {  	_ =	shalt  }
0x7a: {  	_ =	shalt  }
0x7b: {  	_ =	shalt  }
0x7c: {  	_ =	shalt  }
0x7d: {  	_ =	shalt  }
0x7e: {  	_ =	shalt  }
0x7f: {  	_ =	shalt  }
0x80: {  	_ =	shalt  }
0x81: {  	_ =	shalt  }
0x82: {  	_ =	shalt  }
0x83: {  	_ =	shalt  }
0x84: {  	_ =	shalt  }
0x85: {  	_ =	shalt  }
0x86: {  	_ =	shalt  }
0x87: {  	_ =	shalt  }
.Lfunc_end0:
.L_simem_size_0:
called_computation_lowered:
.L_overlay_start_0:
0x88: {  	s2 =	sld [smem:$0x3FD9]  }
0x89: {  	s3 =	sld [smem:$0x3FFE];
	_ =	sdelay $0x1  }
0x8a: {  	s1 =	srdreg.scid  }
0x8b: {  	s0 =	sand.u32 $0x1, s1  }
0x8c: {  	s16 =	sshll.u32 s0, $0xA;
	s2 =	sadd.s32 s3, s2  }
0x8d: {  	s2 =	sadd.s32 s2, s16  }
0x8e: {  	[smem:$0x3FC3] =	sst s2  }
0x8f: {  	_ = 	snop  }
0x90: {  	(tm) =	ssettm $0x1  }
0x91: {  	s17 =	sld [smem:$0x3FFB];
	_ =	sdelay $0x3  }
0x92: {  	_ =	strace s17  }
0x93: {  	s2 =	sld [smem:$0x3FFC];
	_ =	sdelay $0x3  }
0x94: {  	_ =	strace s2  }
0x95: {  	s2 =	sld [smem:$0x3FFD];
	_ =	sdelay $0x3  }
0x96: {  	_ =	strace s2  }
0x97: {  	_ =	strace $0x8FFFFFFF  }
0x98: {  	s18 =	sld [smem:$0x3FDB];
	_ =	sdelay $0x1  }
0x99: {  	s19 =	simm.s32 $_scs_section_size  }
0x9a: {  	s4 =	simm.s32 $_size__tile_overlayer_lowered;
	s5 =	simm.s32 $_tile_overlayer_lowered  }
0x9b: {  	s22 =	simm.s32 $0x1BFF;
	s21 =	sshll.u32 s5, $0x1;
	s2 =	sadd.s32 s19, s18  }
0x9c: {  	s6 =	simm.s32 $0x0;
	s20 =	sshll.u32 s4, $0x1;
	s4 =	sadd.s32 s21, s2  }
0x9d: {  	[timem:s6], [sflag:s22] =	dma.local [hbm:s4], s20  }
0x9e: {  	_ =	swait.ge [sflag:s22], s20  }
0x9f: {  	s3 =	ssub.s32 $0x0, s20;
	[sflag:s22] =	ssyncset.done $0x0  }
0xa0: {  	[sflag:s22] =	ssyncadd.s32 s3;
	_ =	sdelay $0x1  }
0xa1: {  	s23 =	simm.s32 $0x1B8B  }
0xa2: {  	_ =	swait.ge [sflag:s23], $0x1  }
0xa3: {  	[sflag:s23] =	ssyncset.done $0x0  }
0xa4: {  	s25 =	simm.s32 $0x1B8E;
	s24 =	sld [smem:$0x3FFE];
	[sflag:s23] =	ssyncadd.s32 $0xFFFFFFFF  }
0xa5: {  	s26 =	simm.s32 $execute0_lowered;
	[smem:$0x3FD2] =	sst s25  }
0xa6: {  	s4 =	sshll.u32 s26, $0x1;
	_ =	strace $0x80000046;
	[dreg:$0x1] =	wrdreg $0xFFFFFFFF  }
0xa7: {  	s28 =	simm.s32 $_size_execute0_lowered;
	s2 =	sadd.s32 s2, s4;
	[dreg:$0x0] =	wrdreg $0x0  }
0xa8: {  	s4 =	sshll.u32 s28, $0x1;
	[dreg:$0x2] =	wrdreg s2  }
0xa9: {  	[dreg:$0x3] =	wrdreg s4  }
0xaa: {  	[dreg:$0x4] =	wrdreg $0xC0  }
0xab: {  	_ =	task [dreg:s6], $0x5FFFF  }
0xac: {  	[dreg:$0x1] =	wrdreg $0xFFFFFFFF  }
0xad: {  	[dreg:$0x0] =	wrdreg $0x60  }
0xae: {  	[dreg:$0x2] =	wrdreg s24  }
0xaf: {  	[dreg:$0x3] =	wrdreg $0x0  }
0xb0: {  	[dreg:$0x4] =	wrdreg $0x9  }
0xb1: {  	_ =	task.clear_ibuf [dreg:s6], $0x5FFFF;
	_ =	strace $0x90000046  }
0xb2: {  	s29 =	simm.s32 $0x9;
	_ =	strace $0x80000048  }
0xb3: {  	_ =	swait.ge [sflag:s29], $0x1  }
0xb4: {  	[sflag:s29] =	ssyncadd.s32 $0xFFFFFFFF  }
0xb5: {  	_ =	strace $0x90000048  }
0xb6: {  	_ =	sfence  }
0xb7: {  	s30 =	sld [smem:$0x0];
	_ =	sdelay $0x2  }
0xb8: {  	s31 =	sshll.u32 s1, $0xD;
	s1 =	sshrl.u32 s1, $0x2  }
0xb9: {  	s3 =	sand.u32 $0x4000, s31;
	s1 =	sadd.s32 s1, s30  }
0xba: {  	s0 =	sor.u32 s3, s0;
	s1 =	sshll.u32 s1, $0x11  }
0xbb: {  	s0 =	sor.u32 s1, s0  }
0xbc: {  	s0 =	sadd.s32 $0x8F2B, s0  }
0xbd: {  	[sflag:s0] =	ssyncadd.remote.s32 $0x1  }
0xbe: {  	_ =	sfence.sel $0xFFFF  }
0xbf: {  	[dreg:$0x0] =	wrdreg $0xFFFFFFFF;
	(pc) =	sbr.abs _section_cstart, $3  }
0xc0: {  	[dreg:$0x1] =	wrdreg $0xFFFFFFFF  }
0xc1: {  	_ =	task.clear_ibuf [dreg:s6], $0x2FFFF;
	_ =	strace $0x9FFFFFFF  }
0xc2: {  	(tm) =	ssettm $0x7FFFFFFF  }
0xc3: {  	_ =	shalt  }
tec
execute0_lowered:
.L_overlay_start_1:
0x0: {  	(tag) =	ssettag $0x1  }
0x1: {  	s0 =	rddreg [dreg:$0x0]  }
0x2: {  	s1 =	rddreg [dreg:$0x1]  }
0x3: {  	s2 =	simm.s32 $0x0;
	v0 =	vlaneseq.u32;
	s25 =	srdreg.scid;
	s28 =	stileid.u32  }
0x4: {  	s16 =	simm.s32 $0x3;
	s18 =	simm.s32 $0xF500;
	s19 =	simm.s32 $0x1900;
	v0 =	vmul.u32 $0x10, v0  }
0x5: {  	s21 =	simm.s32 $0x1;
	s22 =	simm.s32 $0x10E80;
	s23 =	simm.s32 $0x14180  }
0x6: {  	v1 =	vimm.s32 $0x0;
	vm0 =	vmmov $0xff;
	s24 =	simm.s32 $0x15F80;
	s31 =	simm.s32 $0x0;
	[smem:$0x7FF] =	sst s2;
	v2 =	vor.u32 $0x1, v0  }
0x7: {  	s3 =	sadd.s32 $0x1800, s0;
	s4 =	sadd.s32 $0x65800, s0;
	s5 =	sadd.s32 $0xC9800, s0;
	v3 =	vor.u32 $0x2, v0;
	v4 =	vor.u32 $0x3, v0;
	v5 =	vor.u32 $0x4, v0  }
0x8: {  	s26 =	sadd.s32 $0xE8200, s0;
	s2 =	sand.u32 $0x1, s25;
	s7 =	sadd.s32 $0x106C00, s0;
	v6 =	vor.u32 $0x5, v0;
	v7 =	vor.u32 $0x6, v0;
	v8 =	vor.u32 $0x7, v0  }
0x9: {  	s8 =	sshll.u32 s28, $0x8;
	s12 =	smul.u32 $0x6400, s28;
	p1 =	sne.s32 s28, $0x0;
	v9 =	vor.u32 $0x8, v0;
	v10 =	vor.u32 $0x9, v0;
	v11 =	vor.u32 $0xA, v0  }
0xa: {  	s25 =	simm.s32 $0x16180;
	_ =	strace $0x80000047;
	[dreg:$0x3] =	wrdreg s5;
	v12 =	vor.u32 $0xB, v0;
	v13 =	vor.u32 $0xC, v0;
	v14 =	vor.u32 $0xD, v0  }
0xb: {  	[dreg:$0x4] =	wrdreg s26;
	s6 =	ssub.s32 $0x2, s2;
	s0 =	sadd.s32 s8, s0;
	v15 =	vor.u32 $0xE, v0;
	v16 =	vor.u32 $0xF, v0;
	v17 =	vor.u32 $0x100, v0  }
.Ltmp0:
0xc: {  	s8 =	sshll.u32 s28, $0xA;
	p0 =	seq.s32 s2, $0x1;
	v18 =	vor.u32 $0x101, v0;
	v19 =	vor.u32 $0x102, v0;
	v20 =	vor.u32 $0x103, v0;
	(pc) =	sbr.rel .LBB2_1-.Ltmp0, $4  }
0xd: {  	s17 =	sshrl.u32 @!p1 s1, $0x3;
	s26 =	simm.s32 $0x2;
	s9 =	sshrl.u32 s6, $0x1;
	v21 =	vor.u32 $0x104, v0;
	v22 =	vor.u32 $0x105, v0;
	v23 =	vor.u32 $0x106, v0  }
0xe: {  	s29 =	sadd.s32 s3, s12;
	s10 =	sadd.s32 $0x106E00, s0;
	s11 =	sor.u32 $0x40, s8;
	v24 =	vor.u32 $0x107, v0;
	v25 =	vor.u32 $0x108, v0;
	v26 =	vor.u32 $0x109, v0  }
0xf: {  	s30 =	sadd.s32 s4, s12;
	v27 =	vor.u32 $0x10A, v0;
	v28 =	vor.u32 $0x10B, v0;
	v29 =	vor.u32 $0x10C, v0;
	s6 =	ssub.s32 s6, s9;
	[dreg:$0x5] =	wrdreg s29  }
0x10: {  	s13 =	sadd.s32 $0x106E10, s0;
	v30 =	vor.u32 $0x10D, v0;
	v31 =	vor.u32 $0x10E, v0;
	v32 =	vor.u32 $0x10F, v0;
	[dreg:$0x6] =	wrdreg s30;
	s14 =	smax.u32 s6, $0x1  }
.LBB2_16:
0x11: {  	s31 =	sadd.s32 $0x1, s31  }
0x12: {  	s2 =	simm.s32 $0x80;
	p2 =	sne.s32 s31, s14  }
.Ltmp1:
0x13: {  	s5 =	simm.s32 $0x100;
	s6 =	simm.s32 $0x15B00;
	(pc) =	sbr.rel @!p2 .LBB2_17-.Ltmp1, $4  }
0x14: {  	[hbm4b:s0+s2] =	stream.strided.scatter [tilespmem:s6], [sflag:$0x3], $0x400, s5, s2, $0x38;
	[tilespmem:$0x16380] =	vst v63  }
0x15: {  	_ =	swait.ge [sflag:s16], $0x400  }
0x16: {  	[sflag:s16] =	ssyncset.done $0x0  }
0x17: {  	[sflag:s16] =	ssyncadd.s32 $0xFFFFFC00  }
.LBB2_1:
.Ltmp2:
0x18: {  	s0 =	simm.s32 $0x0;
	s2 =	simm.s32 $0x15F00;
	(pc) =	sbr.rel @!p0 .LBB2_2-.Ltmp2, $4  }
0x19: {  	[tilespmem:s2], [sflag:$0x3] =	stream.linear.gather [hbm4b:s7+s0], $0x80, $0x38;
	[tilespmem:$0x16380] =	vst v63  }
0x1a: {  	_ =	swait.ge [sflag:s16], $0x80  }
0x1b: {  	[sflag:s16] =	ssyncset.done $0x0  }
0x1c: {  	[sflag:s16] =	ssyncadd.s32 $0xFFFFFF80  }
0x1d: {  	s0 =	simm.s32 @!p1 $0x1C03;
	s2 =	rddreg [dreg:$0x4]  }
0x1e: {  	v33 =	vld [tilespmem:$0x15F00];
	[spmem:s17], [sflag:s0] =	dma.local @!p1 [hbm:s2], $0x1EA00  }
0x1f: {  	s0 =	simm.s32 @!p1 $0x3  }
0x20: {  	_ =	swait.ge @!p1 [sflag:s0], $0x1EA00  }
0x21: {  	[sflag:s0] =	ssyncset.done @!p1 $0x0  }
0x22: {  	[sflag:s0] =	ssyncadd.s32 @!p1 $0xFFFE1600  }
0x23: {  	[bflag:$0x0] =	sbarrier.arrive $0xFFFF  }
0x24: {  	s0 =	simm.s32 $0x0;
	s29 =	rddreg [dreg:$0x6]  }
0x25: {  	[tilespmem:s18], [sflag:$0x3] =	stream.linear.gather [hbm4b:s29+s0], $0x1900, $0x38;
	[tilespmem:$0x16380] =	vst v63  }
0x26: {  	_ =	swait.ge [sflag:s16], $0x1900  }
0x27: {  	[sflag:s16] =	ssyncset.done $0x0  }
0x28: {  	s30 =	simm.s32 $0x12800;
	s15 =	simm.s32 $0x0;
	[sflag:s16] =	ssyncadd.s32 $0xFFFFE700  }
0x29: {  	[tilespmem:s30], [sflag:$0x1] =	stream.indirect.gather [spmem:s1], $0x1, s18, s19, $0xb8;
	[tilespmem:$0x16380] =	vst v63  }
.LBB2_10:
0x2a: {  	s20 =	sshll.u32 s15, $0x6  }
0x2b: {  	s2 =	sor.u32 $0x20, s20  }
0x2c: {  	s5 =	sadd.s32 s8, s2  }
0x2d: {  	_ =	swait.ge [sflag:s21], $0x1900;
	s5 =	smul.u32 $0x19, s5  }
0x2e: {  	[sflag:s21] =	ssyncset.done $0x0  }
0x2f: {  	[sflag:s21] =	ssyncadd.s32 $0xFFFFE700;
	s5 =	sadd.s32 s4, s5  }
0x30: {  	[tilespmem:s22], [sflag:$0x3] =	stream.linear.gather [hbm4b:s5+s0], $0x1900, $0x38;
	[tilespmem:$0x16380] =	vst v63  }
0x31: {  	_ =	swait.ge [sflag:s16], $0x1900  }
0x32: {  	[sflag:s16] =	ssyncset.done $0x0  }
0x33: {  	s12 =	simm.s32 $0x12860;
	[sflag:s16] =	ssyncadd.s32 $0xFFFFE700  }
0x34: {  	[tilespmem:s23], [sflag:$0x2] =	stream.indirect.gather [spmem:s1], $0x1, s22, s19, $0xb8;
	[tilespmem:$0x16380] =	vst v63  }
0x35: {  	s6 =	simm.s32 $0xF560;
	v34 =	vld [tilespmem:s12+$0x60]  }
0x36: {  	v35 =	vld [tilespmem:s6+$0x50]  }
0x37: {  	v36 =	vld [tilespmem:s12+$0xFFFFFFA0]  }
0x38: {  	v37 =	vld [tilespmem:s6+$0x40]  }
0x39: {  	s9 =	sand.u32 $0x1FF8, s0;
	v38 =	vld [tilespmem:s12+$0xFFFFFFB0]  }
0x3a: {  	v39 =	vld [tilespmem:s9+$0xF580]  }
0x3b: {  	v40 =	vld [tilespmem:s12+$0xFFFFFFC0]  }
0x3c: {  	v41 =	vld [tilespmem:s12+$0x0];
	v36 =	vadd.f32 $0.0e+00, v36  }
0x3d: {  	v42 =	vld [tilespmem:s12+$0xFFFFFFD0]  }
0x3e: {  	v56 =	vld [tilespmem:s12+$0xFFFFFFF0];
	v36 =	vadd.f32 v38, v36  }
0x3f: {  	v43 =	vld [tilespmem:s12+$0xFFFFFFE0]  }
0x40: {  	v57 =	vld [tilespmem:s6+$0x0];
	v36 =	vadd.f32 v40, v36  }
0x41: {  	v45 =	vld [tilespmem:s6+$0xFFFFFFC0]  }
0x42: {  	v58 =	vld [tilespmem:s6+$0xFFFFFFA0];
	v36 =	vadd.f32 v42, v36  }
0x43: {  	v46 =	vld [tilespmem:s6+$0xFFFFFFB0]  }
0x44: {  	v47 =	vld [tilespmem:s6+$0xFFFFFFD0];
	v36 =	vadd.f32 v43, v36  }
0x45: {  	v59 =	vld [tilespmem:s12+$0x10]  }
0x46: {  	v44 =	vld [tilespmem:s6+$0xFFFFFFE0];
	vm3 =	veq.s32 v35, $0x1;
	v34 =	vnsel vm0, $0x0, v34;
	v36 =	vadd.f32 v56, v36  }
0x47: {  	v60 =	vld [tilespmem:s9+$0x12880];
	vm2 =	veq.s32 v39, $0x1;
	vm1 =	veq.s32 v37, $0x1;
	vm4 =	veq.s32 v57, $0x1  }
0x48: {  	v61 =	vld [tilespmem:s6+$0xFFFFFFF0];
	vm5 =	veq.s32 v58, $0x1;
	vm6 =	veq.s32 v46, $0x1;
	v36 =	vadd.f32 v41, v36  }
0x49: {  	v62 =	vld [tilespmem:s12+$0x30];
	vm7 =	veq.s32 v45, $0x1;
	vm15 =	veq.s32 v47, $0x1;
	v37 =	vsel vm3, $0x1, v1  }
0x4a: {  	v46 =	vld [tilespmem:s6+$0x10];
	v63 =	vsel vm5, $0x1, v1;
	v45 =	vsel vm6, $0x1, v1;
	v36 =	vadd.f32 v59, v36  }
0x4b: {  	v49 =	vld [tilespmem:s12+$0x40];
	vm3 =	veq.s32 v44, $0x1;
	v48 =	vsel vm7, $0x1, v1;
	v40 =	vadd.s32 v63, v45  }
0x4c: {  	v51 =	vld [tilespmem:s6+$0x30];
	v50 =	vsel vm15, $0x1, v1;
	v40 =	vadd.s32 v48, v40;
	v35 =	vadd.f32 v60, v36  }
0x4d: {  	v53 =	vld [tilespmem:s12+$0x50];
	v52 =	vsel vm3, $0x1, v1;
	vm3 =	veq.s32 v61, $0x1;
	v40 =	vadd.s32 v50, v40  }
0x4e: {  	v55 =	vld [tilespmem:s6+$0x60];
	v54 =	vsel vm3, $0x1, v1;
	v40 =	vadd.s32 v52, v40;
	v35 =	vadd.f32 v62, v35  }
0x4f: {  	vm3 =	veq.s32 v46, $0x1;
	v40 =	vadd.s32 v54, v40;
	v56 =	vsel vm4, $0x1, v1  }
0x50: {  	v57 =	vsel vm3, $0x1, v1;
	v40 =	vadd.s32 v56, v40;
	v35 =	vadd.f32 v49, v35  }
0x51: {  	v58 =	vsel vm2, $0x1, v1;
	vm2 =	veq.s32 v51, $0x1;
	v40 =	vadd.s32 v57, v40  }
0x52: {  	v59 =	vadd.s32 v58, v40;
	v60 =	vsel vm2, $0x1, v1;
	v35 =	vadd.f32 v53, v35  }
0x53: {  	v61 =	vsel vm1, $0x1, v1;
	vm1 =	veq.s32 v55, $0x1;
	v36 =	vadd.s32 v60, v59  }
0x54: {  	vm1 =	vmand vm1, vm0;
	v36 =	vadd.s32 v61, v36;
	v34 =	vadd.f32 v34, v35  }
0x55: {  	s5 =	simm.s32 $0x15F80;
	v63 =	vsel vm1, $0x1, v1;
	v62 =	vadd.s32 v37, v36  }
0x56: {  	s6 =	simm.s32 $0x16180;
	v35 =	vadd.s32 v63, v62;
	[tilespmem:s5+$0x0] =	vst v34  }
0x57: {  	s29 =	simm.s32 $0x12928;
	[tilespmem:s6+$0x0] =	vst v35  }
0x58: {  	s28 =	simm.s32 $0xF628;
	v34 =	vld [tilespmem:s29+$0x60]  }
0x59: {  	v36 =	vld [tilespmem:s28+$0x50]  }
0x5a: {  	v37 =	vld [tilespmem:s29+$0xFFFFFFA0]  }
0x5b: {  	s30 =	simm.s32 $0xC8;
	s9 =	simm.s32 $0x190;
	v35 =	vld [tilespmem:s28+$0x40]  }
.LBB2_11:
0x5c: {  	p2 =	sne.s32 s9, $0x1838;
	v38 =	vld [tilespmem:s29+$0xFFFFFFB0];
	s12 =	sand.u32 $0x1FF8, s30;
	s30 =	smov.u32 s9  }
0x5d: {  	v39 =	vld [tilespmem:s12+$0xF580]  }
0x5e: {  	v40 =	vld [tilespmem:s29+$0xFFFFFFC0]  }
0x5f: {  	v37 =	vadd.f32 $0.0e+00, v37;
	v41 =	vld [tilespmem:s29+$0x0]  }
0x60: {  	v42 =	vld [tilespmem:s29+$0xFFFFFFD0]  }
0x61: {  	v37 =	vadd.f32 v38, v37;
	v38 =	vld [tilespmem:s29+$0xFFFFFFF0]  }
0x62: {  	v43 =	vld [tilespmem:s29+$0xFFFFFFE0]  }
0x63: {  	v37 =	vadd.f32 v40, v37;
	v40 =	vld [tilespmem:s28+$0x0]  }
0x64: {  	v44 =	vld [tilespmem:s28+$0xFFFFFFE0]  }
0x65: {  	v45 =	vld [tilespmem:s28+$0xFFFFFFC0];
	v37 =	vadd.f32 v42, v37  }
0x66: {  	v42 =	vld [tilespmem:s28+$0xFFFFFFA0]  }
0x67: {  	v46 =	vld [tilespmem:s28+$0xFFFFFFB0];
	v37 =	vadd.f32 v43, v37  }
0x68: {  	v43 =	vld [tilespmem:s29+$0x10]  }
0x69: {  	v34 =	vnsel vm0, $0x0, v34;
	vm3 =	veq.s32 v36, $0x1;
	v47 =	vld [tilespmem:s28+$0xFFFFFFD0];
	v37 =	vadd.f32 v38, v37  }
0x6a: {  	vm1 =	veq.s32 v35, $0x1;
	v35 =	vsel vm3, $0x1, v1;
	vm2 =	veq.s32 v39, $0x1;
	v36 =	vld [tilespmem:s12+$0x12880]  }
0x6b: {  	vm3 =	veq.s32 v40, $0x1;
	vm4 =	veq.s32 v44, $0x1;
	v38 =	vld [tilespmem:s28+$0xFFFFFFF0];
	v37 =	vadd.f32 v41, v37  }
0x6c: {  	vm7 =	veq.s32 v45, $0x1;
	vm5 =	veq.s32 v42, $0x1;
	vm6 =	veq.s32 v46, $0x1;
	v39 =	vld [tilespmem:s29+$0x30]  }
0x6d: {  	v40 =	vsel vm5, $0x1, v1;
	v41 =	vsel vm6, $0x1, v1;
	v37 =	vadd.f32 v43, v37;
	v42 =	vld [tilespmem:s28+$0x10]  }
0x6e: {  	v40 =	vadd.s32 v40, v41;
	v41 =	vsel vm7, $0x1, v1;
	vm5 =	veq.s32 v47, $0x1;
	v43 =	vld [tilespmem:s29+$0x40]  }
0x6f: {  	v40 =	vadd.s32 v41, v40;
	v41 =	vsel vm5, $0x1, v1;
	v36 =	vadd.f32 v36, v37;
	v37 =	vld [tilespmem:s28+$0x30]  }
0x70: {  	v40 =	vadd.s32 v41, v40;
	v41 =	vsel vm4, $0x1, v1;
	vm4 =	veq.s32 v38, $0x1;
	v38 =	vld [tilespmem:s29+$0x50]  }
0x71: {  	v40 =	vadd.s32 v41, v40;
	v41 =	vsel vm4, $0x1, v1;
	v36 =	vadd.f32 v39, v36;
	v39 =	vld [tilespmem:s28+$0x60]  }
0x72: {  	v40 =	vadd.s32 v41, v40;
	v41 =	vsel vm3, $0x1, v1;
	vm3 =	veq.s32 v42, $0x1  }
0x73: {  	v40 =	vadd.s32 v41, v40;
	v41 =	vsel vm3, $0x1, v1;
	v36 =	vadd.f32 v43, v36  }
0x74: {  	v40 =	vadd.s32 v41, v40;
	v41 =	vsel vm2, $0x1, v1;
	vm2 =	veq.s32 v37, $0x1  }
0x75: {  	v37 =	vadd.s32 v41, v40;
	v40 =	vsel vm2, $0x1, v1;
	v36 =	vadd.f32 v38, v36  }
0x76: {  	v38 =	vsel vm1, $0x1, v1;
	v37 =	vadd.s32 v40, v37;
	vm1 =	veq.s32 v39, $0x1  }
0x77: {  	v37 =	vadd.s32 v38, v37;
	v34 =	vadd.f32 v34, v36;
	vm1 =	vmand vm1, vm0  }
0x78: {  	s5 =	sadd.s32 $0x10, s5;
	v35 =	vadd.s32 v35, v37;
	v36 =	vsel vm1, $0x1, v1  }
0x79: {  	s6 =	sadd.s32 $0x10, s6;
	v35 =	vadd.s32 v36, v35;
	[tilespmem:s5+$0x0] =	vst v34  }
.Ltmp3:
0x7a: {  	s29 =	sadd.s32 $0xC8, s29;
	[tilespmem:s6+$0x0] =	vst v35;
	(pc) =	sbr.rel @p2 .LBB2_11-.Ltmp3, $4  }
0x7b: {  	s28 =	sadd.s32 $0xC8, s28;
	v34 =	vld [tilespmem:s29+$0x60]  }
0x7c: {  	v36 =	vld [tilespmem:s28+$0x50]  }
0x7d: {  	v37 =	vld [tilespmem:s29+$0xFFFFFFA0]  }
0x7e: {  	s9 =	sadd.s32 $0xC8, s9;
	v35 =	vld [tilespmem:s28+$0x40]  }
0x7f: {  	v38 =	vld [tilespmem:s29+$0xFFFFFFB0]  }
0x80: {  	v40 =	vld [tilespmem:s29+$0xFFFFFFC0]  }
0x81: {  	v41 =	vld [tilespmem:s29+$0x0]  }
0x82: {  	v42 =	vld [tilespmem:s29+$0xFFFFFFD0];
	v37 =	vadd.f32 $0.0e+00, v37  }
0x83: {  	v55 =	vld [tilespmem:s29+$0xFFFFFFF0]  }
0x84: {  	v43 =	vld [tilespmem:s29+$0xFFFFFFE0];
	v37 =	vadd.f32 v38, v37  }
0x85: {  	v56 =	vld [tilespmem:s28+$0x0]  }
0x86: {  	v44 =	vld [tilespmem:s28+$0xFFFFFFE0];
	v37 =	vadd.f32 v40, v37  }
0x87: {  	v45 =	vld [tilespmem:s28+$0xFFFFFFC0]  }
0x88: {  	v57 =	vld [tilespmem:s28+$0xFFFFFFA0];
	v37 =	vadd.f32 v42, v37  }
0x89: {  	v46 =	vld [tilespmem:s28+$0xFFFFFFB0]  }
0x8a: {  	v47 =	vld [tilespmem:s28+$0xFFFFFFD0];
	v37 =	vadd.f32 v43, v37  }
0x8b: {  	s9 =	sand.u32 $0x1FF8, s30;
	v58 =	vld [tilespmem:s29+$0x10]  }
0x8c: {  	v39 =	vld [tilespmem:s9+$0xF580];
	v34 =	vnsel vm0, $0x0, v34;
	vm3 =	veq.s32 v36, $0x1;
	v37 =	vadd.f32 v55, v37  }
0x8d: {  	v59 =	vld [tilespmem:s9+$0x12880];
	vm1 =	veq.s32 v35, $0x1;
	v35 =	vsel vm3, $0x1, v1;
	vm3 =	veq.s32 v44, $0x1  }
0x8e: {  	v60 =	vld [tilespmem:s28+$0xFFFFFFF0];
	vm4 =	veq.s32 v56, $0x1;
	vm5 =	veq.s32 v57, $0x1;
	v37 =	vadd.f32 v41, v37  }
0x8f: {  	v61 =	vld [tilespmem:s29+$0x30];
	vm6 =	veq.s32 v46, $0x1;
	vm7 =	veq.s32 v45, $0x1;
	vm10 =	veq.s32 v47, $0x1  }
0x90: {  	v45 =	vld [tilespmem:s28+$0x10];
	v62 =	vsel vm5, $0x1, v1;
	v63 =	vsel vm6, $0x1, v1;
	v37 =	vadd.f32 v58, v37  }
0x91: {  	v48 =	vld [tilespmem:s29+$0x40];
	vm2 =	veq.s32 v39, $0x1;
	v46 =	vsel vm7, $0x1, v1;
	v40 =	vadd.s32 v62, v63  }
0x92: {  	v50 =	vld [tilespmem:s28+$0x30];
	v49 =	vsel vm10, $0x1, v1;
	v40 =	vadd.s32 v46, v40;
	v36 =	vadd.f32 v59, v37  }
0x93: {  	v52 =	vld [tilespmem:s29+$0x50];
	v51 =	vsel vm3, $0x1, v1;
	vm3 =	veq.s32 v60, $0x1;
	v40 =	vadd.s32 v49, v40  }
0x94: {  	v54 =	vld [tilespmem:s28+$0x60];
	v53 =	vsel vm3, $0x1, v1;
	v40 =	vadd.s32 v51, v40;
	v36 =	vadd.f32 v61, v36  }
0x95: {  	vm3 =	veq.s32 v45, $0x1;
	v40 =	vadd.s32 v53, v40;
	v55 =	vsel vm4, $0x1, v1  }
0x96: {  	v56 =	vsel vm3, $0x1, v1;
	v40 =	vadd.s32 v55, v40;
	v36 =	vadd.f32 v48, v36  }
0x97: {  	v57 =	vsel vm2, $0x1, v1;
	vm2 =	veq.s32 v50, $0x1;
	v40 =	vadd.s32 v56, v40  }
0x98: {  	v58 =	vadd.s32 v57, v40;
	v59 =	vsel vm2, $0x1, v1;
	v36 =	vadd.f32 v52, v36  }
0x99: {  	v60 =	vsel vm1, $0x1, v1;
	vm1 =	veq.s32 v54, $0x1;
	v37 =	vadd.s32 v59, v58  }
0x9a: {  	vm1 =	vmand vm1, vm0;
	v37 =	vadd.s32 v60, v37;
	v34 =	vadd.f32 v34, v36  }
0x9b: {  	s5 =	sadd.s32 $0x10, s5;
	v61 =	vsel vm1, $0x1, v1;
	v35 =	vadd.s32 v35, v37  }
0x9c: {  	s9 =	sadd.s32 $0x10, s6;
	v35 =	vadd.s32 v61, v35;
	[tilespmem:s5+$0x0] =	vst v34  }
0x9d: {  	[tilespmem:s9+$0x0] =	vst v35  }
0x9e: {  	v34 =	vld.idx.msk [tilespmem:v0+s24+$0x0], $0xffff  }
0x9f: {  	v35 =	vld.idx.msk [tilespmem:v0+s25+$0x0], $0xffff  }
0xa0: {  	v62 =	vld.idx.msk [tilespmem:v2+s24+$0x0], $0xffff  }
0xa1: {  	v63 =	vld.idx.msk [tilespmem:v2+s25+$0x0], $0xffff  }
0xa2: {  	v48 =	vld.idx.msk [tilespmem:v3+s24+$0x0], $0xffff  }
0xa3: {  	v49 =	vld.idx.msk [tilespmem:v3+s25+$0x0], $0xffff  }
0xa4: {  	v50 =	vld.idx.msk [tilespmem:v4+s24+$0x0], $0xffff  }
0xa5: {  	v51 =	vld.idx.msk [tilespmem:v4+s25+$0x0], $0xffff  }
0xa6: {  	v52 =	vld.idx.msk [tilespmem:v5+s24+$0x0], $0xffff  }
0xa7: {  	v53 =	vld.idx.msk [tilespmem:v5+s25+$0x0], $0xffff  }
0xa8: {  	v54 =	vld.idx.msk [tilespmem:v6+s24+$0x0], $0xffff  }
0xa9: {  	v55 =	vld.idx.msk [tilespmem:v6+s25+$0x0], $0xffff;
	v34 =	vadd.f32 $0.0e+00, v34  }
0xaa: {  	v56 =	vld.idx.msk [tilespmem:v7+s24+$0x0], $0xffff  }
0xab: {  	v57 =	vld.idx.msk [tilespmem:v7+s25+$0x0], $0xffff;
	v34 =	vadd.f32 v62, v34  }
0xac: {  	v58 =	vld.idx.msk [tilespmem:v8+s24+$0x0], $0xffff  }
0xad: {  	v59 =	vld.idx.msk [tilespmem:v8+s25+$0x0], $0xffff;
	v34 =	vadd.f32 v48, v34  }
0xae: {  	v60 =	vld.idx.msk [tilespmem:v9+s24+$0x0], $0xffff;
	v35 =	vadd.s32 v35, v63  }
0xaf: {  	v61 =	vld.idx.msk [tilespmem:v9+s25+$0x0], $0xffff;
	v35 =	vadd.s32 v49, v35;
	v34 =	vadd.f32 v50, v34  }
0xb0: {  	v63 =	vld.idx.msk [tilespmem:v10+s25+$0x0], $0xffff;
	v35 =	vadd.s32 v51, v35  }
0xb1: {  	v49 =	vld.idx.msk [tilespmem:v12+s25+$0x0], $0xffff;
	v35 =	vadd.s32 v53, v35;
	v34 =	vadd.f32 v52, v34  }
0xb2: {  	v35 =	vadd.s32 v55, v35;
	v48 =	vld.idx.msk [tilespmem:v11+s25+$0x0], $0xffff  }
0xb3: {  	v62 =	vld.idx.msk [tilespmem:v10+s24+$0x0], $0xffff;
	v35 =	vadd.s32 v57, v35;
	v34 =	vadd.f32 v54, v34  }
0xb4: {  	v35 =	vadd.s32 v59, v35;
	v50 =	vld.idx.msk [tilespmem:v13+s25+$0x0], $0xffff  }
0xb5: {  	v51 =	vld.idx.msk [tilespmem:v14+s25+$0x0], $0xffff;
	v35 =	vadd.s32 v61, v35;
	v34 =	vadd.f32 v56, v34  }
0xb6: {  	v35 =	vadd.s32 v63, v35;
	v52 =	vld.idx.msk [tilespmem:v15+s25+$0x0], $0xffff  }
0xb7: {  	v53 =	vld.idx.msk [tilespmem:v16+s25+$0x0], $0xffff;
	v35 =	vadd.s32 v48, v35;
	v34 =	vadd.f32 v58, v34  }
0xb8: {  	v54 =	vld.idx.msk [tilespmem:v11+s24+$0x0], $0xffff;
	v35 =	vadd.s32 v49, v35  }
0xb9: {  	v35 =	vadd.s32 v50, v35;
	v34 =	vadd.f32 v60, v34  }
0xba: {  	v55 =	vld.idx.msk [tilespmem:v12+s24+$0x0], $0xffff;
	v35 =	vadd.s32 v51, v35  }
0xbb: {  	v35 =	vadd.s32 v52, v35;
	v34 =	vadd.f32 v62, v34  }
0xbc: {  	v56 =	vld.idx.msk [tilespmem:v13+s24+$0x0], $0xffff;
	v35 =	vadd.s32 v53, v35  }
0xbd: {  	v35 =	vcvt.s32.f32 v35;
	v34 =	vadd.f32 v54, v34  }
0xbe: {  	v57 =	vld.idx.msk [tilespmem:v14+s24+$0x0], $0xffff  }
0xbf: {  	(erf) = vrcp.f32 v35;
	v34 =	vadd.f32 v55, v34  }
0xc0: {  	v58 =	vld.idx.msk [tilespmem:v15+s24+$0x0], $0xffff  }
0xc1: {  	v34 =	vadd.f32 v56, v34  }
0xc2: {  	v59 =	vld.idx.msk [tilespmem:v16+s24+$0x0], $0xffff  }
0xc3: {  	v34 =	vadd.f32 v57, v34;
	_ =	sdelay $0x1  }
0xc4: {  	v34 =	vadd.f32 v58, v34;
	_ =	sdelay $0x1  }
0xc5: {  	v34 =	vadd.f32 v59, v34  }
0xc6: {  	v60 =	vpop (erf)  }
0xc7: {  	v34 =	vmul.f32 v60, v34;
	_ =	sdelay $0x1  }
0xc8: {  	v34 =	vadd.f32 v34, v33;
	_ =	sdelay $0x1  }
0xc9: {  	[tilespmem:s20+$0x15B00] =	vst v34  }
0xca: {  	v34 =	vld.idx.msk [tilespmem:v17+s24+$0x0], $0xffff  }
0xcb: {  	v61 =	vld.idx.msk [tilespmem:v17+s25+$0x0], $0xffff  }
0xcc: {  	v62 =	vld.idx.msk [tilespmem:v18+s24+$0x0], $0xffff  }
0xcd: {  	v63 =	vld.idx.msk [tilespmem:v18+s25+$0x0], $0xffff  }
0xce: {  	v48 =	vld.idx.msk [tilespmem:v19+s24+$0x0], $0xffff  }
0xcf: {  	v49 =	vld.idx.msk [tilespmem:v19+s25+$0x0], $0xffff  }
0xd0: {  	v50 =	vld.idx.msk [tilespmem:v20+s24+$0x0], $0xffff  }
0xd1: {  	v51 =	vld.idx.msk [tilespmem:v20+s25+$0x0], $0xffff  }
0xd2: {  	v52 =	vld.idx.msk [tilespmem:v21+s24+$0x0], $0xffff  }
0xd3: {  	v53 =	vld.idx.msk [tilespmem:v21+s25+$0x0], $0xffff  }
0xd4: {  	v54 =	vld.idx.msk [tilespmem:v22+s24+$0x0], $0xffff  }
0xd5: {  	v55 =	vld.idx.msk [tilespmem:v22+s25+$0x0], $0xffff;
	v34 =	vadd.f32 $0.0e+00, v34  }
0xd6: {  	v56 =	vld.idx.msk [tilespmem:v23+s24+$0x0], $0xffff  }
0xd7: {  	v57 =	vld.idx.msk [tilespmem:v23+s25+$0x0], $0xffff;
	v34 =	vadd.f32 v62, v34  }
0xd8: {  	v58 =	vld.idx.msk [tilespmem:v24+s24+$0x0], $0xffff  }
0xd9: {  	v59 =	vld.idx.msk [tilespmem:v24+s25+$0x0], $0xffff;
	v34 =	vadd.f32 v48, v34  }
0xda: {  	v60 =	vld.idx.msk [tilespmem:v25+s24+$0x0], $0xffff;
	v35 =	vadd.s32 v61, v63  }
0xdb: {  	v45 =	vld.idx.msk [tilespmem:v27+s25+$0x0], $0xffff;
	v35 =	vadd.s32 v49, v35;
	v34 =	vadd.f32 v50, v34  }
0xdc: {  	v61 =	vld.idx.msk [tilespmem:v25+s25+$0x0], $0xffff;
	v35 =	vadd.s32 v51, v35  }
0xdd: {  	v63 =	vld.idx.msk [tilespmem:v26+s25+$0x0], $0xffff;
	v35 =	vadd.s32 v53, v35;
	v34 =	vadd.f32 v52, v34  }
0xde: {  	v49 =	vld.idx.msk [tilespmem:v29+s25+$0x0], $0xffff;
	v35 =	vadd.s32 v55, v35  }
0xdf: {  	v48 =	vld.idx.msk [tilespmem:v28+s25+$0x0], $0xffff;
	v35 =	vadd.s32 v57, v35;
	v34 =	vadd.f32 v54, v34  }
0xe0: {  	v62 =	vld.idx.msk [tilespmem:v26+s24+$0x0], $0xffff;
	v35 =	vadd.s32 v59, v35  }
0xe1: {  	v50 =	vld.idx.msk [tilespmem:v30+s25+$0x0], $0xffff;
	v35 =	vadd.s32 v61, v35;
	v34 =	vadd.f32 v56, v34  }
0xe2: {  	v51 =	vld.idx.msk [tilespmem:v31+s25+$0x0], $0xffff;
	v35 =	vadd.s32 v63, v35  }
0xe3: {  	v52 =	vld.idx.msk [tilespmem:v32+s25+$0x0], $0xffff;
	v35 =	vadd.s32 v45, v35;
	v34 =	vadd.f32 v58, v34  }
0xe4: {  	v53 =	vld.idx.msk [tilespmem:v27+s24+$0x0], $0xffff;
	v35 =	vadd.s32 v48, v35  }
0xe5: {  	v35 =	vadd.s32 v49, v35;
	v34 =	vadd.f32 v60, v34  }
0xe6: {  	v54 =	vld.idx.msk [tilespmem:v28+s24+$0x0], $0xffff;
	v35 =	vadd.s32 v50, v35  }
0xe7: {  	v35 =	vadd.s32 v51, v35;
	v34 =	vadd.f32 v62, v34  }
0xe8: {  	v55 =	vld.idx.msk [tilespmem:v29+s24+$0x0], $0xffff;
	v35 =	vadd.s32 v52, v35  }
0xe9: {  	v35 =	vcvt.s32.f32 v35;
	v34 =	vadd.f32 v53, v34  }
0xea: {  	v56 =	vld.idx.msk [tilespmem:v30+s24+$0x0], $0xffff  }
0xeb: {  	(erf) = vrcp.f32 v35;
	v34 =	vadd.f32 v54, v34  }
0xec: {  	v57 =	vld.idx.msk [tilespmem:v31+s24+$0x0], $0xffff  }
0xed: {  	v34 =	vadd.f32 v55, v34  }
0xee: {  	v58 =	vld.idx.msk [tilespmem:v32+s24+$0x0], $0xffff  }
0xef: {  	v34 =	vadd.f32 v56, v34;
	_ =	sdelay $0x1  }
0xf0: {  	v34 =	vadd.f32 v57, v34;
	_ =	sdelay $0x1  }
0xf1: {  	v34 =	vadd.f32 v58, v34  }
0xf2: {  	v59 =	vpop (erf)  }
0xf3: {  	v34 =	vmul.f32 v59, v34;
	_ =	sdelay $0x1  }
0xf4: {  	v34 =	vadd.f32 v34, v33  }
0xf5: {  	p2 =	seq.s32 s15, $0xF  }
0xf6: {  	s5 =	sadd.s32 @!p2 s20, s11;
	[tilespmem:s20+$0x15B10] =	vst v34  }
0xf7: {  	s5 =	smul.u32 @!p2 $0x19, s5;
	_ =	swait.ge [sflag:s26], $0x1900  }
0xf8: {  	s6 =	simm.s32 @!p2 $0x0;
	[sflag:s26] =	ssyncset.done $0x0  }
0xf9: {  	s9 =	simm.s32 @!p2 $0xF500;
	s5 =	sadd.s32 @!p2 s4, s5;
	[sflag:s26] =	ssyncadd.s32 $0xFFFFE700  }
0xfa: {  	[tilespmem:s9], [sflag:$0x3] =	stream.linear.gather @!p2 [hbm4b:s5+s6], $0x1900, $0x38;
	[tilespmem:$0x16380] =	vst v63  }
0xfb: {  	s5 =	simm.s32 @!p2 $0x3  }
0xfc: {  	_ =	swait.ge @!p2 [sflag:s5], $0x1900  }
0xfd: {  	[sflag:s5] =	ssyncset.done @!p2 $0x0  }
0xfe: {  	s6 =	simm.s32 @!p2 $0x12800;
	[sflag:s5] =	ssyncadd.s32 @!p2 $0xFFFFE700;
	s5 =	simm.s32 @!p2 $0x1900  }
0xff: {  	[tilespmem:s6], [sflag:$0x1] =	stream.indirect.gather @!p2 [spmem:s1], $0x1, s9, s5, $0xb8;
	[tilespmem:$0x16380] =	vst v63  }
0x100: {  	s5 =	simm.s32 $0x141E0  }
0x101: {  	s6 =	simm.s32 $0x10EE0;
	v34 =	vld [tilespmem:s5+$0x60]  }
0x102: {  	v35 =	vld [tilespmem:s6+$0x50]  }
0x103: {  	v60 =	vld [tilespmem:s5+$0xFFFFFFA0]  }
0x104: {  	s12 =	simm.s32 $0x0;
	v61 =	vld [tilespmem:s6+$0x40]  }
0x105: {  	s9 =	sand.u32 $0x1FF8, s12;
	v62 =	vld [tilespmem:s5+$0xFFFFFFB0]  }
0x106: {  	v63 =	vld [tilespmem:s9+$0x10F00]  }
0x107: {  	v48 =	vld [tilespmem:s5+$0xFFFFFFC0]  }
0x108: {  	v49 =	vld [tilespmem:s5+$0x0];
	v36 =	vadd.f32 $0.0e+00, v60  }
0x109: {  	v50 =	vld [tilespmem:s5+$0xFFFFFFD0]  }
0x10a: {  	v51 =	vld [tilespmem:s5+$0xFFFFFFF0];
	v36 =	vadd.f32 v62, v36  }
0x10b: {  	v52 =	vld [tilespmem:s5+$0xFFFFFFE0]  }
0x10c: {  	v53 =	vld [tilespmem:s6+$0x0];
	v36 =	vadd.f32 v48, v36  }
0x10d: {  	v55 =	vld [tilespmem:s6+$0xFFFFFFC0]  }
0x10e: {  	v56 =	vld [tilespmem:s6+$0xFFFFFFA0];
	v36 =	vadd.f32 v50, v36  }
0x10f: {  	v57 =	vld [tilespmem:s6+$0xFFFFFFB0]  }
0x110: {  	v59 =	vld [tilespmem:s6+$0xFFFFFFD0];
	v36 =	vadd.f32 v52, v36  }
0x111: {  	v58 =	vld [tilespmem:s5+$0x10]  }
0x112: {  	v54 =	vld [tilespmem:s6+$0xFFFFFFE0];
	vm3 =	veq.s32 v35, $0x1;
	v34 =	vnsel vm0, $0x0, v34;
	v36 =	vadd.f32 v51, v36  }
0x113: {  	v60 =	vld [tilespmem:s9+$0x14200];
	vm2 =	veq.s32 v63, $0x1;
	vm1 =	veq.s32 v61, $0x1;
	vm11 =	veq.s32 v53, $0x1  }
0x114: {  	v61 =	vld [tilespmem:s6+$0xFFFFFFF0];
	vm12 =	veq.s32 v56, $0x1;
	vm13 =	veq.s32 v57, $0x1;
	v36 =	vadd.f32 v49, v36  }
0x115: {  	vm14 =	veq.s32 v55, $0x1;
	vm15 =	veq.s32 v59, $0x1;
	v37 =	vsel vm3, $0x1, v1;
	v62 =	vld [tilespmem:s5+$0x30]  }
0x116: {  	v46 =	vld [tilespmem:s6+$0x10];
	v63 =	vsel vm12, $0x1, v1;
	v45 =	vsel vm13, $0x1, v1;
	v36 =	vadd.f32 v58, v36  }
0x117: {  	vm3 =	veq.s32 v54, $0x1;
	v40 =	vadd.s32 v63, v45;
	v48 =	vsel vm14, $0x1, v1;
	v49 =	vld [tilespmem:s5+$0x40]  }
0x118: {  	v40 =	vadd.s32 v48, v40;
	v50 =	vsel vm15, $0x1, v1;
	v51 =	vld [tilespmem:s6+$0x30];
	v35 =	vadd.f32 v60, v36  }
0x119: {  	v53 =	vld [tilespmem:s5+$0x50];
	v40 =	vadd.s32 v50, v40;
	v52 =	vsel vm3, $0x1, v1;
	vm3 =	veq.s32 v61, $0x1  }
0x11a: {  	v55 =	vld [tilespmem:s6+$0x60];
	v40 =	vadd.s32 v52, v40;
	v54 =	vsel vm3, $0x1, v1;
	v35 =	vadd.f32 v62, v35  }
0x11b: {  	v56 =	vsel vm11, $0x1, v1;
	vm3 =	veq.s32 v46, $0x1;
	v40 =	vadd.s32 v54, v40  }
0x11c: {  	v57 =	vsel vm3, $0x1, v1;
	v40 =	vadd.s32 v56, v40;
	v35 =	vadd.f32 v49, v35  }
0x11d: {  	v40 =	vadd.s32 v57, v40;
	v58 =	vsel vm2, $0x1, v1;
	vm2 =	veq.s32 v51, $0x1  }
0x11e: {  	v59 =	vadd.s32 v58, v40;
	v60 =	vsel vm2, $0x1, v1;
	v35 =	vadd.f32 v53, v35  }
0x11f: {  	v61 =	vsel vm1, $0x1, v1;
	vm1 =	veq.s32 v55, $0x1;
	v36 =	vadd.s32 v60, v59  }
0x120: {  	vm1 =	vmand vm1, vm0;
	v36 =	vadd.s32 v61, v36;
	v34 =	vadd.f32 v34, v35  }
0x121: {  	v63 =	vsel vm1, $0x1, v1;
	s5 =	simm.s32 $0x15F80;
	v62 =	vadd.s32 v37, v36  }
0x122: {  	s6 =	simm.s32 $0x16180;
	v35 =	vadd.s32 v63, v62;
	[tilespmem:s5+$0x0] =	vst v34  }
0x123: {  	s29 =	simm.s32 $0x142A8;
	[tilespmem:s6+$0x0] =	vst v35  }
0x124: {  	s28 =	simm.s32 $0x10FA8;
	v34 =	vld [tilespmem:s29+$0x60]  }
0x125: {  	v36 =	vld [tilespmem:s28+$0x50]  }
0x126: {  	v37 =	vld [tilespmem:s29+$0xFFFFFFA0]  }
0x127: {  	s30 =	simm.s32 $0xC8;
	s9 =	simm.s32 $0x190;
	v35 =	vld [tilespmem:s28+$0x40]  }
.LBB2_13:
0x128: {  	p2 =	sne.s32 s9, $0x1838;
	v38 =	vld [tilespmem:s29+$0xFFFFFFB0];
	s12 =	sand.u32 $0x1FF8, s30;
	s30 =	smov.u32 s9  }
0x129: {  	v39 =	vld [tilespmem:s12+$0x10F00]  }
0x12a: {  	v40 =	vld [tilespmem:s29+$0xFFFFFFC0]  }
0x12b: {  	v37 =	vadd.f32 $0.0e+00, v37;
	v41 =	vld [tilespmem:s29+$0x0]  }
0x12c: {  	v42 =	vld [tilespmem:s29+$0xFFFFFFD0]  }
0x12d: {  	v37 =	vadd.f32 v38, v37;
	v38 =	vld [tilespmem:s29+$0xFFFFFFF0]  }
0x12e: {  	v43 =	vld [tilespmem:s29+$0xFFFFFFE0]  }
0x12f: {  	v37 =	vadd.f32 v40, v37;
	v40 =	vld [tilespmem:s28+$0x0]  }
0x130: {  	v44 =	vld [tilespmem:s28+$0xFFFFFFE0]  }
0x131: {  	v45 =	vld [tilespmem:s28+$0xFFFFFFC0];
	v37 =	vadd.f32 v42, v37  }
0x132: {  	v42 =	vld [tilespmem:s28+$0xFFFFFFA0]  }
0x133: {  	v46 =	vld [tilespmem:s28+$0xFFFFFFB0];
	v37 =	vadd.f32 v43, v37  }
0x134: {  	v43 =	vld [tilespmem:s29+$0x10]  }
0x135: {  	v34 =	vnsel vm0, $0x0, v34;
	vm3 =	veq.s32 v36, $0x1;
	v47 =	vld [tilespmem:s28+$0xFFFFFFD0];
	v37 =	vadd.f32 v38, v37  }
0x136: {  	vm1 =	veq.s32 v35, $0x1;
	v35 =	vsel vm3, $0x1, v1;
	vm2 =	veq.s32 v39, $0x1;
	v36 =	vld [tilespmem:s12+$0x14200]  }
0x137: {  	vm3 =	veq.s32 v40, $0x1;
	vm4 =	veq.s32 v44, $0x1;
	v38 =	vld [tilespmem:s28+$0xFFFFFFF0];
	v37 =	vadd.f32 v41, v37  }
0x138: {  	vm7 =	veq.s32 v45, $0x1;
	vm5 =	veq.s32 v42, $0x1;
	vm6 =	veq.s32 v46, $0x1;
	v39 =	vld [tilespmem:s29+$0x30]  }
0x139: {  	v40 =	vsel vm5, $0x1, v1;
	v41 =	vsel vm6, $0x1, v1;
	v37 =	vadd.f32 v43, v37;
	v42 =	vld [tilespmem:s28+$0x10]  }
0x13a: {  	v40 =	vadd.s32 v40, v41;
	v41 =	vsel vm7, $0x1, v1;
	vm5 =	veq.s32 v47, $0x1;
	v43 =	vld [tilespmem:s29+$0x40]  }
0x13b: {  	v40 =	vadd.s32 v41, v40;
	v41 =	vsel vm5, $0x1, v1;
	v36 =	vadd.f32 v36, v37;
	v37 =	vld [tilespmem:s28+$0x30]  }
0x13c: {  	v40 =	vadd.s32 v41, v40;
	v41 =	vsel vm4, $0x1, v1;
	vm4 =	veq.s32 v38, $0x1;
	v38 =	vld [tilespmem:s29+$0x50]  }
0x13d: {  	v40 =	vadd.s32 v41, v40;
	v41 =	vsel vm4, $0x1, v1;
	v36 =	vadd.f32 v39, v36;
	v39 =	vld [tilespmem:s28+$0x60]  }
0x13e: {  	v40 =	vadd.s32 v41, v40;
	v41 =	vsel vm3, $0x1, v1;
	vm3 =	veq.s32 v42, $0x1  }
0x13f: {  	v40 =	vadd.s32 v41, v40;
	v41 =	vsel vm3, $0x1, v1;
	v36 =	vadd.f32 v43, v36  }
0x140: {  	v40 =	vadd.s32 v41, v40;
	v41 =	vsel vm2, $0x1, v1;
	vm2 =	veq.s32 v37, $0x1  }
0x141: {  	v37 =	vadd.s32 v41, v40;
	v40 =	vsel vm2, $0x1, v1;
	v36 =	vadd.f32 v38, v36  }
0x142: {  	v38 =	vsel vm1, $0x1, v1;
	v37 =	vadd.s32 v40, v37;
	vm1 =	veq.s32 v39, $0x1  }
0x143: {  	v37 =	vadd.s32 v38, v37;
	v34 =	vadd.f32 v34, v36;
	vm1 =	vmand vm1, vm0  }
0x144: {  	s5 =	sadd.s32 $0x10, s5;
	v35 =	vadd.s32 v35, v37;
	v36 =	vsel vm1, $0x1, v1  }
0x145: {  	s6 =	sadd.s32 $0x10, s6;
	v35 =	vadd.s32 v36, v35;
	[tilespmem:s5+$0x0] =	vst v34  }
.Ltmp4:
0x146: {  	s29 =	sadd.s32 $0xC8, s29;
	[tilespmem:s6+$0x0] =	vst v35;
	(pc) =	sbr.rel @p2 .LBB2_13-.Ltmp4, $4  }
0x147: {  	s28 =	sadd.s32 $0xC8, s28;
	v34 =	vld [tilespmem:s29+$0x60]  }
0x148: {  	v36 =	vld [tilespmem:s28+$0x50]  }
0x149: {  	v37 =	vld [tilespmem:s29+$0xFFFFFFA0]  }
0x14a: {  	s9 =	sadd.s32 $0xC8, s9;
	v35 =	vld [tilespmem:s28+$0x40]  }
0x14b: {  	v38 =	vld [tilespmem:s29+$0xFFFFFFB0]  }
0x14c: {  	v40 =	vld [tilespmem:s29+$0xFFFFFFC0]  }
0x14d: {  	v41 =	vld [tilespmem:s29+$0x0]  }
0x14e: {  	v42 =	vld [tilespmem:s29+$0xFFFFFFD0];
	v37 =	vadd.f32 $0.0e+00, v37  }
0x14f: {  	v48 =	vld [tilespmem:s29+$0xFFFFFFF0]  }
0x150: {  	v43 =	vld [tilespmem:s29+$0xFFFFFFE0];
	v37 =	vadd.f32 v38, v37  }
0x151: {  	v49 =	vld [tilespmem:s28+$0x0]  }
0x152: {  	v44 =	vld [tilespmem:s28+$0xFFFFFFE0];
	v37 =	vadd.f32 v40, v37  }
0x153: {  	v45 =	vld [tilespmem:s28+$0xFFFFFFC0]  }
0x154: {  	v50 =	vld [tilespmem:s28+$0xFFFFFFA0];
	v37 =	vadd.f32 v42, v37  }
0x155: {  	v46 =	vld [tilespmem:s28+$0xFFFFFFB0]  }
0x156: {  	v47 =	vld [tilespmem:s28+$0xFFFFFFD0];
	v37 =	vadd.f32 v43, v37  }
0x157: {  	s9 =	sand.u32 $0x1FF8, s30;
	v51 =	vld [tilespmem:s29+$0x10]  }
0x158: {  	v39 =	vld [tilespmem:s9+$0x10F00];
	v34 =	vnsel vm0, $0x0, v34;
	vm3 =	veq.s32 v36, $0x1;
	v37 =	vadd.f32 v48, v37  }
0x159: {  	v52 =	vld [tilespmem:s9+$0x14200];
	v53 =	vsel vm3, $0x1, v1;
	vm1 =	veq.s32 v35, $0x1;
	vm3 =	veq.s32 v44, $0x1  }
0x15a: {  	v54 =	vld [tilespmem:s28+$0xFFFFFFF0];
	vm4 =	veq.s32 v49, $0x1;
	vm5 =	veq.s32 v50, $0x1;
	v37 =	vadd.f32 v41, v37  }
0x15b: {  	v55 =	vld [tilespmem:s29+$0x30];
	vm6 =	veq.s32 v46, $0x1;
	vm7 =	veq.s32 v45, $0x1;
	vm15 =	veq.s32 v47, $0x1  }
0x15c: {  	v58 =	vld [tilespmem:s28+$0x10];
	v56 =	vsel vm5, $0x1, v1;
	v57 =	vsel vm6, $0x1, v1;
	v37 =	vadd.f32 v51, v37  }
0x15d: {  	v60 =	vld [tilespmem:s29+$0x40];
	vm2 =	veq.s32 v39, $0x1;
	v59 =	vsel vm7, $0x1, v1;
	v40 =	vadd.s32 v56, v57  }
0x15e: {  	v62 =	vld [tilespmem:s28+$0x30];
	v61 =	vsel vm15, $0x1, v1;
	v40 =	vadd.s32 v59, v40;
	v36 =	vadd.f32 v52, v37  }
0x15f: {  	v44 =	vld [tilespmem:s29+$0x50];
	v63 =	vsel vm3, $0x1, v1;
	vm3 =	veq.s32 v54, $0x1;
	v40 =	vadd.s32 v61, v40  }
0x160: {  	v46 =	vld [tilespmem:s28+$0x60];
	v45 =	vsel vm3, $0x1, v1;
	v40 =	vadd.s32 v63, v40;
	v36 =	vadd.f32 v55, v36  }
0x161: {  	v47 =	vsel vm4, $0x1, v1;
	vm3 =	veq.s32 v58, $0x1;
	v40 =	vadd.s32 v45, v40  }
0x162: {  	v40 =	vadd.s32 v47, v40;
	v48 =	vsel vm3, $0x1, v1;
	v36 =	vadd.f32 v60, v36  }
0x163: {  	v49 =	vsel vm2, $0x1, v1;
	vm2 =	veq.s32 v62, $0x1;
	v40 =	vadd.s32 v48, v40  }
0x164: {  	v50 =	vadd.s32 v49, v40;
	v51 =	vsel vm2, $0x1, v1;
	v36 =	vadd.f32 v44, v36  }
0x165: {  	v37 =	vadd.s32 v51, v50;
	v52 =	vsel vm1, $0x1, v1;
	vm1 =	veq.s32 v46, $0x1  }
0x166: {  	v37 =	vadd.s32 v52, v37;
	vm1 =	vmand vm1, vm0;
	v34 =	vadd.f32 v34, v36  }
0x167: {  	s5 =	sadd.s32 $0x10, s5;
	v35 =	vadd.s32 v53, v37;
	v53 =	vsel vm1, $0x1, v1  }
0x168: {  	s30 =	sadd.s32 $0x10, s6;
	v35 =	vadd.s32 v53, v35;
	[tilespmem:s5+$0x0] =	vst v34  }
0x169: {  	[tilespmem:s30+$0x0] =	vst v35  }
0x16a: {  	v34 =	vld.idx.msk [tilespmem:v0+s24+$0x0], $0xffff  }
0x16b: {  	v35 =	vld.idx.msk [tilespmem:v0+s25+$0x0], $0xffff  }
0x16c: {  	v54 =	vld.idx.msk [tilespmem:v2+s24+$0x0], $0xffff  }
0x16d: {  	v55 =	vld.idx.msk [tilespmem:v2+s25+$0x0], $0xffff  }
0x16e: {  	v56 =	vld.idx.msk [tilespmem:v3+s24+$0x0], $0xffff  }
0x16f: {  	v57 =	vld.idx.msk [tilespmem:v3+s25+$0x0], $0xffff  }
0x170: {  	v58 =	vld.idx.msk [tilespmem:v4+s24+$0x0], $0xffff  }
0x171: {  	v59 =	vld.idx.msk [tilespmem:v4+s25+$0x0], $0xffff  }
0x172: {  	v60 =	vld.idx.msk [tilespmem:v5+s24+$0x0], $0xffff  }
0x173: {  	v61 =	vld.idx.msk [tilespmem:v5+s25+$0x0], $0xffff  }
0x174: {  	v62 =	vld.idx.msk [tilespmem:v6+s24+$0x0], $0xffff  }
0x175: {  	v63 =	vld.idx.msk [tilespmem:v6+s25+$0x0], $0xffff;
	v34 =	vadd.f32 $0.0e+00, v34  }
0x176: {  	v48 =	vld.idx.msk [tilespmem:v7+s24+$0x0], $0xffff  }
0x177: {  	v49 =	vld.idx.msk [tilespmem:v7+s25+$0x0], $0xffff;
	v34 =	vadd.f32 v54, v34  }
0x178: {  	v50 =	vld.idx.msk [tilespmem:v8+s24+$0x0], $0xffff  }
0x179: {  	v51 =	vld.idx.msk [tilespmem:v8+s25+$0x0], $0xffff;
	v34 =	vadd.f32 v56, v34  }
0x17a: {  	v52 =	vld.idx.msk [tilespmem:v9+s24+$0x0], $0xffff;
	v35 =	vadd.s32 v35, v55  }
0x17b: {  	v53 =	vld.idx.msk [tilespmem:v9+s25+$0x0], $0xffff;
	v35 =	vadd.s32 v57, v35;
	v34 =	vadd.f32 v58, v34  }
0x17c: {  	v55 =	vld.idx.msk [tilespmem:v10+s25+$0x0], $0xffff;
	v35 =	vadd.s32 v59, v35  }
0x17d: {  	v57 =	vld.idx.msk [tilespmem:v12+s25+$0x0], $0xffff;
	v35 =	vadd.s32 v61, v35;
	v34 =	vadd.f32 v60, v34  }
0x17e: {  	v35 =	vadd.s32 v63, v35;
	v56 =	vld.idx.msk [tilespmem:v11+s25+$0x0], $0xffff  }
0x17f: {  	v54 =	vld.idx.msk [tilespmem:v10+s24+$0x0], $0xffff;
	v35 =	vadd.s32 v49, v35;
	v34 =	vadd.f32 v62, v34  }
0x180: {  	v35 =	vadd.s32 v51, v35;
	v58 =	vld.idx.msk [tilespmem:v13+s25+$0x0], $0xffff  }
0x181: {  	v59 =	vld.idx.msk [tilespmem:v14+s25+$0x0], $0xffff;
	v35 =	vadd.s32 v53, v35;
	v34 =	vadd.f32 v48, v34  }
0x182: {  	v35 =	vadd.s32 v55, v35;
	v60 =	vld.idx.msk [tilespmem:v15+s25+$0x0], $0xffff  }
0x183: {  	v61 =	vld.idx.msk [tilespmem:v16+s25+$0x0], $0xffff;
	v35 =	vadd.s32 v56, v35;
	v34 =	vadd.f32 v50, v34  }
0x184: {  	v62 =	vld.idx.msk [tilespmem:v11+s24+$0x0], $0xffff;
	v35 =	vadd.s32 v57, v35  }
0x185: {  	v35 =	vadd.s32 v58, v35;
	v34 =	vadd.f32 v52, v34  }
0x186: {  	v63 =	vld.idx.msk [tilespmem:v12+s24+$0x0], $0xffff;
	v35 =	vadd.s32 v59, v35  }
0x187: {  	v35 =	vadd.s32 v60, v35;
	v34 =	vadd.f32 v54, v34  }
0x188: {  	v41 =	vld.idx.msk [tilespmem:v13+s24+$0x0], $0xffff;
	v35 =	vadd.s32 v61, v35  }
0x189: {  	v35 =	vcvt.s32.f32 v35;
	v34 =	vadd.f32 v62, v34  }
0x18a: {  	v44 =	vld.idx.msk [tilespmem:v14+s24+$0x0], $0xffff  }
0x18b: {  	(erf) = vrcp.f32 v35;
	v34 =	vadd.f32 v63, v34  }
0x18c: {  	v45 =	vld.idx.msk [tilespmem:v15+s24+$0x0], $0xffff  }
0x18d: {  	v34 =	vadd.f32 v41, v34  }
0x18e: {  	v46 =	vld.idx.msk [tilespmem:v16+s24+$0x0], $0xffff  }
0x18f: {  	v34 =	vadd.f32 v44, v34;
	_ =	sdelay $0x1  }
0x190: {  	v34 =	vadd.f32 v45, v34;
	_ =	sdelay $0x1  }
0x191: {  	v34 =	vadd.f32 v46, v34  }
0x192: {  	v47 =	vpop (erf)  }
0x193: {  	v34 =	vmul.f32 v47, v34;
	_ =	sdelay $0x1  }
0x194: {  	v34 =	vadd.f32 v34, v33;
	_ =	sdelay $0x1  }
0x195: {  	[tilespmem:s2+$0x15B00] =	vst v34  }
0x196: {  	v34 =	vld.idx.msk [tilespmem:v17+s24+$0x0], $0xffff  }
0x197: {  	v48 =	vld.idx.msk [tilespmem:v17+s25+$0x0], $0xffff  }
0x198: {  	v49 =	vld.idx.msk [tilespmem:v18+s24+$0x0], $0xffff  }
0x199: {  	v50 =	vld.idx.msk [tilespmem:v18+s25+$0x0], $0xffff  }
0x19a: {  	v51 =	vld.idx.msk [tilespmem:v19+s24+$0x0], $0xffff  }
0x19b: {  	v52 =	vld.idx.msk [tilespmem:v19+s25+$0x0], $0xffff  }
0x19c: {  	v53 =	vld.idx.msk [tilespmem:v20+s24+$0x0], $0xffff  }
0x19d: {  	v54 =	vld.idx.msk [tilespmem:v20+s25+$0x0], $0xffff  }
0x19e: {  	v55 =	vld.idx.msk [tilespmem:v21+s24+$0x0], $0xffff  }
0x19f: {  	v56 =	vld.idx.msk [tilespmem:v21+s25+$0x0], $0xffff  }
0x1a0: {  	v57 =	vld.idx.msk [tilespmem:v22+s24+$0x0], $0xffff  }
0x1a1: {  	v58 =	vld.idx.msk [tilespmem:v22+s25+$0x0], $0xffff;
	v34 =	vadd.f32 $0.0e+00, v34  }
0x1a2: {  	v59 =	vld.idx.msk [tilespmem:v23+s24+$0x0], $0xffff  }
0x1a3: {  	v60 =	vld.idx.msk [tilespmem:v23+s25+$0x0], $0xffff;
	v34 =	vadd.f32 v49, v34  }
0x1a4: {  	v61 =	vld.idx.msk [tilespmem:v24+s24+$0x0], $0xffff  }
0x1a5: {  	v62 =	vld.idx.msk [tilespmem:v24+s25+$0x0], $0xffff;
	v34 =	vadd.f32 v51, v34  }
0x1a6: {  	v63 =	vld.idx.msk [tilespmem:v25+s24+$0x0], $0xffff;
	v35 =	vadd.s32 v48, v50  }
0x1a7: {  	v48 =	vld.idx.msk [tilespmem:v25+s25+$0x0], $0xffff;
	v35 =	vadd.s32 v52, v35;
	v34 =	vadd.f32 v53, v34  }
0x1a8: {  	v50 =	vld.idx.msk [tilespmem:v26+s25+$0x0], $0xffff;
	v35 =	vadd.s32 v54, v35  }
0x1a9: {  	v52 =	vld.idx.msk [tilespmem:v28+s25+$0x0], $0xffff;
	v35 =	vadd.s32 v56, v35;
	v34 =	vadd.f32 v55, v34  }
0x1aa: {  	v35 =	vadd.s32 v58, v35;
	v51 =	vld.idx.msk [tilespmem:v27+s25+$0x0], $0xffff  }
0x1ab: {  	v49 =	vld.idx.msk [tilespmem:v26+s24+$0x0], $0xffff;
	v35 =	vadd.s32 v60, v35;
	v34 =	vadd.f32 v57, v34  }
0x1ac: {  	v35 =	vadd.s32 v62, v35;
	v53 =	vld.idx.msk [tilespmem:v29+s25+$0x0], $0xffff  }
0x1ad: {  	v54 =	vld.idx.msk [tilespmem:v30+s25+$0x0], $0xffff;
	v35 =	vadd.s32 v48, v35;
	v34 =	vadd.f32 v59, v34  }
0x1ae: {  	v35 =	vadd.s32 v50, v35;
	v55 =	vld.idx.msk [tilespmem:v31+s25+$0x0], $0xffff  }
0x1af: {  	v56 =	vld.idx.msk [tilespmem:v32+s25+$0x0], $0xffff;
	v35 =	vadd.s32 v51, v35;
	v34 =	vadd.f32 v61, v34  }
0x1b0: {  	v57 =	vld.idx.msk [tilespmem:v27+s24+$0x0], $0xffff;
	v35 =	vadd.s32 v52, v35  }
0x1b1: {  	v35 =	vadd.s32 v53, v35;
	v34 =	vadd.f32 v63, v34  }
0x1b2: {  	v58 =	vld.idx.msk [tilespmem:v28+s24+$0x0], $0xffff;
	v35 =	vadd.s32 v54, v35  }
0x1b3: {  	v35 =	vadd.s32 v55, v35;
	v34 =	vadd.f32 v49, v34  }
0x1b4: {  	v59 =	vld.idx.msk [tilespmem:v29+s24+$0x0], $0xffff;
	v35 =	vadd.s32 v56, v35  }
0x1b5: {  	v35 =	vcvt.s32.f32 v35;
	v34 =	vadd.f32 v57, v34  }
0x1b6: {  	v60 =	vld.idx.msk [tilespmem:v30+s24+$0x0], $0xffff  }
0x1b7: {  	(erf) = vrcp.f32 v35;
	v34 =	vadd.f32 v58, v34  }
0x1b8: {  	v61 =	vld.idx.msk [tilespmem:v31+s24+$0x0], $0xffff  }
0x1b9: {  	v34 =	vadd.f32 v59, v34  }
0x1ba: {  	v62 =	vld.idx.msk [tilespmem:v32+s24+$0x0], $0xffff  }
0x1bb: {  	v34 =	vadd.f32 v60, v34;
	_ =	sdelay $0x1  }
0x1bc: {  	v34 =	vadd.f32 v61, v34;
	_ =	sdelay $0x1  }
0x1bd: {  	s15 =	sadd.s32 $0x1, s15;
	v34 =	vadd.f32 v62, v34  }
0x1be: {  	p2 =	sne.s32 s15, $0x10;
	v63 =	vpop (erf)  }
.Ltmp5:
0x1bf: {  	v34 =	vmul.f32 v63, v34;
	(pc) =	sbr.rel @p2 .LBB2_10-.Ltmp5, $3  }
0x1c0: {  	_ = 	snop  }
0x1c1: {  	v34 =	vadd.f32 v34, v33;
	_ =	sdelay $0x1  }
0x1c2: {  	[tilespmem:s20+$0x15B30] =	vst v34  }
.Ltmp6:
0x1c3: {  	(pc) =	sbr.rel .LBB2_16-.Ltmp6, $2  }
0x1c4: {  	_ =	sdelay $0x2  }
0x1c5: {  	s0 =	smov.u32 s13  }
.LBB2_2:
0x1c6: {  	s0 =	simm.s32 @!p1 $0x1C03;
	s2 =	rddreg [dreg:$0x3]  }
0x1c7: {  	[spmem:s17], [sflag:s0] =	dma.local @!p1 [hbm:s2], $0x1EA00  }
0x1c8: {  	s0 =	simm.s32 @!p1 $0x3  }
0x1c9: {  	_ =	swait.ge @!p1 [sflag:s0], $0x1EA00  }
0x1ca: {  	[sflag:s0] =	ssyncset.done @!p1 $0x0  }
0x1cb: {  	[sflag:s0] =	ssyncadd.s32 @!p1 $0xFFFE1600  }
0x1cc: {  	[bflag:$0x0] =	sbarrier.arrive $0xFFFF  }
0x1cd: {  	s0 =	simm.s32 $0x0;
	s29 =	rddreg [dreg:$0x5]  }
0x1ce: {  	[tilespmem:s18], [sflag:$0x3] =	stream.linear.gather [hbm4b:s29+s0], $0x1900, $0x38;
	[tilespmem:$0x16380] =	vst v63  }
0x1cf: {  	_ =	swait.ge [sflag:s16], $0x1900  }
0x1d0: {  	[sflag:s16] =	ssyncset.done $0x0  }
0x1d1: {  	s30 =	simm.s32 $0x12800;
	s15 =	simm.s32 $0x0;
	[sflag:s16] =	ssyncadd.s32 $0xFFFFE700  }
0x1d2: {  	[tilespmem:s30], [sflag:$0x1] =	stream.indirect.gather [spmem:s1], $0x1, s18, s19, $0xb8;
	[tilespmem:$0x16380] =	vst v63  }
.LBB2_3:
0x1d3: {  	s20 =	sshll.u32 s15, $0x6  }
0x1d4: {  	s2 =	sor.u32 $0x20, s20  }
0x1d5: {  	s5 =	sadd.s32 s8, s2  }
0x1d6: {  	_ =	swait.ge [sflag:s21], $0x1900;
	s5 =	smul.u32 $0x19, s5  }
0x1d7: {  	[sflag:s21] =	ssyncset.done $0x0  }
0x1d8: {  	[sflag:s21] =	ssyncadd.s32 $0xFFFFE700;
	s5 =	sadd.s32 s3, s5  }
0x1d9: {  	[tilespmem:s22], [sflag:$0x3] =	stream.linear.gather [hbm4b:s5+s0], $0x1900, $0x38;
	[tilespmem:$0x16380] =	vst v63  }
0x1da: {  	_ =	swait.ge [sflag:s16], $0x1900  }
0x1db: {  	[sflag:s16] =	ssyncset.done $0x0  }
0x1dc: {  	s12 =	simm.s32 $0x12860;
	[sflag:s16] =	ssyncadd.s32 $0xFFFFE700  }
0x1dd: {  	[tilespmem:s23], [sflag:$0x2] =	stream.indirect.gather [spmem:s1], $0x1, s22, s19, $0xb8;
	[tilespmem:$0x16380] =	vst v63  }
0x1de: {  	s6 =	simm.s32 $0xF560;
	v33 =	vld [tilespmem:s12+$0x60]  }
0x1df: {  	v34 =	vld [tilespmem:s6+$0x50]  }
0x1e0: {  	v35 =	vld [tilespmem:s12+$0xFFFFFFA0]  }
0x1e1: {  	v36 =	vld [tilespmem:s6+$0x40]  }
0x1e2: {  	s9 =	sand.u32 $0x1FF8, s0;
	v37 =	vld [tilespmem:s12+$0xFFFFFFB0]  }
0x1e3: {  	v38 =	vld [tilespmem:s9+$0xF580]  }
0x1e4: {  	v39 =	vld [tilespmem:s12+$0xFFFFFFC0]  }
0x1e5: {  	v40 =	vld [tilespmem:s12+$0x0];
	v35 =	vadd.f32 $0.0e+00, v35  }
0x1e6: {  	v41 =	vld [tilespmem:s12+$0xFFFFFFD0]  }
0x1e7: {  	v57 =	vld [tilespmem:s12+$0xFFFFFFF0];
	v35 =	vadd.f32 v37, v35  }
0x1e8: {  	v42 =	vld [tilespmem:s12+$0xFFFFFFE0]  }
0x1e9: {  	v58 =	vld [tilespmem:s6+$0x0];
	v35 =	vadd.f32 v39, v35  }
0x1ea: {  	v44 =	vld [tilespmem:s6+$0xFFFFFFC0]  }
0x1eb: {  	v59 =	vld [tilespmem:s6+$0xFFFFFFA0];
	v35 =	vadd.f32 v41, v35  }
0x1ec: {  	v45 =	vld [tilespmem:s6+$0xFFFFFFB0]  }
0x1ed: {  	v46 =	vld [tilespmem:s6+$0xFFFFFFD0];
	v35 =	vadd.f32 v42, v35  }
0x1ee: {  	v60 =	vld [tilespmem:s12+$0x10]  }
0x1ef: {  	v43 =	vld [tilespmem:s6+$0xFFFFFFE0];
	vm3 =	veq.s32 v34, $0x1;
	v33 =	vnsel vm0, $0x0, v33;
	v35 =	vadd.f32 v57, v35  }
0x1f0: {  	v61 =	vld [tilespmem:s9+$0x12880];
	vm2 =	veq.s32 v38, $0x1;
	vm1 =	veq.s32 v36, $0x1;
	vm4 =	veq.s32 v58, $0x1  }
0x1f1: {  	v62 =	vld [tilespmem:s6+$0xFFFFFFF0];
	vm5 =	veq.s32 v59, $0x1;
	vm6 =	veq.s32 v45, $0x1;
	v35 =	vadd.f32 v40, v35  }
0x1f2: {  	v63 =	vld [tilespmem:s12+$0x30];
	vm7 =	veq.s32 v44, $0x1;
	vm15 =	veq.s32 v46, $0x1;
	v36 =	vsel vm3, $0x1, v1  }
0x1f3: {  	v47 =	vld [tilespmem:s6+$0x10];
	v44 =	vsel vm5, $0x1, v1;
	v45 =	vsel vm6, $0x1, v1;
	v35 =	vadd.f32 v60, v35  }
0x1f4: {  	v49 =	vld [tilespmem:s12+$0x40];
	vm3 =	veq.s32 v43, $0x1;
	v48 =	vsel vm7, $0x1, v1;
	v39 =	vadd.s32 v44, v45  }
0x1f5: {  	v51 =	vld [tilespmem:s6+$0x30];
	v50 =	vsel vm15, $0x1, v1;
	v39 =	vadd.s32 v48, v39;
	v34 =	vadd.f32 v61, v35  }
0x1f6: {  	v53 =	vld [tilespmem:s12+$0x50];
	v52 =	vsel vm3, $0x1, v1;
	vm3 =	veq.s32 v62, $0x1;
	v39 =	vadd.s32 v50, v39  }
0x1f7: {  	v55 =	vld [tilespmem:s6+$0x60];
	v54 =	vsel vm3, $0x1, v1;
	v39 =	vadd.s32 v52, v39;
	v34 =	vadd.f32 v63, v34  }
0x1f8: {  	v56 =	vsel vm4, $0x1, v1;
	vm3 =	veq.s32 v47, $0x1;
	v39 =	vadd.s32 v54, v39  }
0x1f9: {  	v39 =	vadd.s32 v56, v39;
	v57 =	vsel vm3, $0x1, v1;
	v34 =	vadd.f32 v49, v34  }
0x1fa: {  	v58 =	vsel vm2, $0x1, v1;
	vm2 =	veq.s32 v51, $0x1;
	v39 =	vadd.s32 v57, v39  }
0x1fb: {  	v59 =	vadd.s32 v58, v39;
	v60 =	vsel vm2, $0x1, v1;
	v34 =	vadd.f32 v53, v34  }
0x1fc: {  	v35 =	vadd.s32 v60, v59;
	v61 =	vsel vm1, $0x1, v1;
	vm1 =	veq.s32 v55, $0x1  }
0x1fd: {  	v35 =	vadd.s32 v61, v35;
	vm1 =	vmand vm1, vm0;
	v33 =	vadd.f32 v33, v34  }
0x1fe: {  	s5 =	simm.s32 $0x15F80;
	v62 =	vadd.s32 v36, v35;
	v63 =	vsel vm1, $0x1, v1  }
0x1ff: {  	s6 =	simm.s32 $0x16180;
	v34 =	vadd.s32 v63, v62;
	[tilespmem:s5+$0x0] =	vst v33  }
0x200: {  	s29 =	simm.s32 $0x12928;
	[tilespmem:s6+$0x0] =	vst v34  }
0x201: {  	s28 =	simm.s32 $0xF628;
	v33 =	vld [tilespmem:s29+$0x60]  }
0x202: {  	v35 =	vld [tilespmem:s28+$0x50]  }
0x203: {  	v36 =	vld [tilespmem:s29+$0xFFFFFFA0]  }
0x204: {  	s30 =	simm.s32 $0xC8;
	s9 =	simm.s32 $0x190;
	v34 =	vld [tilespmem:s28+$0x40]  }
.LBB2_4:
0x205: {  	p2 =	sne.s32 s9, $0x1838;
	v37 =	vld [tilespmem:s29+$0xFFFFFFB0];
	s12 =	sand.u32 $0x1FF8, s30;
	s30 =	smov.u32 s9  }
0x206: {  	v38 =	vld [tilespmem:s12+$0xF580]  }
0x207: {  	v39 =	vld [tilespmem:s29+$0xFFFFFFC0]  }
0x208: {  	v36 =	vadd.f32 $0.0e+00, v36;
	v40 =	vld [tilespmem:s29+$0x0]  }
0x209: {  	v41 =	vld [tilespmem:s29+$0xFFFFFFD0]  }
0x20a: {  	v36 =	vadd.f32 v37, v36;
	v37 =	vld [tilespmem:s29+$0xFFFFFFF0]  }
0x20b: {  	v42 =	vld [tilespmem:s29+$0xFFFFFFE0]  }
0x20c: {  	v36 =	vadd.f32 v39, v36;
	v39 =	vld [tilespmem:s28+$0x0]  }
0x20d: {  	v43 =	vld [tilespmem:s28+$0xFFFFFFE0]  }
0x20e: {  	v44 =	vld [tilespmem:s28+$0xFFFFFFC0];
	v36 =	vadd.f32 v41, v36  }
0x20f: {  	v41 =	vld [tilespmem:s28+$0xFFFFFFA0]  }
0x210: {  	v45 =	vld [tilespmem:s28+$0xFFFFFFB0];
	v36 =	vadd.f32 v42, v36  }
0x211: {  	v42 =	vld [tilespmem:s29+$0x10]  }
0x212: {  	v33 =	vnsel vm0, $0x0, v33;
	vm3 =	veq.s32 v35, $0x1;
	v46 =	vld [tilespmem:s28+$0xFFFFFFD0];
	v36 =	vadd.f32 v37, v36  }
0x213: {  	vm1 =	veq.s32 v34, $0x1;
	v34 =	vsel vm3, $0x1, v1;
	vm2 =	veq.s32 v38, $0x1;
	v35 =	vld [tilespmem:s12+$0x12880]  }
0x214: {  	vm3 =	veq.s32 v39, $0x1;
	vm4 =	veq.s32 v43, $0x1;
	v37 =	vld [tilespmem:s28+$0xFFFFFFF0];
	v36 =	vadd.f32 v40, v36  }
0x215: {  	vm7 =	veq.s32 v44, $0x1;
	vm5 =	veq.s32 v41, $0x1;
	vm6 =	veq.s32 v45, $0x1;
	v38 =	vld [tilespmem:s29+$0x30]  }
0x216: {  	v39 =	vsel vm5, $0x1, v1;
	v40 =	vsel vm6, $0x1, v1;
	v36 =	vadd.f32 v42, v36;
	v41 =	vld [tilespmem:s28+$0x10]  }
0x217: {  	v39 =	vadd.s32 v39, v40;
	v40 =	vsel vm7, $0x1, v1;
	vm5 =	veq.s32 v46, $0x1;
	v42 =	vld [tilespmem:s29+$0x40]  }
0x218: {  	v39 =	vadd.s32 v40, v39;
	v40 =	vsel vm5, $0x1, v1;
	v35 =	vadd.f32 v35, v36;
	v36 =	vld [tilespmem:s28+$0x30]  }
0x219: {  	v39 =	vadd.s32 v40, v39;
	v40 =	vsel vm4, $0x1, v1;
	vm4 =	veq.s32 v37, $0x1;
	v37 =	vld [tilespmem:s29+$0x50]  }
0x21a: {  	v39 =	vadd.s32 v40, v39;
	v40 =	vsel vm4, $0x1, v1;
	v35 =	vadd.f32 v38, v35;
	v38 =	vld [tilespmem:s28+$0x60]  }
0x21b: {  	v39 =	vadd.s32 v40, v39;
	v40 =	vsel vm3, $0x1, v1;
	vm3 =	veq.s32 v41, $0x1  }
0x21c: {  	v39 =	vadd.s32 v40, v39;
	v40 =	vsel vm3, $0x1, v1;
	v35 =	vadd.f32 v42, v35  }
0x21d: {  	v39 =	vadd.s32 v40, v39;
	v40 =	vsel vm2, $0x1, v1;
	vm2 =	veq.s32 v36, $0x1  }
0x21e: {  	v36 =	vadd.s32 v40, v39;
	v39 =	vsel vm2, $0x1, v1;
	v35 =	vadd.f32 v37, v35  }
0x21f: {  	v37 =	vsel vm1, $0x1, v1;
	v36 =	vadd.s32 v39, v36;
	vm1 =	veq.s32 v38, $0x1  }
0x220: {  	v36 =	vadd.s32 v37, v36;
	v33 =	vadd.f32 v33, v35;
	vm1 =	vmand vm1, vm0  }
0x221: {  	s5 =	sadd.s32 $0x10, s5;
	v34 =	vadd.s32 v34, v36;
	v35 =	vsel vm1, $0x1, v1  }
0x222: {  	s6 =	sadd.s32 $0x10, s6;
	v34 =	vadd.s32 v35, v34;
	[tilespmem:s5+$0x0] =	vst v33  }
.Ltmp7:
0x223: {  	s29 =	sadd.s32 $0xC8, s29;
	[tilespmem:s6+$0x0] =	vst v34;
	(pc) =	sbr.rel @p2 .LBB2_4-.Ltmp7, $4  }
0x224: {  	s28 =	sadd.s32 $0xC8, s28;
	v33 =	vld [tilespmem:s29+$0x60]  }
0x225: {  	v35 =	vld [tilespmem:s28+$0x50]  }
0x226: {  	v36 =	vld [tilespmem:s29+$0xFFFFFFA0]  }
0x227: {  	s9 =	sadd.s32 $0xC8, s9;
	v34 =	vld [tilespmem:s28+$0x40]  }
0x228: {  	v37 =	vld [tilespmem:s29+$0xFFFFFFB0]  }
0x229: {  	v39 =	vld [tilespmem:s29+$0xFFFFFFC0]  }
0x22a: {  	v40 =	vld [tilespmem:s29+$0x0]  }
0x22b: {  	v41 =	vld [tilespmem:s29+$0xFFFFFFD0];
	v36 =	vadd.f32 $0.0e+00, v36  }
0x22c: {  	v59 =	vld [tilespmem:s29+$0xFFFFFFF0]  }
0x22d: {  	v42 =	vld [tilespmem:s29+$0xFFFFFFE0];
	v36 =	vadd.f32 v37, v36  }
0x22e: {  	v60 =	vld [tilespmem:s28+$0x0]  }
0x22f: {  	v43 =	vld [tilespmem:s28+$0xFFFFFFE0];
	v36 =	vadd.f32 v39, v36  }
0x230: {  	v44 =	vld [tilespmem:s28+$0xFFFFFFC0]  }
0x231: {  	v61 =	vld [tilespmem:s28+$0xFFFFFFA0];
	v36 =	vadd.f32 v41, v36  }
0x232: {  	v45 =	vld [tilespmem:s28+$0xFFFFFFB0]  }
0x233: {  	v46 =	vld [tilespmem:s28+$0xFFFFFFD0];
	v36 =	vadd.f32 v42, v36  }
0x234: {  	s9 =	sand.u32 $0x1FF8, s30;
	v62 =	vld [tilespmem:s29+$0x10]  }
0x235: {  	v38 =	vld [tilespmem:s9+$0xF580];
	v33 =	vnsel vm0, $0x0, v33;
	vm3 =	veq.s32 v35, $0x1;
	v36 =	vadd.f32 v59, v36  }
0x236: {  	v63 =	vld [tilespmem:s9+$0x12880];
	v47 =	vsel vm3, $0x1, v1;
	vm1 =	veq.s32 v34, $0x1;
	vm3 =	veq.s32 v43, $0x1  }
0x237: {  	v48 =	vld [tilespmem:s28+$0xFFFFFFF0];
	vm4 =	veq.s32 v60, $0x1;
	vm5 =	veq.s32 v61, $0x1;
	v36 =	vadd.f32 v40, v36  }
0x238: {  	v49 =	vld [tilespmem:s29+$0x30];
	vm6 =	veq.s32 v45, $0x1;
	vm7 =	veq.s32 v44, $0x1;
	vm10 =	veq.s32 v46, $0x1  }
0x239: {  	v52 =	vld [tilespmem:s28+$0x10];
	v50 =	vsel vm5, $0x1, v1;
	v51 =	vsel vm6, $0x1, v1;
	v36 =	vadd.f32 v62, v36  }
0x23a: {  	v54 =	vld [tilespmem:s29+$0x40];
	vm2 =	veq.s32 v38, $0x1;
	v53 =	vsel vm7, $0x1, v1;
	v39 =	vadd.s32 v50, v51  }
0x23b: {  	v56 =	vld [tilespmem:s28+$0x30];
	v55 =	vsel vm10, $0x1, v1;
	v39 =	vadd.s32 v53, v39;
	v35 =	vadd.f32 v63, v36  }
0x23c: {  	v58 =	vld [tilespmem:s29+$0x50];
	v57 =	vsel vm3, $0x1, v1;
	vm3 =	veq.s32 v48, $0x1;
	v39 =	vadd.s32 v55, v39  }
0x23d: {  	v60 =	vld [tilespmem:s28+$0x60];
	v39 =	vadd.s32 v57, v39;
	v59 =	vsel vm3, $0x1, v1;
	v35 =	vadd.f32 v49, v35  }
0x23e: {  	v61 =	vsel vm4, $0x1, v1;
	vm3 =	veq.s32 v52, $0x1;
	v39 =	vadd.s32 v59, v39  }
0x23f: {  	v39 =	vadd.s32 v61, v39;
	v62 =	vsel vm3, $0x1, v1;
	v35 =	vadd.f32 v54, v35  }
0x240: {  	v39 =	vadd.s32 v62, v39;
	v63 =	vsel vm2, $0x1, v1;
	vm2 =	veq.s32 v56, $0x1  }
0x241: {  	v44 =	vadd.s32 v63, v39;
	v45 =	vsel vm2, $0x1, v1;
	v35 =	vadd.f32 v58, v35  }
0x242: {  	v46 =	vsel vm1, $0x1, v1;
	vm1 =	veq.s32 v60, $0x1;
	v36 =	vadd.s32 v45, v44  }
0x243: {  	vm1 =	vmand vm1, vm0;
	v36 =	vadd.s32 v46, v36;
	v33 =	vadd.f32 v33, v35  }
0x244: {  	s5 =	sadd.s32 $0x10, s5;
	v34 =	vadd.s32 v47, v36;
	v47 =	vsel vm1, $0x1, v1  }
0x245: {  	s9 =	sadd.s32 $0x10, s6;
	v34 =	vadd.s32 v47, v34;
	[tilespmem:s5+$0x0] =	vst v33  }
0x246: {  	[tilespmem:s9+$0x0] =	vst v34  }
0x247: {  	v33 =	vld.idx.msk [tilespmem:v0+s24+$0x0], $0xffff  }
0x248: {  	v34 =	vld.idx.msk [tilespmem:v0+s25+$0x0], $0xffff  }
0x249: {  	v48 =	vld.idx.msk [tilespmem:v2+s24+$0x0], $0xffff  }
0x24a: {  	v49 =	vld.idx.msk [tilespmem:v2+s25+$0x0], $0xffff  }
0x24b: {  	v50 =	vld.idx.msk [tilespmem:v3+s24+$0x0], $0xffff  }
0x24c: {  	v51 =	vld.idx.msk [tilespmem:v3+s25+$0x0], $0xffff  }
0x24d: {  	v52 =	vld.idx.msk [tilespmem:v4+s24+$0x0], $0xffff  }
0x24e: {  	v53 =	vld.idx.msk [tilespmem:v4+s25+$0x0], $0xffff  }
0x24f: {  	v54 =	vld.idx.msk [tilespmem:v5+s24+$0x0], $0xffff  }
0x250: {  	v55 =	vld.idx.msk [tilespmem:v5+s25+$0x0], $0xffff  }
0x251: {  	v56 =	vld.idx.msk [tilespmem:v6+s24+$0x0], $0xffff  }
0x252: {  	v57 =	vld.idx.msk [tilespmem:v6+s25+$0x0], $0xffff;
	v33 =	vadd.f32 $0.0e+00, v33  }
0x253: {  	v58 =	vld.idx.msk [tilespmem:v7+s24+$0x0], $0xffff  }
0x254: {  	v59 =	vld.idx.msk [tilespmem:v7+s25+$0x0], $0xffff;
	v33 =	vadd.f32 v48, v33  }
0x255: {  	v60 =	vld.idx.msk [tilespmem:v8+s24+$0x0], $0xffff  }
0x256: {  	v61 =	vld.idx.msk [tilespmem:v8+s25+$0x0], $0xffff;
	v33 =	vadd.f32 v50, v33  }
0x257: {  	v62 =	vld.idx.msk [tilespmem:v9+s24+$0x0], $0xffff;
	v34 =	vadd.s32 v34, v49  }
0x258: {  	v63 =	vld.idx.msk [tilespmem:v9+s25+$0x0], $0xffff;
	v34 =	vadd.s32 v51, v34;
	v33 =	vadd.f32 v52, v33  }
0x259: {  	v47 =	vld.idx.msk [tilespmem:v10+s24+$0x0], $0xffff;
	v34 =	vadd.s32 v53, v34  }
0x25a: {  	v48 =	vld.idx.msk [tilespmem:v10+s25+$0x0], $0xffff;
	v34 =	vadd.s32 v55, v34;
	v33 =	vadd.f32 v54, v33  }
0x25b: {  	v49 =	vld.idx.msk [tilespmem:v11+s25+$0x0], $0xffff;
	v34 =	vadd.s32 v57, v34  }
0x25c: {  	v50 =	vld.idx.msk [tilespmem:v12+s25+$0x0], $0xffff;
	v34 =	vadd.s32 v59, v34;
	v33 =	vadd.f32 v56, v33  }
0x25d: {  	v51 =	vld.idx.msk [tilespmem:v13+s25+$0x0], $0xffff;
	v34 =	vadd.s32 v61, v34  }
0x25e: {  	v52 =	vld.idx.msk [tilespmem:v14+s25+$0x0], $0xffff;
	v34 =	vadd.s32 v63, v34;
	v33 =	vadd.f32 v58, v33  }
0x25f: {  	v53 =	vld.idx.msk [tilespmem:v15+s25+$0x0], $0xffff;
	v34 =	vadd.s32 v48, v34  }
0x260: {  	v54 =	vld.idx.msk [tilespmem:v16+s25+$0x0], $0xffff;
	v34 =	vadd.s32 v49, v34;
	v33 =	vadd.f32 v60, v33  }
0x261: {  	v55 =	vld.idx.msk [tilespmem:v11+s24+$0x0], $0xffff;
	v34 =	vadd.s32 v50, v34  }
0x262: {  	v34 =	vadd.s32 v51, v34;
	v33 =	vadd.f32 v62, v33  }
0x263: {  	v56 =	vld.idx.msk [tilespmem:v12+s24+$0x0], $0xffff;
	v34 =	vadd.s32 v52, v34  }
0x264: {  	v34 =	vadd.s32 v53, v34;
	v33 =	vadd.f32 v47, v33  }
0x265: {  	v57 =	vld.idx.msk [tilespmem:v13+s24+$0x0], $0xffff;
	v34 =	vadd.s32 v54, v34  }
0x266: {  	v34 =	vcvt.s32.f32 v34;
	v33 =	vadd.f32 v55, v33  }
0x267: {  	v58 =	vld.idx.msk [tilespmem:v14+s24+$0x0], $0xffff  }
0x268: {  	(erf) = vrcp.f32 v34;
	v33 =	vadd.f32 v56, v33  }
0x269: {  	v59 =	vld.idx.msk [tilespmem:v15+s24+$0x0], $0xffff  }
0x26a: {  	v33 =	vadd.f32 v57, v33  }
0x26b: {  	v60 =	vld.idx.msk [tilespmem:v16+s24+$0x0], $0xffff  }
0x26c: {  	v33 =	vadd.f32 v58, v33;
	_ =	sdelay $0x1  }
0x26d: {  	v33 =	vadd.f32 v59, v33;
	_ =	sdelay $0x1  }
0x26e: {  	v33 =	vadd.f32 v60, v33  }
0x26f: {  	v61 =	vpop (erf)  }
0x270: {  	v33 =	vmul.f32 v61, v33;
	_ =	sdelay $0x1  }
0x271: {  	[tilespmem:s20+$0x15B00] =	vst v33  }
0x272: {  	v33 =	vld.idx.msk [tilespmem:v17+s24+$0x0], $0xffff  }
0x273: {  	v62 =	vld.idx.msk [tilespmem:v17+s25+$0x0], $0xffff  }
0x274: {  	v63 =	vld.idx.msk [tilespmem:v18+s24+$0x0], $0xffff  }
0x275: {  	v48 =	vld.idx.msk [tilespmem:v18+s25+$0x0], $0xffff  }
0x276: {  	v49 =	vld.idx.msk [tilespmem:v19+s24+$0x0], $0xffff  }
0x277: {  	v50 =	vld.idx.msk [tilespmem:v19+s25+$0x0], $0xffff  }
0x278: {  	v51 =	vld.idx.msk [tilespmem:v20+s24+$0x0], $0xffff  }
0x279: {  	v52 =	vld.idx.msk [tilespmem:v20+s25+$0x0], $0xffff  }
0x27a: {  	v53 =	vld.idx.msk [tilespmem:v21+s24+$0x0], $0xffff  }
0x27b: {  	v54 =	vld.idx.msk [tilespmem:v21+s25+$0x0], $0xffff  }
0x27c: {  	v55 =	vld.idx.msk [tilespmem:v22+s24+$0x0], $0xffff  }
0x27d: {  	v56 =	vld.idx.msk [tilespmem:v22+s25+$0x0], $0xffff;
	v33 =	vadd.f32 $0.0e+00, v33  }
0x27e: {  	v57 =	vld.idx.msk [tilespmem:v23+s24+$0x0], $0xffff  }
0x27f: {  	v58 =	vld.idx.msk [tilespmem:v23+s25+$0x0], $0xffff;
	v33 =	vadd.f32 v63, v33  }
0x280: {  	v59 =	vld.idx.msk [tilespmem:v24+s24+$0x0], $0xffff  }
0x281: {  	v60 =	vld.idx.msk [tilespmem:v24+s25+$0x0], $0xffff;
	v33 =	vadd.f32 v49, v33  }
0x282: {  	v61 =	vld.idx.msk [tilespmem:v25+s24+$0x0], $0xffff;
	v34 =	vadd.s32 v62, v48  }
0x283: {  	v47 =	vld.idx.msk [tilespmem:v26+s25+$0x0], $0xffff;
	v34 =	vadd.s32 v50, v34;
	v33 =	vadd.f32 v51, v33  }
0x284: {  	v62 =	vld.idx.msk [tilespmem:v25+s25+$0x0], $0xffff;
	v34 =	vadd.s32 v52, v34  }
0x285: {  	v48 =	vld.idx.msk [tilespmem:v27+s25+$0x0], $0xffff;
	v34 =	vadd.s32 v54, v34;
	v33 =	vadd.f32 v53, v33  }
0x286: {  	v50 =	vld.idx.msk [tilespmem:v29+s25+$0x0], $0xffff;
	v34 =	vadd.s32 v56, v34  }
0x287: {  	v49 =	vld.idx.msk [tilespmem:v28+s25+$0x0], $0xffff;
	v34 =	vadd.s32 v58, v34;
	v33 =	vadd.f32 v55, v33  }
0x288: {  	v63 =	vld.idx.msk [tilespmem:v26+s24+$0x0], $0xffff;
	v34 =	vadd.s32 v60, v34  }
0x289: {  	v51 =	vld.idx.msk [tilespmem:v30+s25+$0x0], $0xffff;
	v34 =	vadd.s32 v62, v34;
	v33 =	vadd.f32 v57, v33  }
0x28a: {  	v52 =	vld.idx.msk [tilespmem:v31+s25+$0x0], $0xffff;
	v34 =	vadd.s32 v47, v34  }
0x28b: {  	v53 =	vld.idx.msk [tilespmem:v32+s25+$0x0], $0xffff;
	v34 =	vadd.s32 v48, v34;
	v33 =	vadd.f32 v59, v33  }
0x28c: {  	v54 =	vld.idx.msk [tilespmem:v27+s24+$0x0], $0xffff;
	v34 =	vadd.s32 v49, v34  }
0x28d: {  	v34 =	vadd.s32 v50, v34;
	v33 =	vadd.f32 v61, v33  }
0x28e: {  	v55 =	vld.idx.msk [tilespmem:v28+s24+$0x0], $0xffff;
	v34 =	vadd.s32 v51, v34  }
0x28f: {  	v34 =	vadd.s32 v52, v34;
	v33 =	vadd.f32 v63, v33  }
0x290: {  	v56 =	vld.idx.msk [tilespmem:v29+s24+$0x0], $0xffff;
	v34 =	vadd.s32 v53, v34  }
0x291: {  	v34 =	vcvt.s32.f32 v34;
	v33 =	vadd.f32 v54, v33  }
0x292: {  	v57 =	vld.idx.msk [tilespmem:v30+s24+$0x0], $0xffff  }
0x293: {  	(erf) = vrcp.f32 v34;
	v33 =	vadd.f32 v55, v33  }
0x294: {  	v58 =	vld.idx.msk [tilespmem:v31+s24+$0x0], $0xffff  }
0x295: {  	v33 =	vadd.f32 v56, v33  }
0x296: {  	v59 =	vld.idx.msk [tilespmem:v32+s24+$0x0], $0xffff  }
0x297: {  	v33 =	vadd.f32 v57, v33;
	_ =	sdelay $0x1  }
0x298: {  	v33 =	vadd.f32 v58, v33;
	_ =	sdelay $0x1  }
0x299: {  	v33 =	vadd.f32 v59, v33  }
0x29a: {  	v60 =	vpop (erf)  }
0x29b: {  	v33 =	vmul.f32 v60, v33  }
0x29c: {  	p2 =	seq.s32 s15, $0xF  }
0x29d: {  	s5 =	sadd.s32 @!p2 s20, s11;
	[tilespmem:s20+$0x15B10] =	vst v33  }
0x29e: {  	s5 =	smul.u32 @!p2 $0x19, s5;
	_ =	swait.ge [sflag:s26], $0x1900  }
0x29f: {  	s6 =	simm.s32 @!p2 $0x0;
	[sflag:s26] =	ssyncset.done $0x0  }
0x2a0: {  	s9 =	simm.s32 @!p2 $0xF500;
	s5 =	sadd.s32 @!p2 s3, s5;
	[sflag:s26] =	ssyncadd.s32 $0xFFFFE700  }
0x2a1: {  	[tilespmem:s9], [sflag:$0x3] =	stream.linear.gather @!p2 [hbm4b:s5+s6], $0x1900, $0x38;
	[tilespmem:$0x16380] =	vst v63  }
0x2a2: {  	s5 =	simm.s32 @!p2 $0x3  }
0x2a3: {  	_ =	swait.ge @!p2 [sflag:s5], $0x1900  }
0x2a4: {  	[sflag:s5] =	ssyncset.done @!p2 $0x0  }
0x2a5: {  	s6 =	simm.s32 @!p2 $0x12800;
	[sflag:s5] =	ssyncadd.s32 @!p2 $0xFFFFE700;
	s5 =	simm.s32 @!p2 $0x1900  }
0x2a6: {  	[tilespmem:s6], [sflag:$0x1] =	stream.indirect.gather @!p2 [spmem:s1], $0x1, s9, s5, $0xb8;
	[tilespmem:$0x16380] =	vst v63  }
0x2a7: {  	s5 =	simm.s32 $0x141E0  }
0x2a8: {  	s6 =	simm.s32 $0x10EE0;
	v33 =	vld [tilespmem:s5+$0x60]  }
0x2a9: {  	v61 =	vld [tilespmem:s6+$0x50]  }
0x2aa: {  	v62 =	vld [tilespmem:s5+$0xFFFFFFA0]  }
0x2ab: {  	s12 =	simm.s32 $0x0;
	v63 =	vld [tilespmem:s6+$0x40]  }
0x2ac: {  	s9 =	sand.u32 $0x1FF8, s12;
	v47 =	vld [tilespmem:s5+$0xFFFFFFB0]  }
0x2ad: {  	v48 =	vld [tilespmem:s9+$0x10F00]  }
0x2ae: {  	v49 =	vld [tilespmem:s5+$0xFFFFFFC0]  }
0x2af: {  	v50 =	vld [tilespmem:s5+$0x0];
	v35 =	vadd.f32 $0.0e+00, v62  }
0x2b0: {  	v51 =	vld [tilespmem:s5+$0xFFFFFFD0]  }
0x2b1: {  	v52 =	vld [tilespmem:s5+$0xFFFFFFF0];
	v35 =	vadd.f32 v47, v35  }
0x2b2: {  	v53 =	vld [tilespmem:s5+$0xFFFFFFE0]  }
0x2b3: {  	v54 =	vld [tilespmem:s6+$0x0];
	v35 =	vadd.f32 v49, v35  }
0x2b4: {  	v56 =	vld [tilespmem:s6+$0xFFFFFFC0]  }
0x2b5: {  	v57 =	vld [tilespmem:s6+$0xFFFFFFA0];
	v35 =	vadd.f32 v51, v35  }
0x2b6: {  	v58 =	vld [tilespmem:s6+$0xFFFFFFB0]  }
0x2b7: {  	v60 =	vld [tilespmem:s6+$0xFFFFFFD0];
	v35 =	vadd.f32 v53, v35  }
0x2b8: {  	v59 =	vld [tilespmem:s5+$0x10]  }
0x2b9: {  	v55 =	vld [tilespmem:s6+$0xFFFFFFE0];
	vm3 =	veq.s32 v61, $0x1;
	v33 =	vnsel vm0, $0x0, v33;
	v35 =	vadd.f32 v52, v35  }
0x2ba: {  	v61 =	vld [tilespmem:s9+$0x14200];
	vm2 =	veq.s32 v48, $0x1;
	vm1 =	veq.s32 v63, $0x1;
	vm11 =	veq.s32 v54, $0x1  }
0x2bb: {  	v62 =	vld [tilespmem:s6+$0xFFFFFFF0];
	vm12 =	veq.s32 v57, $0x1;
	vm13 =	veq.s32 v58, $0x1;
	v35 =	vadd.f32 v50, v35  }
0x2bc: {  	vm14 =	veq.s32 v56, $0x1;
	v63 =	vld [tilespmem:s5+$0x30];
	vm15 =	veq.s32 v60, $0x1;
	v36 =	vsel vm3, $0x1, v1  }
0x2bd: {  	v44 =	vsel vm12, $0x1, v1;
	v45 =	vsel vm13, $0x1, v1;
	v47 =	vld [tilespmem:s6+$0x10];
	v35 =	vadd.f32 v59, v35  }
0x2be: {  	vm3 =	veq.s32 v55, $0x1;
	v48 =	vsel vm14, $0x1, v1;
	v39 =	vadd.s32 v44, v45;
	v49 =	vld [tilespmem:s5+$0x40]  }
0x2bf: {  	v39 =	vadd.s32 v48, v39;
	v51 =	vld [tilespmem:s6+$0x30];
	v50 =	vsel vm15, $0x1, v1;
	v34 =	vadd.f32 v61, v35  }
0x2c0: {  	v53 =	vld [tilespmem:s5+$0x50];
	v52 =	vsel vm3, $0x1, v1;
	vm3 =	veq.s32 v62, $0x1;
	v39 =	vadd.s32 v50, v39  }
0x2c1: {  	v55 =	vld [tilespmem:s6+$0x60];
	v54 =	vsel vm3, $0x1, v1;
	v39 =	vadd.s32 v52, v39;
	v34 =	vadd.f32 v63, v34  }
0x2c2: {  	v56 =	vsel vm11, $0x1, v1;
	vm3 =	veq.s32 v47, $0x1;
	v39 =	vadd.s32 v54, v39  }
0x2c3: {  	v57 =	vsel vm3, $0x1, v1;
	v39 =	vadd.s32 v56, v39;
	v34 =	vadd.f32 v49, v34  }
0x2c4: {  	v58 =	vsel vm2, $0x1, v1;
	vm2 =	veq.s32 v51, $0x1;
	v39 =	vadd.s32 v57, v39  }
0x2c5: {  	v60 =	vsel vm2, $0x1, v1;
	v59 =	vadd.s32 v58, v39;
	v34 =	vadd.f32 v53, v34  }
0x2c6: {  	v61 =	vsel vm1, $0x1, v1;
	vm1 =	veq.s32 v55, $0x1;
	v35 =	vadd.s32 v60, v59  }
0x2c7: {  	vm1 =	vmand vm1, vm0;
	v35 =	vadd.s32 v61, v35;
	v33 =	vadd.f32 v33, v34  }
0x2c8: {  	s5 =	simm.s32 $0x15F80;
	v63 =	vsel vm1, $0x1, v1;
	v62 =	vadd.s32 v36, v35  }
0x2c9: {  	s6 =	simm.s32 $0x16180;
	v34 =	vadd.s32 v63, v62;
	[tilespmem:s5+$0x0] =	vst v33  }
0x2ca: {  	s29 =	simm.s32 $0x142A8;
	[tilespmem:s6+$0x0] =	vst v34  }
0x2cb: {  	s28 =	simm.s32 $0x10FA8;
	v33 =	vld [tilespmem:s29+$0x60]  }
0x2cc: {  	v35 =	vld [tilespmem:s28+$0x50]  }
0x2cd: {  	v36 =	vld [tilespmem:s29+$0xFFFFFFA0]  }
0x2ce: {  	s30 =	simm.s32 $0xC8;
	s9 =	simm.s32 $0x190;
	v34 =	vld [tilespmem:s28+$0x40]  }
.LBB2_6:
0x2cf: {  	p2 =	sne.s32 s9, $0x1838;
	v37 =	vld [tilespmem:s29+$0xFFFFFFB0];
	s12 =	sand.u32 $0x1FF8, s30;
	s30 =	smov.u32 s9  }
0x2d0: {  	v38 =	vld [tilespmem:s12+$0x10F00]  }
0x2d1: {  	v39 =	vld [tilespmem:s29+$0xFFFFFFC0]  }
0x2d2: {  	v36 =	vadd.f32 $0.0e+00, v36;
	v40 =	vld [tilespmem:s29+$0x0]  }
0x2d3: {  	v41 =	vld [tilespmem:s29+$0xFFFFFFD0]  }
0x2d4: {  	v36 =	vadd.f32 v37, v36;
	v37 =	vld [tilespmem:s29+$0xFFFFFFF0]  }
0x2d5: {  	v42 =	vld [tilespmem:s29+$0xFFFFFFE0]  }
0x2d6: {  	v36 =	vadd.f32 v39, v36;
	v39 =	vld [tilespmem:s28+$0x0]  }
0x2d7: {  	v43 =	vld [tilespmem:s28+$0xFFFFFFE0]  }
0x2d8: {  	v44 =	vld [tilespmem:s28+$0xFFFFFFC0];
	v36 =	vadd.f32 v41, v36  }
0x2d9: {  	v41 =	vld [tilespmem:s28+$0xFFFFFFA0]  }
0x2da: {  	v45 =	vld [tilespmem:s28+$0xFFFFFFB0];
	v36 =	vadd.f32 v42, v36  }
0x2db: {  	v42 =	vld [tilespmem:s29+$0x10]  }
0x2dc: {  	v33 =	vnsel vm0, $0x0, v33;
	vm3 =	veq.s32 v35, $0x1;
	v46 =	vld [tilespmem:s28+$0xFFFFFFD0];
	v36 =	vadd.f32 v37, v36  }
0x2dd: {  	vm1 =	veq.s32 v34, $0x1;
	v34 =	vsel vm3, $0x1, v1;
	vm2 =	veq.s32 v38, $0x1;
	v35 =	vld [tilespmem:s12+$0x14200]  }
0x2de: {  	vm3 =	veq.s32 v39, $0x1;
	vm4 =	veq.s32 v43, $0x1;
	v37 =	vld [tilespmem:s28+$0xFFFFFFF0];
	v36 =	vadd.f32 v40, v36  }
0x2df: {  	vm7 =	veq.s32 v44, $0x1;
	vm5 =	veq.s32 v41, $0x1;
	vm6 =	veq.s32 v45, $0x1;
	v38 =	vld [tilespmem:s29+$0x30]  }
0x2e0: {  	v39 =	vsel vm5, $0x1, v1;
	v40 =	vsel vm6, $0x1, v1;
	v36 =	vadd.f32 v42, v36;
	v41 =	vld [tilespmem:s28+$0x10]  }
0x2e1: {  	v39 =	vadd.s32 v39, v40;
	v40 =	vsel vm7, $0x1, v1;
	vm5 =	veq.s32 v46, $0x1;
	v42 =	vld [tilespmem:s29+$0x40]  }
0x2e2: {  	v39 =	vadd.s32 v40, v39;
	v40 =	vsel vm5, $0x1, v1;
	v35 =	vadd.f32 v35, v36;
	v36 =	vld [tilespmem:s28+$0x30]  }
0x2e3: {  	v39 =	vadd.s32 v40, v39;
	v40 =	vsel vm4, $0x1, v1;
	vm4 =	veq.s32 v37, $0x1;
	v37 =	vld [tilespmem:s29+$0x50]  }
0x2e4: {  	v39 =	vadd.s32 v40, v39;
	v40 =	vsel vm4, $0x1, v1;
	v35 =	vadd.f32 v38, v35;
	v38 =	vld [tilespmem:s28+$0x60]  }
0x2e5: {  	v39 =	vadd.s32 v40, v39;
	v40 =	vsel vm3, $0x1, v1;
	vm3 =	veq.s32 v41, $0x1  }
0x2e6: {  	v39 =	vadd.s32 v40, v39;
	v40 =	vsel vm3, $0x1, v1;
	v35 =	vadd.f32 v42, v35  }
0x2e7: {  	v39 =	vadd.s32 v40, v39;
	v40 =	vsel vm2, $0x1, v1;
	vm2 =	veq.s32 v36, $0x1  }
0x2e8: {  	v36 =	vadd.s32 v40, v39;
	v39 =	vsel vm2, $0x1, v1;
	v35 =	vadd.f32 v37, v35  }
0x2e9: {  	v37 =	vsel vm1, $0x1, v1;
	v36 =	vadd.s32 v39, v36;
	vm1 =	veq.s32 v38, $0x1  }
0x2ea: {  	v36 =	vadd.s32 v37, v36;
	v33 =	vadd.f32 v33, v35;
	vm1 =	vmand vm1, vm0  }
0x2eb: {  	s5 =	sadd.s32 $0x10, s5;
	v34 =	vadd.s32 v34, v36;
	v35 =	vsel vm1, $0x1, v1  }
0x2ec: {  	s6 =	sadd.s32 $0x10, s6;
	v34 =	vadd.s32 v35, v34;
	[tilespmem:s5+$0x0] =	vst v33  }
.Ltmp8:
0x2ed: {  	s29 =	sadd.s32 $0xC8, s29;
	[tilespmem:s6+$0x0] =	vst v34;
	(pc) =	sbr.rel @p2 .LBB2_6-.Ltmp8, $4  }
0x2ee: {  	s28 =	sadd.s32 $0xC8, s28;
	v33 =	vld [tilespmem:s29+$0x60]  }
0x2ef: {  	v35 =	vld [tilespmem:s28+$0x50]  }
0x2f0: {  	v36 =	vld [tilespmem:s29+$0xFFFFFFA0]  }
0x2f1: {  	s9 =	sadd.s32 $0xC8, s9;
	v34 =	vld [tilespmem:s28+$0x40]  }
0x2f2: {  	v37 =	vld [tilespmem:s29+$0xFFFFFFB0]  }
0x2f3: {  	v39 =	vld [tilespmem:s29+$0xFFFFFFC0]  }
0x2f4: {  	v40 =	vld [tilespmem:s29+$0x0]  }
0x2f5: {  	v41 =	vld [tilespmem:s29+$0xFFFFFFD0];
	v36 =	vadd.f32 $0.0e+00, v36  }
0x2f6: {  	v49 =	vld [tilespmem:s29+$0xFFFFFFF0]  }
0x2f7: {  	v42 =	vld [tilespmem:s29+$0xFFFFFFE0];
	v36 =	vadd.f32 v37, v36  }
0x2f8: {  	v50 =	vld [tilespmem:s28+$0x0]  }
0x2f9: {  	v43 =	vld [tilespmem:s28+$0xFFFFFFE0];
	v36 =	vadd.f32 v39, v36  }
0x2fa: {  	v44 =	vld [tilespmem:s28+$0xFFFFFFC0]  }
0x2fb: {  	v51 =	vld [tilespmem:s28+$0xFFFFFFA0];
	v36 =	vadd.f32 v41, v36  }
0x2fc: {  	v45 =	vld [tilespmem:s28+$0xFFFFFFB0]  }
0x2fd: {  	v46 =	vld [tilespmem:s28+$0xFFFFFFD0];
	v36 =	vadd.f32 v42, v36  }
0x2fe: {  	s9 =	sand.u32 $0x1FF8, s30;
	v52 =	vld [tilespmem:s29+$0x10]  }
0x2ff: {  	v38 =	vld [tilespmem:s9+$0x10F00];
	v33 =	vnsel vm0, $0x0, v33;
	vm3 =	veq.s32 v35, $0x1;
	v36 =	vadd.f32 v49, v36  }
0x300: {  	v53 =	vld [tilespmem:s9+$0x14200];
	v54 =	vsel vm3, $0x1, v1;
	vm1 =	veq.s32 v34, $0x1;
	vm3 =	veq.s32 v43, $0x1  }
0x301: {  	v55 =	vld [tilespmem:s28+$0xFFFFFFF0];
	vm4 =	veq.s32 v50, $0x1;
	vm5 =	veq.s32 v51, $0x1;
	v36 =	vadd.f32 v40, v36  }
0x302: {  	v56 =	vld [tilespmem:s29+$0x30];
	vm6 =	veq.s32 v45, $0x1;
	vm7 =	veq.s32 v44, $0x1;
	vm15 =	veq.s32 v46, $0x1  }
0x303: {  	v59 =	vld [tilespmem:s28+$0x10];
	v57 =	vsel vm5, $0x1, v1;
	v58 =	vsel vm6, $0x1, v1;
	v36 =	vadd.f32 v52, v36  }
0x304: {  	v61 =	vld [tilespmem:s29+$0x40];
	vm2 =	veq.s32 v38, $0x1;
	v60 =	vsel vm7, $0x1, v1;
	v39 =	vadd.s32 v57, v58  }
0x305: {  	v63 =	vld [tilespmem:s28+$0x30];
	v62 =	vsel vm15, $0x1, v1;
	v39 =	vadd.s32 v60, v39;
	v35 =	vadd.f32 v53, v36  }
0x306: {  	v45 =	vld [tilespmem:s29+$0x50];
	v44 =	vsel vm3, $0x1, v1;
	vm3 =	veq.s32 v55, $0x1;
	v39 =	vadd.s32 v62, v39  }
0x307: {  	v47 =	vld [tilespmem:s28+$0x60];
	v46 =	vsel vm3, $0x1, v1;
	v39 =	vadd.s32 v44, v39;
	v35 =	vadd.f32 v56, v35  }
0x308: {  	v48 =	vsel vm4, $0x1, v1;
	vm3 =	veq.s32 v59, $0x1;
	v39 =	vadd.s32 v46, v39  }
0x309: {  	v39 =	vadd.s32 v48, v39;
	v49 =	vsel vm3, $0x1, v1;
	v35 =	vadd.f32 v61, v35  }
0x30a: {  	v50 =	vsel vm2, $0x1, v1;
	vm2 =	veq.s32 v63, $0x1;
	v39 =	vadd.s32 v49, v39  }
0x30b: {  	v51 =	vadd.s32 v50, v39;
	v52 =	vsel vm2, $0x1, v1;
	v35 =	vadd.f32 v45, v35  }
0x30c: {  	v36 =	vadd.s32 v52, v51;
	v53 =	vsel vm1, $0x1, v1;
	vm1 =	veq.s32 v47, $0x1  }
0x30d: {  	v36 =	vadd.s32 v53, v36;
	vm1 =	vmand vm1, vm0;
	v33 =	vadd.f32 v33, v35  }
0x30e: {  	s5 =	sadd.s32 $0x10, s5;
	v34 =	vadd.s32 v54, v36;
	v54 =	vsel vm1, $0x1, v1  }
0x30f: {  	s30 =	sadd.s32 $0x10, s6;
	v34 =	vadd.s32 v54, v34;
	[tilespmem:s5+$0x0] =	vst v33  }
0x310: {  	[tilespmem:s30+$0x0] =	vst v34  }
0x311: {  	v33 =	vld.idx.msk [tilespmem:v0+s24+$0x0], $0xffff  }
0x312: {  	v34 =	vld.idx.msk [tilespmem:v0+s25+$0x0], $0xffff  }
0x313: {  	v55 =	vld.idx.msk [tilespmem:v2+s24+$0x0], $0xffff  }
0x314: {  	v56 =	vld.idx.msk [tilespmem:v2+s25+$0x0], $0xffff  }
0x315: {  	v57 =	vld.idx.msk [tilespmem:v3+s24+$0x0], $0xffff  }
0x316: {  	v58 =	vld.idx.msk [tilespmem:v3+s25+$0x0], $0xffff  }
0x317: {  	v59 =	vld.idx.msk [tilespmem:v4+s24+$0x0], $0xffff  }
0x318: {  	v60 =	vld.idx.msk [tilespmem:v4+s25+$0x0], $0xffff  }
0x319: {  	v61 =	vld.idx.msk [tilespmem:v5+s24+$0x0], $0xffff  }
0x31a: {  	v62 =	vld.idx.msk [tilespmem:v5+s25+$0x0], $0xffff  }
0x31b: {  	v63 =	vld.idx.msk [tilespmem:v6+s24+$0x0], $0xffff  }
0x31c: {  	v48 =	vld.idx.msk [tilespmem:v6+s25+$0x0], $0xffff;
	v33 =	vadd.f32 $0.0e+00, v33  }
0x31d: {  	v49 =	vld.idx.msk [tilespmem:v7+s24+$0x0], $0xffff  }
0x31e: {  	v50 =	vld.idx.msk [tilespmem:v7+s25+$0x0], $0xffff;
	v33 =	vadd.f32 v55, v33  }
0x31f: {  	v51 =	vld.idx.msk [tilespmem:v8+s24+$0x0], $0xffff  }
0x320: {  	v52 =	vld.idx.msk [tilespmem:v8+s25+$0x0], $0xffff;
	v33 =	vadd.f32 v57, v33  }
0x321: {  	v53 =	vld.idx.msk [tilespmem:v9+s24+$0x0], $0xffff;
	v34 =	vadd.s32 v34, v56  }
0x322: {  	v54 =	vld.idx.msk [tilespmem:v9+s25+$0x0], $0xffff;
	v34 =	vadd.s32 v58, v34;
	v33 =	vadd.f32 v59, v33  }
0x323: {  	v56 =	vld.idx.msk [tilespmem:v10+s25+$0x0], $0xffff;
	v34 =	vadd.s32 v60, v34  }
0x324: {  	v58 =	vld.idx.msk [tilespmem:v12+s25+$0x0], $0xffff;
	v34 =	vadd.s32 v62, v34;
	v33 =	vadd.f32 v61, v33  }
0x325: {  	v34 =	vadd.s32 v48, v34;
	v57 =	vld.idx.msk [tilespmem:v11+s25+$0x0], $0xffff  }
0x326: {  	v55 =	vld.idx.msk [tilespmem:v10+s24+$0x0], $0xffff;
	v34 =	vadd.s32 v50, v34;
	v33 =	vadd.f32 v63, v33  }
0x327: {  	v34 =	vadd.s32 v52, v34;
	v59 =	vld.idx.msk [tilespmem:v13+s25+$0x0], $0xffff  }
0x328: {  	v60 =	vld.idx.msk [tilespmem:v14+s25+$0x0], $0xffff;
	v34 =	vadd.s32 v54, v34;
	v33 =	vadd.f32 v49, v33  }
0x329: {  	v34 =	vadd.s32 v56, v34;
	v61 =	vld.idx.msk [tilespmem:v15+s25+$0x0], $0xffff  }
0x32a: {  	v62 =	vld.idx.msk [tilespmem:v16+s25+$0x0], $0xffff;
	v34 =	vadd.s32 v57, v34;
	v33 =	vadd.f32 v51, v33  }
0x32b: {  	v63 =	vld.idx.msk [tilespmem:v11+s24+$0x0], $0xffff;
	v34 =	vadd.s32 v58, v34  }
0x32c: {  	v34 =	vadd.s32 v59, v34;
	v33 =	vadd.f32 v53, v33  }
0x32d: {  	v43 =	vld.idx.msk [tilespmem:v12+s24+$0x0], $0xffff;
	v34 =	vadd.s32 v60, v34  }
0x32e: {  	v34 =	vadd.s32 v61, v34;
	v33 =	vadd.f32 v55, v33  }
0x32f: {  	v44 =	vld.idx.msk [tilespmem:v13+s24+$0x0], $0xffff;
	v34 =	vadd.s32 v62, v34  }
0x330: {  	v34 =	vcvt.s32.f32 v34;
	v33 =	vadd.f32 v63, v33  }
0x331: {  	v45 =	vld.idx.msk [tilespmem:v14+s24+$0x0], $0xffff  }
0x332: {  	(erf) = vrcp.f32 v34;
	v33 =	vadd.f32 v43, v33  }
0x333: {  	v46 =	vld.idx.msk [tilespmem:v15+s24+$0x0], $0xffff  }
0x334: {  	v33 =	vadd.f32 v44, v33  }
0x335: {  	v47 =	vld.idx.msk [tilespmem:v16+s24+$0x0], $0xffff  }
0x336: {  	v33 =	vadd.f32 v45, v33;
	_ =	sdelay $0x1  }
0x337: {  	v33 =	vadd.f32 v46, v33;
	_ =	sdelay $0x1  }
0x338: {  	v33 =	vadd.f32 v47, v33  }
0x339: {  	v48 =	vpop (erf)  }
0x33a: {  	v33 =	vmul.f32 v48, v33;
	_ =	sdelay $0x1  }
0x33b: {  	[tilespmem:s2+$0x15B00] =	vst v33  }
0x33c: {  	v33 =	vld.idx.msk [tilespmem:v17+s24+$0x0], $0xffff  }
0x33d: {  	v49 =	vld.idx.msk [tilespmem:v17+s25+$0x0], $0xffff  }
0x33e: {  	v50 =	vld.idx.msk [tilespmem:v18+s24+$0x0], $0xffff  }
0x33f: {  	v51 =	vld.idx.msk [tilespmem:v18+s25+$0x0], $0xffff  }
0x340: {  	v52 =	vld.idx.msk [tilespmem:v19+s24+$0x0], $0xffff  }
0x341: {  	v53 =	vld.idx.msk [tilespmem:v19+s25+$0x0], $0xffff  }
0x342: {  	v54 =	vld.idx.msk [tilespmem:v20+s24+$0x0], $0xffff  }
0x343: {  	v55 =	vld.idx.msk [tilespmem:v20+s25+$0x0], $0xffff  }
0x344: {  	v56 =	vld.idx.msk [tilespmem:v21+s24+$0x0], $0xffff  }
0x345: {  	v57 =	vld.idx.msk [tilespmem:v21+s25+$0x0], $0xffff  }
0x346: {  	v58 =	vld.idx.msk [tilespmem:v22+s24+$0x0], $0xffff  }
0x347: {  	v59 =	vld.idx.msk [tilespmem:v22+s25+$0x0], $0xffff;
	v33 =	vadd.f32 $0.0e+00, v33  }
0x348: {  	v60 =	vld.idx.msk [tilespmem:v23+s24+$0x0], $0xffff  }
0x349: {  	v61 =	vld.idx.msk [tilespmem:v23+s25+$0x0], $0xffff;
	v33 =	vadd.f32 v50, v33  }
0x34a: {  	v62 =	vld.idx.msk [tilespmem:v24+s24+$0x0], $0xffff  }
0x34b: {  	v63 =	vld.idx.msk [tilespmem:v24+s25+$0x0], $0xffff;
	v33 =	vadd.f32 v52, v33  }
0x34c: {  	v47 =	vld.idx.msk [tilespmem:v25+s24+$0x0], $0xffff;
	v34 =	vadd.s32 v49, v51  }
0x34d: {  	v48 =	vld.idx.msk [tilespmem:v25+s25+$0x0], $0xffff;
	v34 =	vadd.s32 v53, v34;
	v33 =	vadd.f32 v54, v33  }
0x34e: {  	v49 =	vld.idx.msk [tilespmem:v26+s24+$0x0], $0xffff;
	v34 =	vadd.s32 v55, v34  }
0x34f: {  	v50 =	vld.idx.msk [tilespmem:v26+s25+$0x0], $0xffff;
	v34 =	vadd.s32 v57, v34;
	v33 =	vadd.f32 v56, v33  }
0x350: {  	v51 =	vld.idx.msk [tilespmem:v27+s25+$0x0], $0xffff;
	v34 =	vadd.s32 v59, v34  }
0x351: {  	v52 =	vld.idx.msk [tilespmem:v28+s25+$0x0], $0xffff;
	v34 =	vadd.s32 v61, v34;
	v33 =	vadd.f32 v58, v33  }
0x352: {  	v53 =	vld.idx.msk [tilespmem:v29+s25+$0x0], $0xffff;
	v34 =	vadd.s32 v63, v34  }
0x353: {  	v54 =	vld.idx.msk [tilespmem:v30+s25+$0x0], $0xffff;
	v34 =	vadd.s32 v48, v34;
	v33 =	vadd.f32 v60, v33  }
0x354: {  	v55 =	vld.idx.msk [tilespmem:v31+s25+$0x0], $0xffff;
	v34 =	vadd.s32 v50, v34  }
0x355: {  	v56 =	vld.idx.msk [tilespmem:v32+s25+$0x0], $0xffff;
	v34 =	vadd.s32 v51, v34;
	v33 =	vadd.f32 v62, v33  }
0x356: {  	v57 =	vld.idx.msk [tilespmem:v27+s24+$0x0], $0xffff;
	v34 =	vadd.s32 v52, v34  }
0x357: {  	v34 =	vadd.s32 v53, v34;
	v33 =	vadd.f32 v47, v33  }
0x358: {  	v58 =	vld.idx.msk [tilespmem:v28+s24+$0x0], $0xffff;
	v34 =	vadd.s32 v54, v34  }
0x359: {  	v34 =	vadd.s32 v55, v34;
	v33 =	vadd.f32 v49, v33  }
0x35a: {  	v59 =	vld.idx.msk [tilespmem:v29+s24+$0x0], $0xffff;
	v34 =	vadd.s32 v56, v34  }
0x35b: {  	v34 =	vcvt.s32.f32 v34;
	v33 =	vadd.f32 v57, v33  }
0x35c: {  	v60 =	vld.idx.msk [tilespmem:v30+s24+$0x0], $0xffff  }
0x35d: {  	(erf) = vrcp.f32 v34;
	v33 =	vadd.f32 v58, v33  }
0x35e: {  	v61 =	vld.idx.msk [tilespmem:v31+s24+$0x0], $0xffff  }
0x35f: {  	v33 =	vadd.f32 v59, v33  }
0x360: {  	v62 =	vld.idx.msk [tilespmem:v32+s24+$0x0], $0xffff  }
0x361: {  	v33 =	vadd.f32 v60, v33;
	_ =	sdelay $0x1  }
0x362: {  	s15 =	sadd.s32 $0x1, s15;
	v33 =	vadd.f32 v61, v33  }
0x363: {  	p2 =	seq.s32 s15, $0x10  }
.Ltmp9:
0x364: {  	v33 =	vadd.f32 v62, v33;
	(pc) =	sbr.rel @!p2 .LBB2_3-.Ltmp9, $3  }
0x365: {  	v63 =	vpop (erf)  }
0x366: {  	v33 =	vmul.f32 v63, v33;
	_ =	sdelay $0x1  }
0x367: {  	[tilespmem:s20+$0x15B30] =	vst v33  }
.Ltmp10:
0x368: {  	(pc) =	sbr.rel .LBB2_16-.Ltmp10, $2  }
0x369: {  	_ =	sdelay $0x2  }
0x36a: {  	s0 =	smov.u32 s10  }
.LBB2_17:
0x36b: {  	_ =	sfence.sel $0x180000  }
0x36c: {  	[bflag:$0x0] =	sbarrier.arrive $0xFFFF  }
0x36d: {  	_ =	strace $0x90000047  }
0x36e: {  	[bflag:$0x2] =	sbarrier.arrive $0xFFFF  }
0x36f: {  	s0 =	rddreg [dreg:$0x2]  }
0x370: {  	s0 =	sadd.s32 @!p1 $0x100000, s0  }
0x371: {  	[sflag:s0] =	ssyncadd.tile.s32 @!p1 $0x1;
	_ =	shalt  }
.Lfunc_end2:
_tile_overlayer_lowered:
.L_overlay_start_2:
0x372: {  	(tag) =	ssettag $0x2  }
0x373: {  	s0 =	rddreg [dreg:$0x0];
	s2 =	stileid.u32  }
0x374: {  	s1 =	rddreg [dreg:$0x1];
	p0 =	sne.s32 s2, $0x0  }
0x375: {  	s3 =	rddreg [dreg:$0x2];
	[bflag:$0x3] =	sbarrier.arrive $0xFFFF;
	s2 =	simm.s32 @!p0 $0x1C03  }
0x376: {  	[timem:s3], [sflag:s2] =	dma.local @!p0 [hbm:s0], s1  }
0x377: {  	s0 =	simm.s32 @!p0 $0x3  }
0x378: {  	_ =	swait.ge @!p0 [sflag:s0], s1  }
0x379: {  	s1 =	ssub.s32 @!p0 $0x0, s1;
	[sflag:s0] =	ssyncset.done @!p0 $0x0  }
0x37a: {  	[sflag:s0] =	ssyncadd.s32 @!p0 s1  }
0x37b: {  	[bflag:$0x3] =	sbarrier.arrive $0xFFFF  }
0x37c: {  	_ =	shalt  }

</sc_bundles>
